<compile_context>
chip_gen: v7x
topology: tpu7x:2x2x1
jax: 0.10.2.dev20260603
libtpu: 0.0.44.dev20260713+nightly
codegen_flags: <defaults>
</compile_context>

<pallas_src>
import functools

import jax
import jax.numpy as jnp
from jax import lax
from jax.experimental import pallas as pl
from jax.experimental.pallas import tpu as pltpu
from jax.experimental.pallas import tpu_sc as plsc

N_NODES = 10000
D = 128
N_EDGES = 320000

NC = 2
NS = 16
N_TILES = NC * NS
CHUNK = 64
N_CHUNKS = 160
EPT_PAD = N_CHUNKS * CHUNK
E_PAD = EPT_PAD * N_TILES
ROWS_PER_TILE = 640
N_STAGE = 10
N_PAD = ROWS_PER_TILE * NS
TRASH_ROW = N_NODES
DEG_W = 16


def _agg_body(p_hbm, src_hbm, dst_hbm, zfeat,
              acc_out, acc_sh, src_b, dst_b, rows_b, sem, sem2):
    c = lax.axis_index("c")
    s = lax.axis_index("s")
    g = c * NS + s
    r0 = s * ROWS_PER_TILE

    pltpu.sync_copy(zfeat.at[pl.ds(pl.multiple_of(r0, CHUNK), CHUNK)],
                    rows_b.at[0])

    def zinit(k, carry):
        rk = pl.multiple_of(r0 + k * CHUNK, CHUNK)
        pltpu.async_copy(rows_b.at[0], acc_sh.at[pl.ds(rk, CHUNK)],
                         sem2.at[0])
        return carry

    lax.fori_loop(0, N_STAGE, zinit, 0)

    def zdrain(k, carry):
        pltpu.make_async_copy(rows_b.at[0],
                              acc_sh.at[pl.ds(pl.multiple_of(r0, CHUNK),
                                              CHUNK)], sem2.at[0]).wait()
        return carry

    lax.fori_loop(0, N_STAGE, zdrain, 0)
    plsc.subcore_barrier()
    base = g * EPT_PAD

    pltpu.sync_copy(src_hbm.at[pl.ds(pl.multiple_of(base, CHUNK), CHUNK)],
                    src_b.at[0])
    pltpu.async_copy(p_hbm.at[src_b.at[0]], rows_b.at[0], sem.at[0])

    def body(i, carry):
        j = lax.rem(i, 3)
        jn = lax.rem(i + 1, 3)

        @pl.when(i >= 2)
        def _drain_scatter():
            pltpu.make_async_copy(rows_b.at[jn], acc_sh.at[dst_b.at[jn]],
                                  sem2.at[jn]).wait()

        @pl.when(i < N_CHUNKS - 1)
        def _prefetch():
            off = pl.multiple_of(base + (i + 1) * CHUNK, CHUNK)
            pltpu.sync_copy(src_hbm.at[pl.ds(off, CHUNK)], src_b.at[jn])
            pltpu.async_copy(p_hbm.at[src_b.at[jn]], rows_b.at[jn], sem.at[jn])

        off_d = pl.multiple_of(base + i * CHUNK, CHUNK)
        pltpu.sync_copy(dst_hbm.at[pl.ds(off_d, CHUNK)], dst_b.at[j])
        pltpu.make_async_copy(p_hbm.at[src_b.at[j]], rows_b.at[j], sem.at[j]).wait()
        pltpu.async_copy(rows_b.at[j], acc_sh.at[dst_b.at[j]], sem2.at[j], add=True)
        return carry

    lax.fori_loop(0, N_CHUNKS, body, 0)
    last = lax.rem(N_CHUNKS - 1, 3)
    prev = lax.rem(N_CHUNKS - 2, 3)
    pltpu.make_async_copy(rows_b.at[last], acc_sh.at[dst_b.at[last]],
                          sem2.at[last]).wait()
    pltpu.make_async_copy(rows_b.at[prev], acc_sh.at[dst_b.at[prev]],
                          sem2.at[prev]).wait()
    plsc.subcore_barrier()

    def wout(k, carry):
        j = lax.rem(k, 3)

        @pl.when(k >= 3)
        def _drain():
            pltpu.make_async_copy(rows_b.at[j],
                                  acc_out.at[c, pl.ds(0, CHUNK)],
                                  sem.at[j]).wait()

        rk = pl.multiple_of(r0 + k * CHUNK, CHUNK)
        pltpu.sync_copy(acc_sh.at[pl.ds(rk, CHUNK)], rows_b.at[j])
        pltpu.async_copy(rows_b.at[j], acc_out.at[c, pl.ds(rk, CHUNK)],
                         sem.at[j])
        return carry

    lax.fori_loop(0, N_STAGE, wout, 0)

    def wdrain(j, carry):
        pltpu.make_async_copy(rows_b.at[j], acc_out.at[c, pl.ds(0, CHUNK)],
                              sem.at[j]).wait()
        return carry

    lax.fori_loop(0, 3, wdrain, 0)


DCH = 128
DN_CHUNKS = EPT_PAD // DCH
DN_STAGE = ROWS_PER_TILE // DCH


def _deg_body(dst_hbm, zfeat, ones_h, deg_out, deg_sh, dst_b, ones_v, sem):
    c = lax.axis_index("c")
    s = lax.axis_index("s")
    g = c * NS + s
    r0 = s * ROWS_PER_TILE

    def zinit(k, carry):
        rk = pl.multiple_of(r0 + k * DCH, DCH)
        pltpu.sync_copy(zfeat.at[pl.ds(rk, DCH)], ones_v)
        pltpu.sync_copy(ones_v, deg_sh.at[pl.ds(rk, DCH)])
        return carry

    lax.fori_loop(0, DN_STAGE, zinit, 0)
    pltpu.sync_copy(ones_h, ones_v)
    plsc.subcore_barrier()
    base = g * EPT_PAD

    def body(i, carry):
        j = lax.rem(i, 3)

        @pl.when(i >= 3)
        def _drain():
            pltpu.make_async_copy(ones_v, deg_sh.at[dst_b.at[j]],
                                  sem.at[j]).wait()

        off = pl.multiple_of(base + i * DCH, DCH)
        pltpu.sync_copy(dst_hbm.at[pl.ds(off, DCH)], dst_b.at[j])
        pltpu.async_copy(ones_v, deg_sh.at[dst_b.at[j]], sem.at[j], add=True)
        return carry

    lax.fori_loop(0, DN_CHUNKS, body, 0)

    def drain(j, carry):
        pltpu.make_async_copy(ones_v, deg_sh.at[dst_b.at[j]],
                              sem.at[j]).wait()
        return carry

    lax.fori_loop(0, 3, drain, 0)
    plsc.subcore_barrier()

    def wout(k, carry):
        rk = pl.multiple_of(r0 + k * DCH, DCH)
        pltpu.sync_copy(deg_sh.at[pl.ds(rk, DCH)], ones_v)
        pltpu.sync_copy(ones_v, deg_out.at[c, pl.ds(rk, DCH)])
        return carry

    lax.fori_loop(0, DN_STAGE, wout, 0)


_MESH = plsc.VectorSubcoreMesh(core_axis_name="c", subcore_axis_name="s")

_agg = pl.kernel(
    _agg_body,
    out_type=[jax.ShapeDtypeStruct((NC, N_PAD, D), jnp.float32)],
    mesh=_MESH,
    scratch_types=[
        pltpu.VMEM_SHARED((N_PAD, D), jnp.float32),
        pltpu.VMEM((3, CHUNK), jnp.int32),
        pltpu.VMEM((3, CHUNK), jnp.int32),
        pltpu.VMEM((3, CHUNK, D), jnp.float32),
        pltpu.SemaphoreType.DMA((3,)),
        pltpu.SemaphoreType.DMA((3,)),
    ],
)

_deg_count = pl.kernel(
    _deg_body,
    out_type=[jax.ShapeDtypeStruct((NC, N_PAD, D), jnp.float32)],
    mesh=_MESH,
    scratch_types=[
        pltpu.VMEM_SHARED((N_PAD, D), jnp.float32),
        pltpu.VMEM((3, DCH), jnp.int32),
        pltpu.VMEM((DCH, D), jnp.float32),
        pltpu.SemaphoreType.DMA((3,)),
    ],
)



BLK = 1000


def _lin2_body(x_ref, wn_ref, ws_ref, b_ref, p_ref, s_ref):
    xv = x_ref[...]
    p_ref[...] = jnp.dot(xv, wn_ref[...], preferred_element_type=jnp.float32)
    s_ref[...] = (jnp.dot(xv, ws_ref[...], preferred_element_type=jnp.float32)
                  + b_ref[...])


def _combine_lin2_body(a0, a1, d0, d1, s_in, wn, ws, b, p_ref, s_ref):
    deg = d0[:, 0:1] + d1[:, 0:1]
    inv = 1.0 / jnp.maximum(deg, 1.0)
    h = jnp.maximum((a0[...] + a1[...]) * inv + s_in[...], 0.0)
    p_ref[...] = jnp.dot(h, wn[...], preferred_element_type=jnp.float32)
    s_ref[...] = (jnp.dot(h, ws[...], preferred_element_type=jnp.float32)
                  + b[...])


def _combine_fc_body(a0, a1, d0, d1, s_in, wfc, bfc, o_ref):
    deg = d0[:, 0:1] + d1[:, 0:1]
    inv = 1.0 / jnp.maximum(deg, 1.0)
    h = jnp.maximum((a0[...] + a1[...]) * inv + s_in[...], 0.0)
    o_ref[...] = (jnp.dot(h, wfc[...], preferred_element_type=jnp.float32)
                  + bfc[...])


def _row_spec(w=D):
    return pl.BlockSpec((BLK, w), lambda i: (i, 0))


def _w_spec():
    return pl.BlockSpec((D, D), lambda i: (0, 0))


def _b_spec():
    return pl.BlockSpec((1, D), lambda i: (0, 0))


_GRID = N_NODES // BLK

_lin2 = pl.pallas_call(
    _lin2_body,
    grid=(_GRID,),
    in_specs=[_row_spec(), _w_spec(), _w_spec(), _b_spec()],
    out_specs=[_row_spec(), _row_spec()],
    out_shape=[jax.ShapeDtypeStruct((N_NODES, D), jnp.float32)] * 2,
)

_combine_lin2 = pl.pallas_call(
    _combine_lin2_body,
    grid=(_GRID,),
    in_specs=[_row_spec(), _row_spec(), _row_spec(), _row_spec(),
              _row_spec(), _w_spec(), _w_spec(), _b_spec()],
    out_specs=[_row_spec(), _row_spec()],
    out_shape=[jax.ShapeDtypeStruct((N_NODES, D), jnp.float32)] * 2,
)

_combine_fc = pl.pallas_call(
    _combine_fc_body,
    grid=(_GRID,),
    in_specs=[_row_spec(), _row_spec(), _row_spec(), _row_spec(),
              _row_spec(), _w_spec(), _b_spec()],
    out_specs=_row_spec(),
    out_shape=jax.ShapeDtypeStruct((N_NODES, D), jnp.float32),
)


@jax.jit
def kernel(x, edge_index, W_n1, W_s1, b1, W_n2, W_s2, b2, W_fc, b_fc):
    pad_src = jnp.zeros((E_PAD - N_EDGES,), jnp.int32)
    pad_dst = jnp.full((E_PAD - N_EDGES,), TRASH_ROW, jnp.int32)
    src = jnp.concatenate([edge_index[0], pad_src])
    dst = jnp.concatenate([edge_index[1], pad_dst])
    zfeat = jnp.zeros((N_PAD, D), jnp.float32)
    ones_h = jnp.ones((DCH, D), jnp.float32)
    b1r = b1.reshape(1, D)
    b2r = b2.reshape(1, D)
    bfr = b_fc.reshape(1, D)

    p1, s1 = _lin2(x, W_n1, W_s1, b1r)
    degp, = _deg_count(dst, zfeat, ones_h)
    p1 = p1 + jnp.minimum(degp[0, :N_NODES], 0.0)
    acc1, = _agg(p1, src, dst, zfeat)
    p2, s2 = _combine_lin2(acc1[0], acc1[1], degp[0], degp[1], s1,
                           W_n2, W_s2, b2r)
    acc2, = _agg(p2, src, dst, zfeat)
    out = _combine_fc(acc2[0], acc2[1], degp[0], degp[1], s2, W_fc, bfr)
    return out

# --- scband reference (transcript-rebuilt; emitter-appended) ---
"""Pipeline reference for scband-graph-sage-34402688041309 (READ-ONLY COPY).

The authoritative reference and input builder live on the scoring server;
editing this copy changes nothing except your own understanding.
"""

import jax, jax.numpy as jnp
import numpy as np

N_NODES = 10000
D_IN = 128
D_HID = 128
D_OUT = 128
N_EDGES = 320000


def _glorot(key, shape):
    fan_in, fan_out = shape[0], shape[1]
    limit = jnp.sqrt(6.0 / (fan_in + fan_out))
    return jax.random.uniform(key, shape, dtype=jnp.float32, minval=-limit, maxval=limit)


def setup_inputs(seed: int = 0) -> dict:
    key = jax.random.key(seed)
    ks = jax.random.split(key, 12)
    x = jax.random.normal(ks[0], (N_NODES, D_IN), dtype=jnp.float32)
    edge_index = jax.random.randint(ks[1], (2, N_EDGES), 0, N_NODES, dtype=jnp.int64 if jax.config.jax_enable_x64 else jnp.int32).astype(jnp.int32)
    # SAGEConv layer 1 params (lin_l for aggregated neighbors, lin_r for self)
    W_n1 = _glorot(ks[2], (D_IN, D_HID))
    W_s1 = _glorot(ks[3], (D_IN, D_HID))
    b1 = jnp.zeros((D_HID,), dtype=jnp.float32)
    # SAGEConv layer 2 params
    W_n2 = _glorot(ks[4], (D_HID, D_HID))
    W_s2 = _glorot(ks[5], (D_HID, D_HID))
    b2 = jnp.zeros((D_HID,), dtype=jnp.float32)
    # Final fc
    W_fc = _glorot(ks[6], (D_HID, D_OUT))
    b_fc = jnp.zeros((D_OUT,), dtype=jnp.float32)
    return {"x": x, "edge_index": edge_index, "W_n1": W_n1, "W_s1": W_s1, "b1": b1,
            "W_n2": W_n2, "W_s2": W_s2, "b2": b2, "W_fc": W_fc, "b_fc": b_fc}


def _sage_conv(x, edge_index, W_n, W_s, b):
    src = edge_index[0]
    dst = edge_index[1]
    msg = jnp.take(x, src, axis=0)                                   # gather
    agg = jax.ops.segment_sum(msg, dst, num_segments=N_NODES)        # scatter-add
    deg = jax.ops.segment_sum(jnp.ones((edge_index.shape[1],), dtype=x.dtype), dst, num_segments=N_NODES)
    mean = agg / jnp.clip(deg, 1.0, None)[:, None]                   # mean aggregation
    return mean @ W_n + x @ W_s + b


def reference(x, edge_index, W_n1, W_s1, b1, W_n2, W_s2, b2, W_fc, b_fc):
    # Layer 1 (dropout_prob=0.0 / eval mode -> dropout is identity)
    h = _sage_conv(x, edge_index, W_n1, W_s1, b1)
    h = jax.nn.relu(h)
    # Layer 2
    h = _sage_conv(h, edge_index, W_n2, W_s2, b2)
    h = jax.nn.relu(h)
    # Final linear head
    return h @ W_fc + b_fc

if __name__ == "__main__":
    import jax
    _d = setup_inputs()
    print(jax.jit(kernel)(*tuple(_d.values())))

</pallas_src>

<mosaic_0001>
#map = affine_map<(d0, d1) -> (0, 0)>
#map1 = affine_map<(d0, d1) -> (0)>
#map2 = affine_map<(d0, d1) -> (0, 0, 0)>
module attributes {stable_mosaic.version = 14 : i64} {
  func.func @_agg_body(%arg0: i32, %arg1: i32, %arg2: memref<10000x128xf32, #tpu.memory_space<hbm>>, %arg3: memref<327680xi32, #tpu.memory_space<hbm>>, %arg4: memref<327680xi32, #tpu.memory_space<hbm>>, %arg5: memref<10240x128xf32, #tpu.memory_space<hbm>>, %arg6: memref<2x10240x128xf32, #tpu.memory_space<hbm>>, %arg7: memref<10240x128xf32, #tpu.memory_space<vmem_shared>>, %arg8: memref<3x64xi32, #tpu.memory_space<vmem>>, %arg9: memref<3x64xi32, #tpu.memory_space<vmem>>, %arg10: memref<3x64x128xf32, #tpu.memory_space<vmem>>, %arg11: memref<3x!tpu.dma_semaphore, #tpu.memory_space<semaphore_mem>>, %arg12: memref<3x!tpu.dma_semaphore, #tpu.memory_space<semaphore_mem>>) attributes {dimension_semantics = [#tpu.dimension_semantics<core_parallel>, #tpu.dimension_semantics<subcore_parallel>], iteration_bounds = array<i64: 2, 16>, scalar_prefetch = 0 : i64, scratch_operands = 6 : i64, tpu.core_type = #tpu.core_type<sc_vector_subcore>, window_params = [{transform_indices = #map}, {transform_indices = #map1}, {transform_indices = #map1}, {transform_indices = #map}, {transform_indices = #map2}]} {
    %mul3A = arith.constant 16 : i32
    %mul3A_0 = arith.muli %arg0, %mul3A : i32
    %add3A = arith.addi %mul3A_0, %arg1 : i32
    %mul3A_1 = arith.constant 640 : i32
    %mul3A_2 = arith.muli %arg1, %mul3A_1 : i32
    %multiple_of3A = tpu.assume_multiple %mul3A_2, 64 : i32
    %run_scoped3A = arith.constant 0 : i32
    "tpu.region"() ({
      %run_scoped3A_79 = tpu.sem_alloc : memref<!tpu.dma_semaphore, #tpu.memory_space<semaphore_mem>>
      %dma_start3A_80 = arith.constant 0 : i32
      %dma_start3A_81 = arith.constant 0 : i32
      %dma_start3A_82 = tpu.memref_slice %arg10[%run_scoped3A, %dma_start3A_80, %dma_start3A_81] : memref<3x64x128xf32, #tpu.memory_space<vmem>> -> memref<1x64x128xf32, #tpu.memory_space<vmem>>
      %dma_start3A_83 = tpu.memref_squeeze %dma_start3A_82 : memref<1x64x128xf32, #tpu.memory_space<vmem>> -> memref<64x128xf32, #tpu.memory_space<vmem>>
      %dma_start3A_84 = arith.constant 0 : i32
      %dma_start3A_85 = tpu.memref_slice %arg5[%multiple_of3A, %dma_start3A_84] : memref<10240x128xf32, #tpu.memory_space<hbm>> -> memref<64x128xf32, #tpu.memory_space<hbm>>
      %dma_start3A_86 = arith.constant 0 : i32
      %dma_start3A_87 = arith.constant 0 : i32
      %dma_start3A_88 = tpu.memref_slice %arg10[%run_scoped3A, %dma_start3A_86, %dma_start3A_87] : memref<3x64x128xf32, #tpu.memory_space<vmem>> -> memref<1x64x128xf32, #tpu.memory_space<vmem>>
      %dma_start3A_89 = tpu.memref_squeeze %dma_start3A_88 : memref<1x64x128xf32, #tpu.memory_space<vmem>> -> memref<64x128xf32, #tpu.memory_space<vmem>>
      %dma_start3A_90 = arith.constant 0 : i32
      %dma_start3A_91 = tpu.memref_slice %arg5[%multiple_of3A, %dma_start3A_90] : memref<10240x128xf32, #tpu.memory_space<hbm>> -> memref<64x128xf32, #tpu.memory_space<hbm>>
      tpu.enqueue_dma source(%dma_start3A_91 : memref<64x128xf32, #tpu.memory_space<hbm>>) target(%dma_start3A_89 : memref<64x128xf32, #tpu.memory_space<vmem>>) target_semaphore(%run_scoped3A_79 : memref<!tpu.dma_semaphore, #tpu.memory_space<semaphore_mem>>)
      %dma_wait3A_92 = arith.constant 0 : i32
      %dma_wait3A_93 = arith.constant 0 : i32
      %dma_wait3A_94 = tpu.memref_slice %arg10[%run_scoped3A, %dma_wait3A_92, %dma_wait3A_93] : memref<3x64x128xf32, #tpu.memory_space<vmem>> -> memref<1x64x128xf32, #tpu.memory_space<vmem>>
      %dma_wait3A_95 = tpu.memref_squeeze %dma_wait3A_94 : memref<1x64x128xf32, #tpu.memory_space<vmem>> -> memref<64x128xf32, #tpu.memory_space<vmem>>
      %dma_wait3A_96 = arith.constant 0 : i32
      %dma_wait3A_97 = tpu.memref_slice %arg5[%multiple_of3A, %dma_wait3A_96] : memref<10240x128xf32, #tpu.memory_space<hbm>> -> memref<64x128xf32, #tpu.memory_space<hbm>>
      %dma_wait3A_98 = arith.constant 0 : i32
      %dma_wait3A_99 = arith.constant 0 : i32
      %dma_wait3A_100 = tpu.memref_slice %arg10[%run_scoped3A, %dma_wait3A_98, %dma_wait3A_99] : memref<3x64x128xf32, #tpu.memory_space<vmem>> -> memref<1x64x128xf32, #tpu.memory_space<vmem>>
      %dma_wait3A_101 = tpu.memref_squeeze %dma_wait3A_100 : memref<1x64x128xf32, #tpu.memory_space<vmem>> -> memref<64x128xf32, #tpu.memory_space<vmem>>
      %dma_wait3A_102 = arith.constant 0 : i32
      %dma_wait3A_103 = tpu.memref_slice %arg5[%multiple_of3A, %dma_wait3A_102] : memref<10240x128xf32, #tpu.memory_space<hbm>> -> memref<64x128xf32, #tpu.memory_space<hbm>>
      tpu.wait_dma2 semaphore(%run_scoped3A_79 : memref<!tpu.dma_semaphore, #tpu.memory_space<semaphore_mem>>) src(%dma_wait3A_103 : memref<64x128xf32, #tpu.memory_space<hbm>>) dst(%dma_wait3A_101 : memref<64x128xf32, #tpu.memory_space<vmem>>)
      tpu.yield
    }) : () -> ()
    %scan3A = arith.constant 0 : i32
    %scan3A_3 = arith.constant 0 : i32
    %scan3A_4 = arith.constant 10 : i32
    %scan3A_5 = arith.addi %scan3A_3, %scan3A_4 : i32
    %scan3A_6 = arith.constant 1 : i32
    scf.for %scan3A_79 = %scan3A_3 to %scan3A_5 step %scan3A_6  : i32 {
      %mul3A_80 = arith.constant 64 : i32
      %mul3A_81 = arith.muli %scan3A_79, %mul3A_80 : i32
      %add3A_82 = arith.addi %mul3A_2, %mul3A_81 : i32
      %multiple_of3A_83 = tpu.assume_multiple %add3A_82, 64 : i32
      %dma_start3A_84 = arith.constant 0 : i32
      %dma_start3A_85 = arith.constant 0 : i32
      %dma_start3A_86 = arith.constant 0 : i32
      %dma_start3A_87 = arith.constant 0 : i32
      %dma_start3A_88 = tpu.memref_slice %arg10[%dma_start3A_84, %dma_start3A_86, %dma_start3A_87] : memref<3x64x128xf32, #tpu.memory_space<vmem>> -> memref<1x64x128xf32, #tpu.memory_space<vmem>>
      %dma_start3A_89 = tpu.memref_squeeze %dma_start3A_88 : memref<1x64x128xf32, #tpu.memory_space<vmem>> -> memref<64x128xf32, #tpu.memory_space<vmem>>
      %dma_start3A_90 = arith.constant 0 : i32
      %dma_start3A_91 = tpu.memref_slice %arg7[%multiple_of3A_83, %dma_start3A_90] : memref<10240x128xf32, #tpu.memory_space<vmem_shared>> -> memref<64x128xf32, #tpu.memory_space<vmem_shared>>
      %dma_start3A_92 = tpu.memref_slice %arg12[%dma_start3A_85] : memref<3x!tpu.dma_semaphore, #tpu.memory_space<semaphore_mem>> -> memref<1x!tpu.dma_semaphore, #tpu.memory_space<semaphore_mem>>
      %dma_start3A_93 = tpu.memref_squeeze %dma_start3A_92 : memref<1x!tpu.dma_semaphore, #tpu.memory_space<semaphore_mem>> -> memref<!tpu.dma_semaphore, #tpu.memory_space<semaphore_mem>>
      %dma_start3A_94 = arith.constant 0 : i32
      %dma_start3A_95 = tpu.memref_slice %arg7[%multiple_of3A_83, %dma_start3A_94] : memref<10240x128xf32, #tpu.memory_space<vmem_shared>> -> memref<64x128xf32, #tpu.memory_space<vmem_shared>>
      %dma_start3A_96 = arith.constant 0 : i32
      %dma_start3A_97 = arith.constant 0 : i32
      %dma_start3A_98 = tpu.memref_slice %arg10[%dma_start3A_84, %dma_start3A_96, %dma_start3A_97] : memref<3x64x128xf32, #tpu.memory_space<vmem>> -> memref<1x64x128xf32, #tpu.memory_space<vmem>>
      %dma_start3A_99 = tpu.memref_squeeze %dma_start3A_98 : memref<1x64x128xf32, #tpu.memory_space<vmem>> -> memref<64x128xf32, #tpu.memory_space<vmem>>
      tpu.enqueue_dma source(%dma_start3A_99 : memref<64x128xf32, #tpu.memory_space<vmem>>) target(%dma_start3A_95 : memref<64x128xf32, #tpu.memory_space<vmem_shared>>) target_semaphore(%dma_start3A_93 : memref<!tpu.dma_semaphore, #tpu.memory_space<semaphore_mem>>)
    }
    %scan3A_7 = arith.constant 10 : i32
    %scan3A_8 = arith.constant 0 : i32
    %scan3A_9 = arith.constant 0 : i32
    %scan3A_10 = arith.constant 10 : i32
    %scan3A_11 = arith.addi %scan3A_9, %scan3A_10 : i32
    %scan3A_12 = arith.constant 1 : i32
    scf.for %scan3A_79 = %scan3A_9 to %scan3A_11 step %scan3A_12  : i32 {
      %multiple_of3A_80 = tpu.assume_multiple %mul3A_2, 64 : i32
      %dma_wait3A_81 = arith.constant 0 : i32
      %dma_wait3A_82 = arith.constant 0 : i32
      %dma_wait3A_83 = arith.constant 0 : i32
      %dma_wait3A_84 = arith.constant 0 : i32
      %dma_wait3A_85 = tpu.memref_slice %arg10[%dma_wait3A_81, %dma_wait3A_83, %dma_wait3A_84] : memref<3x64x128xf32, #tpu.memory_space<vmem>> -> memref<1x64x128xf32, #tpu.memory_space<vmem>>
      %dma_wait3A_86 = tpu.memref_squeeze %dma_wait3A_85 : memref<1x64x128xf32, #tpu.memory_space<vmem>> -> memref<64x128xf32, #tpu.memory_space<vmem>>
      %dma_wait3A_87 = arith.constant 0 : i32
      %dma_wait3A_88 = tpu.memref_slice %arg7[%multiple_of3A_80, %dma_wait3A_87] : memref<10240x128xf32, #tpu.memory_space<vmem_shared>> -> memref<64x128xf32, #tpu.memory_space<vmem_shared>>
      %dma_wait3A_89 = tpu.memref_slice %arg12[%dma_wait3A_82] : memref<3x!tpu.dma_semaphore, #tpu.memory_space<semaphore_mem>> -> memref<1x!tpu.dma_semaphore, #tpu.memory_space<semaphore_mem>>
      %dma_wait3A_90 = tpu.memref_squeeze %dma_wait3A_89 : memref<1x!tpu.dma_semaphore, #tpu.memory_space<semaphore_mem>> -> memref<!tpu.dma_semaphore, #tpu.memory_space<semaphore_mem>>
      %dma_wait3A_91 = arith.constant 0 : i32
      %dma_wait3A_92 = tpu.memref_slice %arg7[%multiple_of3A_80, %dma_wait3A_91] : memref<10240x128xf32, #tpu.memory_space<vmem_shared>> -> memref<64x128xf32, #tpu.memory_space<vmem_shared>>
      %dma_wait3A_93 = arith.constant 0 : i32
      %dma_wait3A_94 = arith.constant 0 : i32
      %dma_wait3A_95 = tpu.memref_slice %arg10[%dma_wait3A_81, %dma_wait3A_93, %dma_wait3A_94] : memref<3x64x128xf32, #tpu.memory_space<vmem>> -> memref<1x64x128xf32, #tpu.memory_space<vmem>>
      %dma_wait3A_96 = tpu.memref_squeeze %dma_wait3A_95 : memref<1x64x128xf32, #tpu.memory_space<vmem>> -> memref<64x128xf32, #tpu.memory_space<vmem>>
      tpu.wait_dma2 semaphore(%dma_wait3A_90 : memref<!tpu.dma_semaphore, #tpu.memory_space<semaphore_mem>>) src(%dma_wait3A_96 : memref<64x128xf32, #tpu.memory_space<vmem>>) dst(%dma_wait3A_92 : memref<64x128xf32, #tpu.memory_space<vmem_shared>>)
    }
    %scan3A_13 = arith.constant 10 : i32
    %barrier3A = arith.constant 0 : index
    tpu.barrier barrier_id(%barrier3A)
    %mul3A_14 = arith.constant 10240 : i32
    %mul3A_15 = arith.muli %add3A, %mul3A_14 : i32
    %multiple_of3A_16 = tpu.assume_multiple %mul3A_15, 64 : i32
    %run_scoped3A_17 = arith.constant 0 : i32
    "tpu.region"() ({
      %run_scoped3A_79 = tpu.sem_alloc : memref<!tpu.dma_semaphore, #tpu.memory_space<semaphore_mem>>
      %dma_start3A_80 = arith.constant 0 : i32
      %dma_start3A_81 = tpu.memref_slice %arg8[%run_scoped3A_17, %dma_start3A_80] : memref<3x64xi32, #tpu.memory_space<vmem>> -> memref<1x64xi32, #tpu.memory_space<vmem>>
      %dma_start3A_82 = tpu.memref_squeeze %dma_start3A_81 : memref<1x64xi32, #tpu.memory_space<vmem>> -> memref<64xi32, #tpu.memory_space<vmem>>
      %dma_start3A_83 = tpu.memref_slice %arg3[%multiple_of3A_16] : memref<327680xi32, #tpu.memory_space<hbm>> -> memref<64xi32, #tpu.memory_space<hbm>>
      %dma_start3A_84 = arith.constant 0 : i32
      %dma_start3A_85 = tpu.memref_slice %arg8[%run_scoped3A_17, %dma_start3A_84] : memref<3x64xi32, #tpu.memory_space<vmem>> -> memref<1x64xi32, #tpu.memory_space<vmem>>
      %dma_start3A_86 = tpu.memref_squeeze %dma_start3A_85 : memref<1x64xi32, #tpu.memory_space<vmem>> -> memref<64xi32, #tpu.memory_space<vmem>>
      %dma_start3A_87 = tpu.memref_slice %arg3[%multiple_of3A_16] : memref<327680xi32, #tpu.memory_space<hbm>> -> memref<64xi32, #tpu.memory_space<hbm>>
      tpu.enqueue_dma source(%dma_start3A_87 : memref<64xi32, #tpu.memory_space<hbm>>) target(%dma_start3A_86 : memref<64xi32, #tpu.memory_space<vmem>>) target_semaphore(%run_scoped3A_79 : memref<!tpu.dma_semaphore, #tpu.memory_space<semaphore_mem>>)
      %dma_wait3A_88 = arith.constant 0 : i32
      %dma_wait3A_89 = tpu.memref_slice %arg8[%run_scoped3A_17, %dma_wait3A_88] : memref<3x64xi32, #tpu.memory_space<vmem>> -> memref<1x64xi32, #tpu.memory_space<vmem>>
      %dma_wait3A_90 = tpu.memref_squeeze %dma_wait3A_89 : memref<1x64xi32, #tpu.memory_space<vmem>> -> memref<64xi32, #tpu.memory_space<vmem>>
      %dma_wait3A_91 = tpu.memref_slice %arg3[%multiple_of3A_16] : memref<327680xi32, #tpu.memory_space<hbm>> -> memref<64xi32, #tpu.memory_space<hbm>>
      %dma_wait3A_92 = arith.constant 0 : i32
      %dma_wait3A_93 = tpu.memref_slice %arg8[%run_scoped3A_17, %dma_wait3A_92] : memref<3x64xi32, #tpu.memory_space<vmem>> -> memref<1x64xi32, #tpu.memory_space<vmem>>
      %dma_wait3A_94 = tpu.memref_squeeze %dma_wait3A_93 : memref<1x64xi32, #tpu.memory_space<vmem>> -> memref<64xi32, #tpu.memory_space<vmem>>
      %dma_wait3A_95 = tpu.memref_slice %arg3[%multiple_of3A_16] : memref<327680xi32, #tpu.memory_space<hbm>> -> memref<64xi32, #tpu.memory_space<hbm>>
      tpu.wait_dma2 semaphore(%run_scoped3A_79 : memref<!tpu.dma_semaphore, #tpu.memory_space<semaphore_mem>>) src(%dma_wait3A_95 : memref<64xi32, #tpu.memory_space<hbm>>) dst(%dma_wait3A_94 : memref<64xi32, #tpu.memory_space<vmem>>)
      tpu.yield
    }) : () -> ()
    %dma_start3A = arith.constant 0 : i32
    %dma_start3A_18 = arith.constant 0 : i32
    %dma_start3A_19 = arith.constant 0 : i32
    %dma_start3A_20 = arith.constant 0 : i32
    %dma_start3A_21 = arith.constant 0 : i32
    %dma_start3A_22 = tpu.memref_slice %arg10[%dma_start3A_18, %dma_start3A_20, %dma_start3A_21] : memref<3x64x128xf32, #tpu.memory_space<vmem>> -> memref<1x64x128xf32, #tpu.memory_space<vmem>>
    %dma_start3A_23 = tpu.memref_squeeze %dma_start3A_22 : memref<1x64x128xf32, #tpu.memory_space<vmem>> -> memref<64x128xf32, #tpu.memory_space<vmem>>
    %dma_start3A_24 = arith.constant 0 : i32
    %dma_start3A_25 = tpu.memref_slice %arg8[%dma_start3A, %dma_start3A_24] : memref<3x64xi32, #tpu.memory_space<vmem>> -> memref<1x64xi32, #tpu.memory_space<vmem>>
    %dma_start3A_26 = tpu.memref_squeeze %dma_start3A_25 : memref<1x64xi32, #tpu.memory_space<vmem>> -> memref<64xi32, #tpu.memory_space<vmem>>
    %dma_start3A_27 = arith.constant 0 : i32
    %dma_start3A_28 = arith.constant 0 : i32
    %dma_start3A_29 = tpu.memref_slice %arg2[%dma_start3A_27, %dma_start3A_28] : memref<10000x128xf32, #tpu.memory_space<hbm>> -> memref<10000x128xf32, #tpu.memory_space<hbm>>
    %dma_start3A_30 = tpu.memref_slice %arg11[%dma_start3A_19] : memref<3x!tpu.dma_semaphore, #tpu.memory_space<semaphore_mem>> -> memref<1x!tpu.dma_semaphore, #tpu.memory_space<semaphore_mem>>
    %dma_start3A_31 = tpu.memref_squeeze %dma_start3A_30 : memref<1x!tpu.dma_semaphore, #tpu.memory_space<semaphore_mem>> -> memref<!tpu.dma_semaphore, #tpu.memory_space<semaphore_mem>>
    tpu.enqueue_indirect_dma source(%dma_start3A_29 : memref<10000x128xf32, #tpu.memory_space<hbm>>) target(%dma_start3A_23 : memref<64x128xf32, #tpu.memory_space<vmem>>) offsets(%dma_start3A_26 : memref<64xi32, #tpu.memory_space<vmem>>) semaphore(%dma_start3A_31 : memref<!tpu.dma_semaphore, #tpu.memory_space<semaphore_mem>>)
    %scan3A_32 = arith.constant 0 : i32
    %scan3A_33 = arith.constant 0 : i32
    %scan3A_34 = arith.constant 160 : i32
    %scan3A_35 = arith.addi %scan3A_33, %scan3A_34 : i32
    %scan3A_36 = arith.constant 1 : i32
    scf.for %scan3A_79 = %scan3A_33 to %scan3A_35 step %scan3A_36  : i32 {
      %rem3A_80 = arith.constant 3 : i32
      %rem3A_81 = arith.remsi %scan3A_79, %rem3A_80 : i32
      %add3A_82 = arith.constant 1 : i32
      %add3A_83 = arith.addi %scan3A_79, %add3A_82 : i32
      %rem3A_84 = arith.constant 3 : i32
      %rem3A_85 = arith.remsi %add3A_83, %rem3A_84 : i32
      %ge3A = arith.constant 2 : i32
      %ge3A_86 = arith.cmpi sge, %scan3A_79, %ge3A : i32
      %convert_element_type3A = arith.extui %ge3A_86 : i1 to i32
      %cond3A = arith.constant 0 : i32
      %cond3A_87 = arith.cmpi ne, %convert_element_type3A, %cond3A : i32
      scf.if %cond3A_87 {
        %dma_wait3A_120 = arith.constant 0 : i32
        %dma_wait3A_121 = arith.constant 0 : i32
        %dma_wait3A_122 = tpu.memref_slice %arg10[%rem3A_85, %dma_wait3A_120, %dma_wait3A_121] : memref<3x64x128xf32, #tpu.memory_space<vmem>> -> memref<1x64x128xf32, #tpu.memory_space<vmem>>
        %dma_wait3A_123 = tpu.memref_squeeze %dma_wait3A_122 : memref<1x64x128xf32, #tpu.memory_space<vmem>> -> memref<64x128xf32, #tpu.memory_space<vmem>>
        %dma_wait3A_124 = arith.constant 0 : i32
        %dma_wait3A_125 = tpu.memref_slice %arg9[%rem3A_85, %dma_wait3A_124] : memref<3x64xi32, #tpu.memory_space<vmem>> -> memref<1x64xi32, #tpu.memory_space<vmem>>
        %dma_wait3A_126 = tpu.memref_squeeze %dma_wait3A_125 : memref<1x64xi32, #tpu.memory_space<vmem>> -> memref<64xi32, #tpu.memory_space<vmem>>
        %dma_wait3A_127 = arith.constant 0 : i32
        %dma_wait3A_128 = arith.constant 0 : i32
        %dma_wait3A_129 = tpu.memref_slice %arg7[%dma_wait3A_127, %dma_wait3A_128] : memref<10240x128xf32, #tpu.memory_space<vmem_shared>> -> memref<10240x128xf32, #tpu.memory_space<vmem_shared>>
        %dma_wait3A_130 = tpu.memref_slice %arg12[%rem3A_85] : memref<3x!tpu.dma_semaphore, #tpu.memory_space<semaphore_mem>> -> memref<1x!tpu.dma_semaphore, #tpu.memory_space<semaphore_mem>>
        %dma_wait3A_131 = tpu.memref_squeeze %dma_wait3A_130 : memref<1x!tpu.dma_semaphore, #tpu.memory_space<semaphore_mem>> -> memref<!tpu.dma_semaphore, #tpu.memory_space<semaphore_mem>>
        tpu.wait_indirect_dma semaphore(%dma_wait3A_131 : memref<!tpu.dma_semaphore, #tpu.memory_space<semaphore_mem>>) src(%dma_wait3A_123 : memref<64x128xf32, #tpu.memory_space<vmem>>) dst(%dma_wait3A_129 : memref<10240x128xf32, #tpu.memory_space<vmem_shared>>)
      } else {
      }
      %lt3A = arith.constant 159 : i32
      %lt3A_88 = arith.cmpi slt, %scan3A_79, %lt3A : i32
      %convert_element_type3A_89 = arith.extui %lt3A_88 : i1 to i32
      %cond3A_90 = arith.constant 0 : i32
      %cond3A_91 = arith.cmpi ne, %convert_element_type3A_89, %cond3A_90 : i32
      scf.if %cond3A_91 {
        %add3A_120 = arith.constant 1 : i32
        %add3A_121 = arith.addi %scan3A_79, %add3A_120 : i32
        %mul3A_122 = arith.constant 64 : i32
        %mul3A_123 = arith.muli %add3A_121, %mul3A_122 : i32
        %add3A_124 = arith.addi %mul3A_15, %mul3A_123 : i32
        %multiple_of3A_125 = tpu.assume_multiple %add3A_124, 64 : i32
        "tpu.region"() ({
          %run_scoped3A_138 = tpu.sem_alloc : memref<!tpu.dma_semaphore, #tpu.memory_space<semaphore_mem>>
          %dma_start3A_139 = arith.constant 0 : i32
          %dma_start3A_140 = tpu.memref_slice %arg8[%rem3A_85, %dma_start3A_139] : memref<3x64xi32, #tpu.memory_space<vmem>> -> memref<1x64xi32, #tpu.memory_space<vmem>>
          %dma_start3A_141 = tpu.memref_squeeze %dma_start3A_140 : memref<1x64xi32, #tpu.memory_space<vmem>> -> memref<64xi32, #tpu.memory_space<vmem>>
          %dma_start3A_142 = tpu.memref_slice %arg3[%multiple_of3A_125] : memref<327680xi32, #tpu.memory_space<hbm>> -> memref<64xi32, #tpu.memory_space<hbm>>
          %dma_start3A_143 = arith.constant 0 : i32
          %dma_start3A_144 = tpu.memref_slice %arg8[%rem3A_85, %dma_start3A_143] : memref<3x64xi32, #tpu.memory_space<vmem>> -> memref<1x64xi32, #tpu.memory_space<vmem>>
          %dma_start3A_145 = tpu.memref_squeeze %dma_start3A_144 : memref<1x64xi32, #tpu.memory_space<vmem>> -> memref<64xi32, #tpu.memory_space<vmem>>
          %dma_start3A_146 = tpu.memref_slice %arg3[%multiple_of3A_125] : memref<327680xi32, #tpu.memory_space<hbm>> -> memref<64xi32, #tpu.memory_space<hbm>>
          tpu.enqueue_dma source(%dma_start3A_146 : memref<64xi32, #tpu.memory_space<hbm>>) target(%dma_start3A_145 : memref<64xi32, #tpu.memory_space<vmem>>) target_semaphore(%run_scoped3A_138 : memref<!tpu.dma_semaphore, #tpu.memory_space<semaphore_mem>>)
          %dma_wait3A_147 = arith.constant 0 : i32
          %dma_wait3A_148 = tpu.memref_slice %arg8[%rem3A_85, %dma_wait3A_147] : memref<3x64xi32, #tpu.memory_space<vmem>> -> memref<1x64xi32, #tpu.memory_space<vmem>>
          %dma_wait3A_149 = tpu.memref_squeeze %dma_wait3A_148 : memref<1x64xi32, #tpu.memory_space<vmem>> -> memref<64xi32, #tpu.memory_space<vmem>>
          %dma_wait3A_150 = tpu.memref_slice %arg3[%multiple_of3A_125] : memref<327680xi32, #tpu.memory_space<hbm>> -> memref<64xi32, #tpu.memory_space<hbm>>
          %dma_wait3A_151 = arith.constant 0 : i32
          %dma_wait3A_152 = tpu.memref_slice %arg8[%rem3A_85, %dma_wait3A_151] : memref<3x64xi32, #tpu.memory_space<vmem>> -> memref<1x64xi32, #tpu.memory_space<vmem>>
          %dma_wait3A_153 = tpu.memref_squeeze %dma_wait3A_152 : memref<1x64xi32, #tpu.memory_space<vmem>> -> memref<64xi32, #tpu.memory_space<vmem>>
          %dma_wait3A_154 = tpu.memref_slice %arg3[%multiple_of3A_125] : memref<327680xi32, #tpu.memory_space<hbm>> -> memref<64xi32, #tpu.memory_space<hbm>>
          tpu.wait_dma2 semaphore(%run_scoped3A_138 : memref<!tpu.dma_semaphore, #tpu.memory_space<semaphore_mem>>) src(%dma_wait3A_154 : memref<64xi32, #tpu.memory_space<hbm>>) dst(%dma_wait3A_153 : memref<64xi32, #tpu.memory_space<vmem>>)
          tpu.yield
        }) : () -> ()
        %dma_start3A_126 = arith.constant 0 : i32
        %dma_start3A_127 = arith.constant 0 : i32
        %dma_start3A_128 = tpu.memref_slice %arg10[%rem3A_85, %dma_start3A_126, %dma_start3A_127] : memref<3x64x128xf32, #tpu.memory_space<vmem>> -> memref<1x64x128xf32, #tpu.memory_space<vmem>>
        %dma_start3A_129 = tpu.memref_squeeze %dma_start3A_128 : memref<1x64x128xf32, #tpu.memory_space<vmem>> -> memref<64x128xf32, #tpu.memory_space<vmem>>
        %dma_start3A_130 = arith.constant 0 : i32
        %dma_start3A_131 = tpu.memref_slice %arg8[%rem3A_85, %dma_start3A_130] : memref<3x64xi32, #tpu.memory_space<vmem>> -> memref<1x64xi32, #tpu.memory_space<vmem>>
        %dma_start3A_132 = tpu.memref_squeeze %dma_start3A_131 : memref<1x64xi32, #tpu.memory_space<vmem>> -> memref<64xi32, #tpu.memory_space<vmem>>
        %dma_start3A_133 = arith.constant 0 : i32
        %dma_start3A_134 = arith.constant 0 : i32
        %dma_start3A_135 = tpu.memref_slice %arg2[%dma_start3A_133, %dma_start3A_134] : memref<10000x128xf32, #tpu.memory_space<hbm>> -> memref<10000x128xf32, #tpu.memory_space<hbm>>
        %dma_start3A_136 = tpu.memref_slice %arg11[%rem3A_85] : memref<3x!tpu.dma_semaphore, #tpu.memory_space<semaphore_mem>> -> memref<1x!tpu.dma_semaphore, #tpu.memory_space<semaphore_mem>>
        %dma_start3A_137 = tpu.memref_squeeze %dma_start3A_136 : memref<1x!tpu.dma_semaphore, #tpu.memory_space<semaphore_mem>> -> memref<!tpu.dma_semaphore, #tpu.memory_space<semaphore_mem>>
        tpu.enqueue_indirect_dma source(%dma_start3A_135 : memref<10000x128xf32, #tpu.memory_space<hbm>>) target(%dma_start3A_129 : memref<64x128xf32, #tpu.memory_space<vmem>>) offsets(%dma_start3A_132 : memref<64xi32, #tpu.memory_space<vmem>>) semaphore(%dma_start3A_137 : memref<!tpu.dma_semaphore, #tpu.memory_space<semaphore_mem>>)
      } else {
      }
      %mul3A_92 = arith.constant 64 : i32
      %mul3A_93 = arith.muli %scan3A_79, %mul3A_92 : i32
      %add3A_94 = arith.addi %mul3A_15, %mul3A_93 : i32
      %multiple_of3A_95 = tpu.assume_multiple %add3A_94, 64 : i32
      "tpu.region"() ({
        %run_scoped3A_120 = tpu.sem_alloc : memref<!tpu.dma_semaphore, #tpu.memory_space<semaphore_mem>>
        %dma_start3A_121 = arith.constant 0 : i32
        %dma_start3A_122 = tpu.memref_slice %arg9[%rem3A_81, %dma_start3A_121] : memref<3x64xi32, #tpu.memory_space<vmem>> -> memref<1x64xi32, #tpu.memory_space<vmem>>
        %dma_start3A_123 = tpu.memref_squeeze %dma_start3A_122 : memref<1x64xi32, #tpu.memory_space<vmem>> -> memref<64xi32, #tpu.memory_space<vmem>>
        %dma_start3A_124 = tpu.memref_slice %arg4[%multiple_of3A_95] : memref<327680xi32, #tpu.memory_space<hbm>> -> memref<64xi32, #tpu.memory_space<hbm>>
        %dma_start3A_125 = arith.constant 0 : i32
        %dma_start3A_126 = tpu.memref_slice %arg9[%rem3A_81, %dma_start3A_125] : memref<3x64xi32, #tpu.memory_space<vmem>> -> memref<1x64xi32, #tpu.memory_space<vmem>>
        %dma_start3A_127 = tpu.memref_squeeze %dma_start3A_126 : memref<1x64xi32, #tpu.memory_space<vmem>> -> memref<64xi32, #tpu.memory_space<vmem>>
        %dma_start3A_128 = tpu.memref_slice %arg4[%multiple_of3A_95] : memref<327680xi32, #tpu.memory_space<hbm>> -> memref<64xi32, #tpu.memory_space<hbm>>
        tpu.enqueue_dma source(%dma_start3A_128 : memref<64xi32, #tpu.memory_space<hbm>>) target(%dma_start3A_127 : memref<64xi32, #tpu.memory_space<vmem>>) target_semaphore(%run_scoped3A_120 : memref<!tpu.dma_semaphore, #tpu.memory_space<semaphore_mem>>)
        %dma_wait3A_129 = arith.constant 0 : i32
        %dma_wait3A_130 = tpu.memref_slice %arg9[%rem3A_81, %dma_wait3A_129] : memref<3x64xi32, #tpu.memory_space<vmem>> -> memref<1x64xi32, #tpu.memory_space<vmem>>
        %dma_wait3A_131 = tpu.memref_squeeze %dma_wait3A_130 : memref<1x64xi32, #tpu.memory_space<vmem>> -> memref<64xi32, #tpu.memory_space<vmem>>
        %dma_wait3A_132 = tpu.memref_slice %arg4[%multiple_of3A_95] : memref<327680xi32, #tpu.memory_space<hbm>> -> memref<64xi32, #tpu.memory_space<hbm>>
        %dma_wait3A_133 = arith.constant 0 : i32
        %dma_wait3A_134 = tpu.memref_slice %arg9[%rem3A_81, %dma_wait3A_133] : memref<3x64xi32, #tpu.memory_space<vmem>> -> memref<1x64xi32, #tpu.memory_space<vmem>>
        %dma_wait3A_135 = tpu.memref_squeeze %dma_wait3A_134 : memref<1x64xi32, #tpu.memory_space<vmem>> -> memref<64xi32, #tpu.memory_space<vmem>>
        %dma_wait3A_136 = tpu.memref_slice %arg4[%multiple_of3A_95] : memref<327680xi32, #tpu.memory_space<hbm>> -> memref<64xi32, #tpu.memory_space<hbm>>
        tpu.wait_dma2 semaphore(%run_scoped3A_120 : memref<!tpu.dma_semaphore, #tpu.memory_space<semaphore_mem>>) src(%dma_wait3A_136 : memref<64xi32, #tpu.memory_space<hbm>>) dst(%dma_wait3A_135 : memref<64xi32, #tpu.memory_space<vmem>>)
        tpu.yield
      }) : () -> ()
      %dma_wait3A_96 = arith.constant 0 : i32
      %dma_wait3A_97 = arith.constant 0 : i32
      %dma_wait3A_98 = tpu.memref_slice %arg10[%rem3A_81, %dma_wait3A_96, %dma_wait3A_97] : memref<3x64x128xf32, #tpu.memory_space<vmem>> -> memref<1x64x128xf32, #tpu.memory_space<vmem>>
      %dma_wait3A_99 = tpu.memref_squeeze %dma_wait3A_98 : memref<1x64x128xf32, #tpu.memory_space<vmem>> -> memref<64x128xf32, #tpu.memory_space<vmem>>
      %dma_wait3A_100 = arith.constant 0 : i32
      %dma_wait3A_101 = tpu.memref_slice %arg8[%rem3A_81, %dma_wait3A_100] : memref<3x64xi32, #tpu.memory_space<vmem>> -> memref<1x64xi32, #tpu.memory_space<vmem>>
      %dma_wait3A_102 = tpu.memref_squeeze %dma_wait3A_101 : memref<1x64xi32, #tpu.memory_space<vmem>> -> memref<64xi32, #tpu.memory_space<vmem>>
      %dma_wait3A_103 = arith.constant 0 : i32
      %dma_wait3A_104 = arith.constant 0 : i32
      %dma_wait3A_105 = tpu.memref_slice %arg2[%dma_wait3A_103, %dma_wait3A_104] : memref<10000x128xf32, #tpu.memory_space<hbm>> -> memref<10000x128xf32, #tpu.memory_space<hbm>>
      %dma_wait3A_106 = tpu.memref_slice %arg11[%rem3A_81] : memref<3x!tpu.dma_semaphore, #tpu.memory_space<semaphore_mem>> -> memref<1x!tpu.dma_semaphore, #tpu.memory_space<semaphore_mem>>
      %dma_wait3A_107 = tpu.memref_squeeze %dma_wait3A_106 : memref<1x!tpu.dma_semaphore, #tpu.memory_space<semaphore_mem>> -> memref<!tpu.dma_semaphore, #tpu.memory_space<semaphore_mem>>
      tpu.wait_indirect_dma semaphore(%dma_wait3A_107 : memref<!tpu.dma_semaphore, #tpu.memory_space<semaphore_mem>>) src(%dma_wait3A_105 : memref<10000x128xf32, #tpu.memory_space<hbm>>) dst(%dma_wait3A_99 : memref<64x128xf32, #tpu.memory_space<vmem>>)
      %dma_start3A_108 = arith.constant 0 : i32
      %dma_start3A_109 = arith.constant 0 : i32
      %dma_start3A_110 = tpu.memref_slice %arg10[%rem3A_81, %dma_start3A_108, %dma_start3A_109] : memref<3x64x128xf32, #tpu.memory_space<vmem>> -> memref<1x64x128xf32, #tpu.memory_space<vmem>>
      %dma_start3A_111 = tpu.memref_squeeze %dma_start3A_110 : memref<1x64x128xf32, #tpu.memory_space<vmem>> -> memref<64x128xf32, #tpu.memory_space<vmem>>
      %dma_start3A_112 = arith.constant 0 : i32
      %dma_start3A_113 = tpu.memref_slice %arg9[%rem3A_81, %dma_start3A_112] : memref<3x64xi32, #tpu.memory_space<vmem>> -> memref<1x64xi32, #tpu.memory_space<vmem>>
      %dma_start3A_114 = tpu.memref_squeeze %dma_start3A_113 : memref<1x64xi32, #tpu.memory_space<vmem>> -> memref<64xi32, #tpu.memory_space<vmem>>
      %dma_start3A_115 = arith.constant 0 : i32
      %dma_start3A_116 = arith.constant 0 : i32
      %dma_start3A_117 = tpu.memref_slice %arg7[%dma_start3A_115, %dma_start3A_116] : memref<10240x128xf32, #tpu.memory_space<vmem_shared>> -> memref<10240x128xf32, #tpu.memory_space<vmem_shared>>
      %dma_start3A_118 = tpu.memref_slice %arg12[%rem3A_81] : memref<3x!tpu.dma_semaphore, #tpu.memory_space<semaphore_mem>> -> memref<1x!tpu.dma_semaphore, #tpu.memory_space<semaphore_mem>>
      %dma_start3A_119 = tpu.memref_squeeze %dma_start3A_118 : memref<1x!tpu.dma_semaphore, #tpu.memory_space<semaphore_mem>> -> memref<!tpu.dma_semaphore, #tpu.memory_space<semaphore_mem>>
      tpu.enqueue_indirect_dma source(%dma_start3A_111 : memref<64x128xf32, #tpu.memory_space<vmem>>) target(%dma_start3A_117 : memref<10240x128xf32, #tpu.memory_space<vmem_shared>>) offsets(%dma_start3A_114 : memref<64xi32, #tpu.memory_space<vmem>>) semaphore(%dma_start3A_119 : memref<!tpu.dma_semaphore, #tpu.memory_space<semaphore_mem>>) {add = true}
    }
    %scan3A_37 = arith.constant 160 : i32
    %rem3A = arith.constant 159 : i32
    %rem3A_38 = arith.constant 3 : i32
    %rem3A_39 = arith.remsi %rem3A, %rem3A_38 : i32
    %rem3A_40 = arith.constant 158 : i32
    %rem3A_41 = arith.constant 3 : i32
    %rem3A_42 = arith.remsi %rem3A_40, %rem3A_41 : i32
    %dma_wait3A = arith.constant 0 : i32
    %dma_wait3A_43 = arith.constant 0 : i32
    %dma_wait3A_44 = tpu.memref_slice %arg10[%rem3A_39, %dma_wait3A, %dma_wait3A_43] : memref<3x64x128xf32, #tpu.memory_space<vmem>> -> memref<1x64x128xf32, #tpu.memory_space<vmem>>
    %dma_wait3A_45 = tpu.memref_squeeze %dma_wait3A_44 : memref<1x64x128xf32, #tpu.memory_space<vmem>> -> memref<64x128xf32, #tpu.memory_space<vmem>>
    %dma_wait3A_46 = arith.constant 0 : i32
    %dma_wait3A_47 = tpu.memref_slice %arg9[%rem3A_39, %dma_wait3A_46] : memref<3x64xi32, #tpu.memory_space<vmem>> -> memref<1x64xi32, #tpu.memory_space<vmem>>
    %dma_wait3A_48 = tpu.memref_squeeze %dma_wait3A_47 : memref<1x64xi32, #tpu.memory_space<vmem>> -> memref<64xi32, #tpu.memory_space<vmem>>
    %dma_wait3A_49 = arith.constant 0 : i32
    %dma_wait3A_50 = arith.constant 0 : i32
    %dma_wait3A_51 = tpu.memref_slice %arg7[%dma_wait3A_49, %dma_wait3A_50] : memref<10240x128xf32, #tpu.memory_space<vmem_shared>> -> memref<10240x128xf32, #tpu.memory_space<vmem_shared>>
    %dma_wait3A_52 = tpu.memref_slice %arg12[%rem3A_39] : memref<3x!tpu.dma_semaphore, #tpu.memory_space<semaphore_mem>> -> memref<1x!tpu.dma_semaphore, #tpu.memory_space<semaphore_mem>>
    %dma_wait3A_53 = tpu.memref_squeeze %dma_wait3A_52 : memref<1x!tpu.dma_semaphore, #tpu.memory_space<semaphore_mem>> -> memref<!tpu.dma_semaphore, #tpu.memory_space<semaphore_mem>>
    tpu.wait_indirect_dma semaphore(%dma_wait3A_53 : memref<!tpu.dma_semaphore, #tpu.memory_space<semaphore_mem>>) src(%dma_wait3A_45 : memref<64x128xf32, #tpu.memory_space<vmem>>) dst(%dma_wait3A_51 : memref<10240x128xf32, #tpu.memory_space<vmem_shared>>)
    %dma_wait3A_54 = arith.constant 0 : i32
    %dma_wait3A_55 = arith.constant 0 : i32
    %dma_wait3A_56 = tpu.memref_slice %arg10[%rem3A_42, %dma_wait3A_54, %dma_wait3A_55] : memref<3x64x128xf32, #tpu.memory_space<vmem>> -> memref<1x64x128xf32, #tpu.memory_space<vmem>>
    %dma_wait3A_57 = tpu.memref_squeeze %dma_wait3A_56 : memref<1x64x128xf32, #tpu.memory_space<vmem>> -> memref<64x128xf32, #tpu.memory_space<vmem>>
    %dma_wait3A_58 = arith.constant 0 : i32
    %dma_wait3A_59 = tpu.memref_slice %arg9[%rem3A_42, %dma_wait3A_58] : memref<3x64xi32, #tpu.memory_space<vmem>> -> memref<1x64xi32, #tpu.memory_space<vmem>>
    %dma_wait3A_60 = tpu.memref_squeeze %dma_wait3A_59 : memref<1x64xi32, #tpu.memory_space<vmem>> -> memref<64xi32, #tpu.memory_space<vmem>>
    %dma_wait3A_61 = arith.constant 0 : i32
    %dma_wait3A_62 = arith.constant 0 : i32
    %dma_wait3A_63 = tpu.memref_slice %arg7[%dma_wait3A_61, %dma_wait3A_62] : memref<10240x128xf32, #tpu.memory_space<vmem_shared>> -> memref<10240x128xf32, #tpu.memory_space<vmem_shared>>
    %dma_wait3A_64 = tpu.memref_slice %arg12[%rem3A_42] : memref<3x!tpu.dma_semaphore, #tpu.memory_space<semaphore_mem>> -> memref<1x!tpu.dma_semaphore, #tpu.memory_space<semaphore_mem>>
    %dma_wait3A_65 = tpu.memref_squeeze %dma_wait3A_64 : memref<1x!tpu.dma_semaphore, #tpu.memory_space<semaphore_mem>> -> memref<!tpu.dma_semaphore, #tpu.memory_space<semaphore_mem>>
    tpu.wait_indirect_dma semaphore(%dma_wait3A_65 : memref<!tpu.dma_semaphore, #tpu.memory_space<semaphore_mem>>) src(%dma_wait3A_57 : memref<64x128xf32, #tpu.memory_space<vmem>>) dst(%dma_wait3A_63 : memref<10240x128xf32, #tpu.memory_space<vmem_shared>>)
    %barrier3A_66 = arith.constant 0 : index
    tpu.barrier barrier_id(%barrier3A_66)
    %scan3A_67 = arith.constant 0 : i32
    %scan3A_68 = arith.constant 0 : i32
    %scan3A_69 = arith.constant 10 : i32
    %scan3A_70 = arith.addi %scan3A_68, %scan3A_69 : i32
    %scan3A_71 = arith.constant 1 : i32
    scf.for %scan3A_79 = %scan3A_68 to %scan3A_70 step %scan3A_71  : i32 {
      %rem3A_80 = arith.constant 3 : i32
      %rem3A_81 = arith.remsi %scan3A_79, %rem3A_80 : i32
      %ge3A = arith.constant 3 : i32
      %ge3A_82 = arith.cmpi sge, %scan3A_79, %ge3A : i32
      %convert_element_type3A = arith.extui %ge3A_82 : i1 to i32
      %cond3A = arith.constant 0 : i32
      %cond3A_83 = arith.cmpi ne, %convert_element_type3A, %cond3A : i32
      scf.if %cond3A_83 {
        %dma_wait3A_104 = arith.constant 0 : i32
        %dma_wait3A_105 = arith.constant 0 : i32
        %dma_wait3A_106 = tpu.memref_slice %arg10[%rem3A_81, %dma_wait3A_104, %dma_wait3A_105] : memref<3x64x128xf32, #tpu.memory_space<vmem>> -> memref<1x64x128xf32, #tpu.memory_space<vmem>>
        %dma_wait3A_107 = tpu.memref_squeeze %dma_wait3A_106 : memref<1x64x128xf32, #tpu.memory_space<vmem>> -> memref<64x128xf32, #tpu.memory_space<vmem>>
        %dma_wait3A_108 = arith.constant 0 : i32
        %dma_wait3A_109 = arith.constant 0 : i32
        %dma_wait3A_110 = tpu.memref_slice %arg6[%arg0, %dma_wait3A_108, %dma_wait3A_109] : memref<2x10240x128xf32, #tpu.memory_space<hbm>> -> memref<1x64x128xf32, #tpu.memory_space<hbm>>
        %dma_wait3A_111 = tpu.memref_squeeze %dma_wait3A_110 : memref<1x64x128xf32, #tpu.memory_space<hbm>> -> memref<64x128xf32, #tpu.memory_space<hbm>>
        %dma_wait3A_112 = tpu.memref_slice %arg11[%rem3A_81] : memref<3x!tpu.dma_semaphore, #tpu.memory_space<semaphore_mem>> -> memref<1x!tpu.dma_semaphore, #tpu.memory_space<semaphore_mem>>
        %dma_wait3A_113 = tpu.memref_squeeze %dma_wait3A_112 : memref<1x!tpu.dma_semaphore, #tpu.memory_space<semaphore_mem>> -> memref<!tpu.dma_semaphore, #tpu.memory_space<semaphore_mem>>
        %dma_wait3A_114 = arith.constant 0 : i32
        %dma_wait3A_115 = arith.constant 0 : i32
        %dma_wait3A_116 = tpu.memref_slice %arg6[%arg0, %dma_wait3A_114, %dma_wait3A_115] : memref<2x10240x128xf32, #tpu.memory_space<hbm>> -> memref<1x64x128xf32, #tpu.memory_space<hbm>>
        %dma_wait3A_117 = tpu.memref_squeeze %dma_wait3A_116 : memref<1x64x128xf32, #tpu.memory_space<hbm>> -> memref<64x128xf32, #tpu.memory_space<hbm>>
        %dma_wait3A_118 = arith.constant 0 : i32
        %dma_wait3A_119 = arith.constant 0 : i32
        %dma_wait3A_120 = tpu.memref_slice %arg10[%rem3A_81, %dma_wait3A_118, %dma_wait3A_119] : memref<3x64x128xf32, #tpu.memory_space<vmem>> -> memref<1x64x128xf32, #tpu.memory_space<vmem>>
        %dma_wait3A_121 = tpu.memref_squeeze %dma_wait3A_120 : memref<1x64x128xf32, #tpu.memory_space<vmem>> -> memref<64x128xf32, #tpu.memory_space<vmem>>
        tpu.wait_dma2 semaphore(%dma_wait3A_113 : memref<!tpu.dma_semaphore, #tpu.memory_space<semaphore_mem>>) src(%dma_wait3A_121 : memref<64x128xf32, #tpu.memory_space<vmem>>) dst(%dma_wait3A_117 : memref<64x128xf32, #tpu.memory_space<hbm>>)
      } else {
      }
      %mul3A_84 = arith.constant 64 : i32
      %mul3A_85 = arith.muli %scan3A_79, %mul3A_84 : i32
      %add3A_86 = arith.addi %mul3A_2, %mul3A_85 : i32
      %multiple_of3A_87 = tpu.assume_multiple %add3A_86, 64 : i32
      "tpu.region"() ({
        %run_scoped3A_104 = tpu.sem_alloc : memref<!tpu.dma_semaphore, #tpu.memory_space<semaphore_mem>>
        %dma_start3A_105 = arith.constant 0 : i32
        %dma_start3A_106 = arith.constant 0 : i32
        %dma_start3A_107 = tpu.memref_slice %arg10[%rem3A_81, %dma_start3A_105, %dma_start3A_106] : memref<3x64x128xf32, #tpu.memory_space<vmem>> -> memref<1x64x128xf32, #tpu.memory_space<vmem>>
        %dma_start3A_108 = tpu.memref_squeeze %dma_start3A_107 : memref<1x64x128xf32, #tpu.memory_space<vmem>> -> memref<64x128xf32, #tpu.memory_space<vmem>>
        %dma_start3A_109 = arith.constant 0 : i32
        %dma_start3A_110 = tpu.memref_slice %arg7[%multiple_of3A_87, %dma_start3A_109] : memref<10240x128xf32, #tpu.memory_space<vmem_shared>> -> memref<64x128xf32, #tpu.memory_space<vmem_shared>>
        %dma_start3A_111 = arith.constant 0 : i32
        %dma_start3A_112 = arith.constant 0 : i32
        %dma_start3A_113 = tpu.memref_slice %arg10[%rem3A_81, %dma_start3A_111, %dma_start3A_112] : memref<3x64x128xf32, #tpu.memory_space<vmem>> -> memref<1x64x128xf32, #tpu.memory_space<vmem>>
        %dma_start3A_114 = tpu.memref_squeeze %dma_start3A_113 : memref<1x64x128xf32, #tpu.memory_space<vmem>> -> memref<64x128xf32, #tpu.memory_space<vmem>>
        %dma_start3A_115 = arith.constant 0 : i32
        %dma_start3A_116 = tpu.memref_slice %arg7[%multiple_of3A_87, %dma_start3A_115] : memref<10240x128xf32, #tpu.memory_space<vmem_shared>> -> memref<64x128xf32, #tpu.memory_space<vmem_shared>>
        tpu.enqueue_dma source(%dma_start3A_116 : memref<64x128xf32, #tpu.memory_space<vmem_shared>>) target(%dma_start3A_114 : memref<64x128xf32, #tpu.memory_space<vmem>>) target_semaphore(%run_scoped3A_104 : memref<!tpu.dma_semaphore, #tpu.memory_space<semaphore_mem>>)
        %dma_wait3A_117 = arith.constant 0 : i32
        %dma_wait3A_118 = arith.constant 0 : i32
        %dma_wait3A_119 = tpu.memref_slice %arg10[%rem3A_81, %dma_wait3A_117, %dma_wait3A_118] : memref<3x64x128xf32, #tpu.memory_space<vmem>> -> memref<1x64x128xf32, #tpu.memory_space<vmem>>
        %dma_wait3A_120 = tpu.memref_squeeze %dma_wait3A_119 : memref<1x64x128xf32, #tpu.memory_space<vmem>> -> memref<64x128xf32, #tpu.memory_space<vmem>>
        %dma_wait3A_121 = arith.constant 0 : i32
        %dma_wait3A_122 = tpu.memref_slice %arg7[%multiple_of3A_87, %dma_wait3A_121] : memref<10240x128xf32, #tpu.memory_space<vmem_shared>> -> memref<64x128xf32, #tpu.memory_space<vmem_shared>>
        %dma_wait3A_123 = arith.constant 0 : i32
        %dma_wait3A_124 = arith.constant 0 : i32
        %dma_wait3A_125 = tpu.memref_slice %arg10[%rem3A_81, %dma_wait3A_123, %dma_wait3A_124] : memref<3x64x128xf32, #tpu.memory_space<vmem>> -> memref<1x64x128xf32, #tpu.memory_space<vmem>>
        %dma_wait3A_126 = tpu.memref_squeeze %dma_wait3A_125 : memref<1x64x128xf32, #tpu.memory_space<vmem>> -> memref<64x128xf32, #tpu.memory_space<vmem>>
        %dma_wait3A_127 = arith.constant 0 : i32
        %dma_wait3A_128 = tpu.memref_slice %arg7[%multiple_of3A_87, %dma_wait3A_127] : memref<10240x128xf32, #tpu.memory_space<vmem_shared>> -> memref<64x128xf32, #tpu.memory_space<vmem_shared>>
        tpu.wait_dma2 semaphore(%run_scoped3A_104 : memref<!tpu.dma_semaphore, #tpu.memory_space<semaphore_mem>>) src(%dma_wait3A_128 : memref<64x128xf32, #tpu.memory_space<vmem_shared>>) dst(%dma_wait3A_126 : memref<64x128xf32, #tpu.memory_space<vmem>>)
        tpu.yield
      }) : () -> ()
      %dma_start3A_88 = arith.constant 0 : i32
      %dma_start3A_89 = arith.constant 0 : i32
      %dma_start3A_90 = tpu.memref_slice %arg10[%rem3A_81, %dma_start3A_88, %dma_start3A_89] : memref<3x64x128xf32, #tpu.memory_space<vmem>> -> memref<1x64x128xf32, #tpu.memory_space<vmem>>
      %dma_start3A_91 = tpu.memref_squeeze %dma_start3A_90 : memref<1x64x128xf32, #tpu.memory_space<vmem>> -> memref<64x128xf32, #tpu.memory_space<vmem>>
      %dma_start3A_92 = arith.constant 0 : i32
      %dma_start3A_93 = tpu.memref_slice %arg6[%arg0, %multiple_of3A_87, %dma_start3A_92] : memref<2x10240x128xf32, #tpu.memory_space<hbm>> -> memref<1x64x128xf32, #tpu.memory_space<hbm>>
      %dma_start3A_94 = tpu.memref_squeeze %dma_start3A_93 : memref<1x64x128xf32, #tpu.memory_space<hbm>> -> memref<64x128xf32, #tpu.memory_space<hbm>>
      %dma_start3A_95 = tpu.memref_slice %arg11[%rem3A_81] : memref<3x!tpu.dma_semaphore, #tpu.memory_space<semaphore_mem>> -> memref<1x!tpu.dma_semaphore, #tpu.memory_space<semaphore_mem>>
      %dma_start3A_96 = tpu.memref_squeeze %dma_start3A_95 : memref<1x!tpu.dma_semaphore, #tpu.memory_space<semaphore_mem>> -> memref<!tpu.dma_semaphore, #tpu.memory_space<semaphore_mem>>
      %dma_start3A_97 = arith.constant 0 : i32
      %dma_start3A_98 = tpu.memref_slice %arg6[%arg0, %multiple_of3A_87, %dma_start3A_97] : memref<2x10240x128xf32, #tpu.memory_space<hbm>> -> memref<1x64x128xf32, #tpu.memory_space<hbm>>
      %dma_start3A_99 = tpu.memref_squeeze %dma_start3A_98 : memref<1x64x128xf32, #tpu.memory_space<hbm>> -> memref<64x128xf32, #tpu.memory_space<hbm>>
      %dma_start3A_100 = arith.constant 0 : i32
      %dma_start3A_101 = arith.constant 0 : i32
      %dma_start3A_102 = tpu.memref_slice %arg10[%rem3A_81, %dma_start3A_100, %dma_start3A_101] : memref<3x64x128xf32, #tpu.memory_space<vmem>> -> memref<1x64x128xf32, #tpu.memory_space<vmem>>
      %dma_start3A_103 = tpu.memref_squeeze %dma_start3A_102 : memref<1x64x128xf32, #tpu.memory_space<vmem>> -> memref<64x128xf32, #tpu.memory_space<vmem>>
      tpu.enqueue_dma source(%dma_start3A_103 : memref<64x128xf32, #tpu.memory_space<vmem>>) target(%dma_start3A_99 : memref<64x128xf32, #tpu.memory_space<hbm>>) target_semaphore(%dma_start3A_96 : memref<!tpu.dma_semaphore, #tpu.memory_space<semaphore_mem>>)
    }
    %scan3A_72 = arith.constant 10 : i32
    %scan3A_73 = arith.constant 0 : i32
    %scan3A_74 = arith.constant 0 : i32
    %scan3A_75 = arith.constant 3 : i32
    %scan3A_76 = arith.addi %scan3A_74, %scan3A_75 : i32
    %scan3A_77 = arith.constant 1 : i32
    scf.for %scan3A_79 = %scan3A_74 to %scan3A_76 step %scan3A_77  : i32 {
      %dma_wait3A_80 = arith.constant 0 : i32
      %dma_wait3A_81 = arith.constant 0 : i32
      %dma_wait3A_82 = tpu.memref_slice %arg10[%scan3A_79, %dma_wait3A_80, %dma_wait3A_81] : memref<3x64x128xf32, #tpu.memory_space<vmem>> -> memref<1x64x128xf32, #tpu.memory_space<vmem>>
      %dma_wait3A_83 = tpu.memref_squeeze %dma_wait3A_82 : memref<1x64x128xf32, #tpu.memory_space<vmem>> -> memref<64x128xf32, #tpu.memory_space<vmem>>
      %dma_wait3A_84 = arith.constant 0 : i32
      %dma_wait3A_85 = arith.constant 0 : i32
      %dma_wait3A_86 = tpu.memref_slice %arg6[%arg0, %dma_wait3A_84, %dma_wait3A_85] : memref<2x10240x128xf32, #tpu.memory_space<hbm>> -> memref<1x64x128xf32, #tpu.memory_space<hbm>>
      %dma_wait3A_87 = tpu.memref_squeeze %dma_wait3A_86 : memref<1x64x128xf32, #tpu.memory_space<hbm>> -> memref<64x128xf32, #tpu.memory_space<hbm>>
      %dma_wait3A_88 = tpu.memref_slice %arg11[%scan3A_79] : memref<3x!tpu.dma_semaphore, #tpu.memory_space<semaphore_mem>> -> memref<1x!tpu.dma_semaphore, #tpu.memory_space<semaphore_mem>>
      %dma_wait3A_89 = tpu.memref_squeeze %dma_wait3A_88 : memref<1x!tpu.dma_semaphore, #tpu.memory_space<semaphore_mem>> -> memref<!tpu.dma_semaphore, #tpu.memory_space<semaphore_mem>>
      %dma_wait3A_90 = arith.constant 0 : i32
      %dma_wait3A_91 = arith.constant 0 : i32
      %dma_wait3A_92 = tpu.memref_slice %arg6[%arg0, %dma_wait3A_90, %dma_wait3A_91] : memref<2x10240x128xf32, #tpu.memory_space<hbm>> -> memref<1x64x128xf32, #tpu.memory_space<hbm>>
      %dma_wait3A_93 = tpu.memref_squeeze %dma_wait3A_92 : memref<1x64x128xf32, #tpu.memory_space<hbm>> -> memref<64x128xf32, #tpu.memory_space<hbm>>
      %dma_wait3A_94 = arith.constant 0 : i32
      %dma_wait3A_95 = arith.constant 0 : i32
      %dma_wait3A_96 = tpu.memref_slice %arg10[%scan3A_79, %dma_wait3A_94, %dma_wait3A_95] : memref<3x64x128xf32, #tpu.memory_space<vmem>> -> memref<1x64x128xf32, #tpu.memory_space<vmem>>
      %dma_wait3A_97 = tpu.memref_squeeze %dma_wait3A_96 : memref<1x64x128xf32, #tpu.memory_space<vmem>> -> memref<64x128xf32, #tpu.memory_space<vmem>>
      tpu.wait_dma2 semaphore(%dma_wait3A_89 : memref<!tpu.dma_semaphore, #tpu.memory_space<semaphore_mem>>) src(%dma_wait3A_97 : memref<64x128xf32, #tpu.memory_space<vmem>>) dst(%dma_wait3A_93 : memref<64x128xf32, #tpu.memory_space<hbm>>)
    }
    %scan3A_78 = arith.constant 3 : i32
    return
  }
}

#map = affine_map<(d0, d1) -> (0, 0)>
#map1 = affine_map<(d0, d1) -> (0)>
#map2 = affine_map<(d0, d1) -> (0, 0, 0)>
module attributes {stable_mosaic.version = 14 : i64} {
  func.func @_agg_body(%arg0: i32, %arg1: i32, %arg2: memref<10000x128xf32, #tpu.memory_space<hbm>>, %arg3: memref<327680xi32, #tpu.memory_space<hbm>>, %arg4: memref<327680xi32, #tpu.memory_space<hbm>>, %arg5: memref<10240x128xf32, #tpu.memory_space<hbm>>, %arg6: memref<2x10240x128xf32, #tpu.memory_space<hbm>>, %arg7: memref<10240x128xf32, #tpu.memory_space<vmem_shared>>, %arg8: memref<3x64xi32, #tpu.memory_space<vmem>>, %arg9: memref<3x64xi32, #tpu.memory_space<vmem>>, %arg10: memref<3x64x128xf32, #tpu.memory_space<vmem>>, %arg11: memref<3x!tpu.dma_semaphore, #tpu.memory_space<semaphore_mem>>, %arg12: memref<3x!tpu.dma_semaphore, #tpu.memory_space<semaphore_mem>>) attributes {dimension_semantics = [#tpu.dimension_semantics<core_parallel>, #tpu.dimension_semantics<subcore_parallel>], iteration_bounds = array<i64: 2, 16>, scalar_prefetch = 0 : i64, scratch_operands = 6 : i64, tpu.core_type = #tpu.core_type<sc_vector_subcore>, window_params = [{transform_indices = #map}, {transform_indices = #map1}, {transform_indices = #map1}, {transform_indices = #map}, {transform_indices = #map2}]} {
    %mul3A = arith.constant 16 : i32
    %mul3A_0 = arith.muli %arg0, %mul3A : i32
    %add3A = arith.addi %mul3A_0, %arg1 : i32
    %mul3A_1 = arith.constant 640 : i32
    %mul3A_2 = arith.muli %arg1, %mul3A_1 : i32
    %multiple_of3A = tpu.assume_multiple %mul3A_2, 64 : i32
    %run_scoped3A = arith.constant 0 : i32
    "tpu.region"() ({
      %run_scoped3A_79 = tpu.sem_alloc : memref<!tpu.dma_semaphore, #tpu.memory_space<semaphore_mem>>
      %dma_start3A_80 = arith.constant 0 : i32
      %dma_start3A_81 = arith.constant 0 : i32
      %dma_start3A_82 = tpu.memref_slice %arg10[%run_scoped3A, %dma_start3A_80, %dma_start3A_81] : memref<3x64x128xf32, #tpu.memory_space<vmem>> -> memref<1x64x128xf32, #tpu.memory_space<vmem>>
      %dma_start3A_83 = tpu.memref_squeeze %dma_start3A_82 : memref<1x64x128xf32, #tpu.memory_space<vmem>> -> memref<64x128xf32, #tpu.memory_space<vmem>>
      %dma_start3A_84 = arith.constant 0 : i32
      %dma_start3A_85 = tpu.memref_slice %arg5[%multiple_of3A, %dma_start3A_84] : memref<10240x128xf32, #tpu.memory_space<hbm>> -> memref<64x128xf32, #tpu.memory_space<hbm>>
      %dma_start3A_86 = arith.constant 0 : i32
      %dma_start3A_87 = arith.constant 0 : i32
      %dma_start3A_88 = tpu.memref_slice %arg10[%run_scoped3A, %dma_start3A_86, %dma_start3A_87] : memref<3x64x128xf32, #tpu.memory_space<vmem>> -> memref<1x64x128xf32, #tpu.memory_space<vmem>>
      %dma_start3A_89 = tpu.memref_squeeze %dma_start3A_88 : memref<1x64x128xf32, #tpu.memory_space<vmem>> -> memref<64x128xf32, #tpu.memory_space<vmem>>
      %dma_start3A_90 = arith.constant 0 : i32
      %dma_start3A_91 = tpu.memref_slice %arg5[%multiple_of3A, %dma_start3A_90] : memref<10240x128xf32, #tpu.memory_space<hbm>> -> memref<64x128xf32, #tpu.memory_space<hbm>>
      tpu.enqueue_dma source(%dma_start3A_91 : memref<64x128xf32, #tpu.memory_space<hbm>>) target(%dma_start3A_89 : memref<64x128xf32, #tpu.memory_space<vmem>>) target_semaphore(%run_scoped3A_79 : memref<!tpu.dma_semaphore, #tpu.memory_space<semaphore_mem>>)
      %dma_wait3A_92 = arith.constant 0 : i32
      %dma_wait3A_93 = arith.constant 0 : i32
      %dma_wait3A_94 = tpu.memref_slice %arg10[%run_scoped3A, %dma_wait3A_92, %dma_wait3A_93] : memref<3x64x128xf32, #tpu.memory_space<vmem>> -> memref<1x64x128xf32, #tpu.memory_space<vmem>>
      %dma_wait3A_95 = tpu.memref_squeeze %dma_wait3A_94 : memref<1x64x128xf32, #tpu.memory_space<vmem>> -> memref<64x128xf32, #tpu.memory_space<vmem>>
      %dma_wait3A_96 = arith.constant 0 : i32
      %dma_wait3A_97 = tpu.memref_slice %arg5[%multiple_of3A, %dma_wait3A_96] : memref<10240x128xf32, #tpu.memory_space<hbm>> -> memref<64x128xf32, #tpu.memory_space<hbm>>
      %dma_wait3A_98 = arith.constant 0 : i32
      %dma_wait3A_99 = arith.constant 0 : i32
      %dma_wait3A_100 = tpu.memref_slice %arg10[%run_scoped3A, %dma_wait3A_98, %dma_wait3A_99] : memref<3x64x128xf32, #tpu.memory_space<vmem>> -> memref<1x64x128xf32, #tpu.memory_space<vmem>>
      %dma_wait3A_101 = tpu.memref_squeeze %dma_wait3A_100 : memref<1x64x128xf32, #tpu.memory_space<vmem>> -> memref<64x128xf32, #tpu.memory_space<vmem>>
      %dma_wait3A_102 = arith.constant 0 : i32
      %dma_wait3A_103 = tpu.memref_slice %arg5[%multiple_of3A, %dma_wait3A_102] : memref<10240x128xf32, #tpu.memory_space<hbm>> -> memref<64x128xf32, #tpu.memory_space<hbm>>
      tpu.wait_dma2 semaphore(%run_scoped3A_79 : memref<!tpu.dma_semaphore, #tpu.memory_space<semaphore_mem>>) src(%dma_wait3A_103 : memref<64x128xf32, #tpu.memory_space<hbm>>) dst(%dma_wait3A_101 : memref<64x128xf32, #tpu.memory_space<vmem>>)
      tpu.yield
    }) : () -> ()
    %scan3A = arith.constant 0 : i32
    %scan3A_3 = arith.constant 0 : i32
    %scan3A_4 = arith.constant 10 : i32
    %scan3A_5 = arith.addi %scan3A_3, %scan3A_4 : i32
    %scan3A_6 = arith.constant 1 : i32
    scf.for %scan3A_79 = %scan3A_3 to %scan3A_5 step %scan3A_6  : i32 {
      %mul3A_80 = arith.constant 64 : i32
      %mul3A_81 = arith.muli %scan3A_79, %mul3A_80 : i32
      %add3A_82 = arith.addi %mul3A_2, %mul3A_81 : i32
      %multiple_of3A_83 = tpu.assume_multiple %add3A_82, 64 : i32
      %dma_start3A_84 = arith.constant 0 : i32
      %dma_start3A_85 = arith.constant 0 : i32
      %dma_start3A_86 = arith.constant 0 : i32
      %dma_start3A_87 = arith.constant 0 : i32
      %dma_start3A_88 = tpu.memref_slice %arg10[%dma_start3A_84, %dma_start3A_86, %dma_start3A_87] : memref<3x64x128xf32, #tpu.memory_space<vmem>> -> memref<1x64x128xf32, #tpu.memory_space<vmem>>
      %dma_start3A_89 = tpu.memref_squeeze %dma_start3A_88 : memref<1x64x128xf32, #tpu.memory_space<vmem>> -> memref<64x128xf32, #tpu.memory_space<vmem>>
      %dma_start3A_90 = arith.constant 0 : i32
      %dma_start3A_91 = tpu.memref_slice %arg7[%multiple_of3A_83, %dma_start3A_90] : memref<10240x128xf32, #tpu.memory_space<vmem_shared>> -> memref<64x128xf32, #tpu.memory_space<vmem_shared>>
      %dma_start3A_92 = tpu.memref_slice %arg12[%dma_start3A_85] : memref<3x!tpu.dma_semaphore, #tpu.memory_space<semaphore_mem>> -> memref<1x!tpu.dma_semaphore, #tpu.memory_space<semaphore_mem>>
      %dma_start3A_93 = tpu.memref_squeeze %dma_start3A_92 : memref<1x!tpu.dma_semaphore, #tpu.memory_space<semaphore_mem>> -> memref<!tpu.dma_semaphore, #tpu.memory_space<semaphore_mem>>
      %dma_start3A_94 = arith.constant 0 : i32
      %dma_start3A_95 = tpu.memref_slice %arg7[%multiple_of3A_83, %dma_start3A_94] : memref<10240x128xf32, #tpu.memory_space<vmem_shared>> -> memref<64x128xf32, #tpu.memory_space<vmem_shared>>
      %dma_start3A_96 = arith.constant 0 : i32
      %dma_start3A_97 = arith.constant 0 : i32
      %dma_start3A_98 = tpu.memref_slice %arg10[%dma_start3A_84, %dma_start3A_96, %dma_start3A_97] : memref<3x64x128xf32, #tpu.memory_space<vmem>> -> memref<1x64x128xf32, #tpu.memory_space<vmem>>
      %dma_start3A_99 = tpu.memref_squeeze %dma_start3A_98 : memref<1x64x128xf32, #tpu.memory_space<vmem>> -> memref<64x128xf32, #tpu.memory_space<vmem>>
      tpu.enqueue_dma source(%dma_start3A_99 : memref<64x128xf32, #tpu.memory_space<vmem>>) target(%dma_start3A_95 : memref<64x128xf32, #tpu.memory_space<vmem_shared>>) target_semaphore(%dma_start3A_93 : memref<!tpu.dma_semaphore, #tpu.memory_space<semaphore_mem>>)
    }
    %scan3A_7 = arith.constant 10 : i32
    %scan3A_8 = arith.constant 0 : i32
    %scan3A_9 = arith.constant 0 : i32
    %scan3A_10 = arith.constant 10 : i32
    %scan3A_11 = arith.addi %scan3A_9, %scan3A_10 : i32
    %scan3A_12 = arith.constant 1 : i32
    scf.for %scan3A_79 = %scan3A_9 to %scan3A_11 step %scan3A_12  : i32 {
      %multiple_of3A_80 = tpu.assume_multiple %mul3A_2, 64 : i32
      %dma_wait3A_81 = arith.constant 0 : i32
      %dma_wait3A_82 = arith.constant 0 : i32
      %dma_wait3A_83 = arith.constant 0 : i32
      %dma_wait3A_84 = arith.constant 0 : i32
      %dma_wait3A_85 = tpu.memref_slice %arg10[%dma_wait3A_81, %dma_wait3A_83, %dma_wait3A_84] : memref<3x64x128xf32, #tpu.memory_space<vmem>> -> memref<1x64x128xf32, #tpu.memory_space<vmem>>
      %dma_wait3A_86 = tpu.memref_squeeze %dma_wait3A_85 : memref<1x64x128xf32, #tpu.memory_space<vmem>> -> memref<64x128xf32, #tpu.memory_space<vmem>>
      %dma_wait3A_87 = arith.constant 0 : i32
      %dma_wait3A_88 = tpu.memref_slice %arg7[%multiple_of3A_80, %dma_wait3A_87] : memref<10240x128xf32, #tpu.memory_space<vmem_shared>> -> memref<64x128xf32, #tpu.memory_space<vmem_shared>>
      %dma_wait3A_89 = tpu.memref_slice %arg12[%dma_wait3A_82] : memref<3x!tpu.dma_semaphore, #tpu.memory_space<semaphore_mem>> -> memref<1x!tpu.dma_semaphore, #tpu.memory_space<semaphore_mem>>
      %dma_wait3A_90 = tpu.memref_squeeze %dma_wait3A_89 : memref<1x!tpu.dma_semaphore, #tpu.memory_space<semaphore_mem>> -> memref<!tpu.dma_semaphore, #tpu.memory_space<semaphore_mem>>
      %dma_wait3A_91 = arith.constant 0 : i32
      %dma_wait3A_92 = tpu.memref_slice %arg7[%multiple_of3A_80, %dma_wait3A_91] : memref<10240x128xf32, #tpu.memory_space<vmem_shared>> -> memref<64x128xf32, #tpu.memory_space<vmem_shared>>
      %dma_wait3A_93 = arith.constant 0 : i32
      %dma_wait3A_94 = arith.constant 0 : i32
      %dma_wait3A_95 = tpu.memref_slice %arg10[%dma_wait3A_81, %dma_wait3A_93, %dma_wait3A_94] : memref<3x64x128xf32, #tpu.memory_space<vmem>> -> memref<1x64x128xf32, #tpu.memory_space<vmem>>
      %dma_wait3A_96 = tpu.memref_squeeze %dma_wait3A_95 : memref<1x64x128xf32, #tpu.memory_space<vmem>> -> memref<64x128xf32, #tpu.memory_space<vmem>>
      tpu.wait_dma2 semaphore(%dma_wait3A_90 : memref<!tpu.dma_semaphore, #tpu.memory_space<semaphore_mem>>) src(%dma_wait3A_96 : memref<64x128xf32, #tpu.memory_space<vmem>>) dst(%dma_wait3A_92 : memref<64x128xf32, #tpu.memory_space<vmem_shared>>)
    }
    %scan3A_13 = arith.constant 10 : i32
    %barrier3A = arith.constant 0 : index
    tpu.barrier barrier_id(%barrier3A)
    %mul3A_14 = arith.constant 10240 : i32
    %mul3A_15 = arith.muli %add3A, %mul3A_14 : i32
    %multiple_of3A_16 = tpu.assume_multiple %mul3A_15, 64 : i32
    %run_scoped3A_17 = arith.constant 0 : i32
    "tpu.region"() ({
      %run_scoped3A_79 = tpu.sem_alloc : memref<!tpu.dma_semaphore, #tpu.memory_space<semaphore_mem>>
      %dma_start3A_80 = arith.constant 0 : i32
      %dma_start3A_81 = tpu.memref_slice %arg8[%run_scoped3A_17, %dma_start3A_80] : memref<3x64xi32, #tpu.memory_space<vmem>> -> memref<1x64xi32, #tpu.memory_space<vmem>>
      %dma_start3A_82 = tpu.memref_squeeze %dma_start3A_81 : memref<1x64xi32, #tpu.memory_space<vmem>> -> memref<64xi32, #tpu.memory_space<vmem>>
      %dma_start3A_83 = tpu.memref_slice %arg3[%multiple_of3A_16] : memref<327680xi32, #tpu.memory_space<hbm>> -> memref<64xi32, #tpu.memory_space<hbm>>
      %dma_start3A_84 = arith.constant 0 : i32
      %dma_start3A_85 = tpu.memref_slice %arg8[%run_scoped3A_17, %dma_start3A_84] : memref<3x64xi32, #tpu.memory_space<vmem>> -> memref<1x64xi32, #tpu.memory_space<vmem>>
      %dma_start3A_86 = tpu.memref_squeeze %dma_start3A_85 : memref<1x64xi32, #tpu.memory_space<vmem>> -> memref<64xi32, #tpu.memory_space<vmem>>
      %dma_start3A_87 = tpu.memref_slice %arg3[%multiple_of3A_16] : memref<327680xi32, #tpu.memory_space<hbm>> -> memref<64xi32, #tpu.memory_space<hbm>>
      tpu.enqueue_dma source(%dma_start3A_87 : memref<64xi32, #tpu.memory_space<hbm>>) target(%dma_start3A_86 : memref<64xi32, #tpu.memory_space<vmem>>) target_semaphore(%run_scoped3A_79 : memref<!tpu.dma_semaphore, #tpu.memory_space<semaphore_mem>>)
      %dma_wait3A_88 = arith.constant 0 : i32
      %dma_wait3A_89 = tpu.memref_slice %arg8[%run_scoped3A_17, %dma_wait3A_88] : memref<3x64xi32, #tpu.memory_space<vmem>> -> memref<1x64xi32, #tpu.memory_space<vmem>>
      %dma_wait3A_90 = tpu.memref_squeeze %dma_wait3A_89 : memref<1x64xi32, #tpu.memory_space<vmem>> -> memref<64xi32, #tpu.memory_space<vmem>>
      %dma_wait3A_91 = tpu.memref_slice %arg3[%multiple_of3A_16] : memref<327680xi32, #tpu.memory_space<hbm>> -> memref<64xi32, #tpu.memory_space<hbm>>
      %dma_wait3A_92 = arith.constant 0 : i32
      %dma_wait3A_93 = tpu.memref_slice %arg8[%run_scoped3A_17, %dma_wait3A_92] : memref<3x64xi32, #tpu.memory_space<vmem>> -> memref<1x64xi32, #tpu.memory_space<vmem>>
      %dma_wait3A_94 = tpu.memref_squeeze %dma_wait3A_93 : memref<1x64xi32, #tpu.memory_space<vmem>> -> memref<64xi32, #tpu.memory_space<vmem>>
      %dma_wait3A_95 = tpu.memref_slice %arg3[%multiple_of3A_16] : memref<327680xi32, #tpu.memory_space<hbm>> -> memref<64xi32, #tpu.memory_space<hbm>>
      tpu.wait_dma2 semaphore(%run_scoped3A_79 : memref<!tpu.dma_semaphore, #tpu.memory_space<semaphore_mem>>) src(%dma_wait3A_95 : memref<64xi32, #tpu.memory_space<hbm>>) dst(%dma_wait3A_94 : memref<64xi32, #tpu.memory_space<vmem>>)
      tpu.yield
    }) : () -> ()
    %dma_start3A = arith.constant 0 : i32
    %dma_start3A_18 = arith.constant 0 : i32
    %dma_start3A_19 = arith.constant 0 : i32
    %dma_start3A_20 = arith.constant 0 : i32
    %dma_start3A_21 = arith.constant 0 : i32
    %dma_start3A_22 = tpu.memref_slice %arg10[%dma_start3A_18, %dma_start3A_20, %dma_start3A_21] : memref<3x64x128xf32, #tpu.memory_space<vmem>> -> memref<1x64x128xf32, #tpu.memory_space<vmem>>
    %dma_start3A_23 = tpu.memref_squeeze %dma_start3A_22 : memref<1x64x128xf32, #tpu.memory_space<vmem>> -> memref<64x128xf32, #tpu.memory_space<vmem>>
    %dma_start3A_24 = arith.constant 0 : i32
    %dma_start3A_25 = tpu.memref_slice %arg8[%dma_start3A, %dma_start3A_24] : memref<3x64xi32, #tpu.memory_space<vmem>> -> memref<1x64xi32, #tpu.memory_space<vmem>>
    %dma_start3A_26 = tpu.memref_squeeze %dma_start3A_25 : memref<1x64xi32, #tpu.memory_space<vmem>> -> memref<64xi32, #tpu.memory_space<vmem>>
    %dma_start3A_27 = arith.constant 0 : i32
    %dma_start3A_28 = arith.constant 0 : i32
    %dma_start3A_29 = tpu.memref_slice %arg2[%dma_start3A_27, %dma_start3A_28] : memref<10000x128xf32, #tpu.memory_space<hbm>> -> memref<10000x128xf32, #tpu.memory_space<hbm>>
    %dma_start3A_30 = tpu.memref_slice %arg11[%dma_start3A_19] : memref<3x!tpu.dma_semaphore, #tpu.memory_space<semaphore_mem>> -> memref<1x!tpu.dma_semaphore, #tpu.memory_space<semaphore_mem>>
    %dma_start3A_31 = tpu.memref_squeeze %dma_start3A_30 : memref<1x!tpu.dma_semaphore, #tpu.memory_space<semaphore_mem>> -> memref<!tpu.dma_semaphore, #tpu.memory_space<semaphore_mem>>
    tpu.enqueue_indirect_dma source(%dma_start3A_29 : memref<10000x128xf32, #tpu.memory_space<hbm>>) target(%dma_start3A_23 : memref<64x128xf32, #tpu.memory_space<vmem>>) offsets(%dma_start3A_26 : memref<64xi32, #tpu.memory_space<vmem>>) semaphore(%dma_start3A_31 : memref<!tpu.dma_semaphore, #tpu.memory_space<semaphore_mem>>)
    %scan3A_32 = arith.constant 0 : i32
    %scan3A_33 = arith.constant 0 : i32
    %scan3A_34 = arith.constant 160 : i32
    %scan3A_35 = arith.addi %scan3A_33, %scan3A_34 : i32
    %scan3A_36 = arith.constant 1 : i32
    scf.for %scan3A_79 = %scan3A_33 to %scan3A_35 step %scan3A_36  : i32 {
      %rem3A_80 = arith.constant 3 : i32
      %rem3A_81 = arith.remsi %scan3A_79, %rem3A_80 : i32
      %add3A_82 = arith.constant 1 : i32
      %add3A_83 = arith.addi %scan3A_79, %add3A_82 : i32
      %rem3A_84 = arith.constant 3 : i32
      %rem3A_85 = arith.remsi %add3A_83, %rem3A_84 : i32
      %ge3A = arith.constant 2 : i32
      %ge3A_86 = arith.cmpi sge, %scan3A_79, %ge3A : i32
      %convert_element_type3A = arith.extui %ge3A_86 : i1 to i32
      %cond3A = arith.constant 0 : i32
      %cond3A_87 = arith.cmpi ne, %convert_element_type3A, %cond3A : i32
      scf.if %cond3A_87 {
        %dma_wait3A_120 = arith.constant 0 : i32
        %dma_wait3A_121 = arith.constant 0 : i32
        %dma_wait3A_122 = tpu.memref_slice %arg10[%rem3A_85, %dma_wait3A_120, %dma_wait3A_121] : memref<3x64x128xf32, #tpu.memory_space<vmem>> -> memref<1x64x128xf32, #tpu.memory_space<vmem>>
        %dma_wait3A_123 = tpu.memref_squeeze %dma_wait3A_122 : memref<1x64x128xf32, #tpu.memory_space<vmem>> -> memref<64x128xf32, #tpu.memory_space<vmem>>
        %dma_wait3A_124 = arith.constant 0 : i32
        %dma_wait3A_125 = tpu.memref_slice %arg9[%rem3A_85, %dma_wait3A_124] : memref<3x64xi32, #tpu.memory_space<vmem>> -> memref<1x64xi32, #tpu.memory_space<vmem>>
        %dma_wait3A_126 = tpu.memref_squeeze %dma_wait3A_125 : memref<1x64xi32, #tpu.memory_space<vmem>> -> memref<64xi32, #tpu.memory_space<vmem>>
        %dma_wait3A_127 = arith.constant 0 : i32
        %dma_wait3A_128 = arith.constant 0 : i32
        %dma_wait3A_129 = tpu.memref_slice %arg7[%dma_wait3A_127, %dma_wait3A_128] : memref<10240x128xf32, #tpu.memory_space<vmem_shared>> -> memref<10240x128xf32, #tpu.memory_space<vmem_shared>>
        %dma_wait3A_130 = tpu.memref_slice %arg12[%rem3A_85] : memref<3x!tpu.dma_semaphore, #tpu.memory_space<semaphore_mem>> -> memref<1x!tpu.dma_semaphore, #tpu.memory_space<semaphore_mem>>
        %dma_wait3A_131 = tpu.memref_squeeze %dma_wait3A_130 : memref<1x!tpu.dma_semaphore, #tpu.memory_space<semaphore_mem>> -> memref<!tpu.dma_semaphore, #tpu.memory_space<semaphore_mem>>
        tpu.wait_indirect_dma semaphore(%dma_wait3A_131 : memref<!tpu.dma_semaphore, #tpu.memory_space<semaphore_mem>>) src(%dma_wait3A_123 : memref<64x128xf32, #tpu.memory_space<vmem>>) dst(%dma_wait3A_129 : memref<10240x128xf32, #tpu.memory_space<vmem_shared>>)
      } else {
      }
      %lt3A = arith.constant 159 : i32
      %lt3A_88 = arith.cmpi slt, %scan3A_79, %lt3A : i32
      %convert_element_type3A_89 = arith.extui %lt3A_88 : i1 to i32
      %cond3A_90 = arith.constant 0 : i32
      %cond3A_91 = arith.cmpi ne, %convert_element_type3A_89, %cond3A_90 : i32
      scf.if %cond3A_91 {
        %add3A_120 = arith.constant 1 : i32
        %add3A_121 = arith.addi %scan3A_79, %add3A_120 : i32
        %mul3A_122 = arith.constant 64 : i32
        %mul3A_123 = arith.muli %add3A_121, %mul3A_122 : i32
        %add3A_124 = arith.addi %mul3A_15, %mul3A_123 : i32
        %multiple_of3A_125 = tpu.assume_multiple %add3A_124, 64 : i32
        "tpu.region"() ({
          %run_scoped3A_138 = tpu.sem_alloc : memref<!tpu.dma_semaphore, #tpu.memory_space<semaphore_mem>>
          %dma_start3A_139 = arith.constant 0 : i32
          %dma_start3A_140 = tpu.memref_slice %arg8[%rem3A_85, %dma_start3A_139] : memref<3x64xi32, #tpu.memory_space<vmem>> -> memref<1x64xi32, #tpu.memory_space<vmem>>
          %dma_start3A_141 = tpu.memref_squeeze %dma_start3A_140 : memref<1x64xi32, #tpu.memory_space<vmem>> -> memref<64xi32, #tpu.memory_space<vmem>>
          %dma_start3A_142 = tpu.memref_slice %arg3[%multiple_of3A_125] : memref<327680xi32, #tpu.memory_space<hbm>> -> memref<64xi32, #tpu.memory_space<hbm>>
          %dma_start3A_143 = arith.constant 0 : i32
          %dma_start3A_144 = tpu.memref_slice %arg8[%rem3A_85, %dma_start3A_143] : memref<3x64xi32, #tpu.memory_space<vmem>> -> memref<1x64xi32, #tpu.memory_space<vmem>>
          %dma_start3A_145 = tpu.memref_squeeze %dma_start3A_144 : memref<1x64xi32, #tpu.memory_space<vmem>> -> memref<64xi32, #tpu.memory_space<vmem>>
          %dma_start3A_146 = tpu.memref_slice %arg3[%multiple_of3A_125] : memref<327680xi32, #tpu.memory_space<hbm>> -> memref<64xi32, #tpu.memory_space<hbm>>
          tpu.enqueue_dma source(%dma_start3A_146 : memref<64xi32, #tpu.memory_space<hbm>>) target(%dma_start3A_145 : memref<64xi32, #tpu.memory_space<vmem>>) target_semaphore(%run_scoped3A_138 : memref<!tpu.dma_semaphore, #tpu.memory_space<semaphore_mem>>)
          %dma_wait3A_147 = arith.constant 0 : i32
          %dma_wait3A_148 = tpu.memref_slice %arg8[%rem3A_85, %dma_wait3A_147] : memref<3x64xi32, #tpu.memory_space<vmem>> -> memref<1x64xi32, #tpu.memory_space<vmem>>
          %dma_wait3A_149 = tpu.memref_squeeze %dma_wait3A_148 : memref<1x64xi32, #tpu.memory_space<vmem>> -> memref<64xi32, #tpu.memory_space<vmem>>
          %dma_wait3A_150 = tpu.memref_slice %arg3[%multiple_of3A_125] : memref<327680xi32, #tpu.memory_space<hbm>> -> memref<64xi32, #tpu.memory_space<hbm>>
          %dma_wait3A_151 = arith.constant 0 : i32
          %dma_wait3A_152 = tpu.memref_slice %arg8[%rem3A_85, %dma_wait3A_151] : memref<3x64xi32, #tpu.memory_space<vmem>> -> memref<1x64xi32, #tpu.memory_space<vmem>>
          %dma_wait3A_153 = tpu.memref_squeeze %dma_wait3A_152 : memref<1x64xi32, #tpu.memory_space<vmem>> -> memref<64xi32, #tpu.memory_space<vmem>>
          %dma_wait3A_154 = tpu.memref_slice %arg3[%multiple_of3A_125] : memref<327680xi32, #tpu.memory_space<hbm>> -> memref<64xi32, #tpu.memory_space<hbm>>
          tpu.wait_dma2 semaphore(%run_scoped3A_138 : memref<!tpu.dma_semaphore, #tpu.memory_space<semaphore_mem>>) src(%dma_wait3A_154 : memref<64xi32, #tpu.memory_space<hbm>>) dst(%dma_wait3A_153 : memref<64xi32, #tpu.memory_space<vmem>>)
          tpu.yield
        }) : () -> ()
        %dma_start3A_126 = arith.constant 0 : i32
        %dma_start3A_127 = arith.constant 0 : i32
        %dma_start3A_128 = tpu.memref_slice %arg10[%rem3A_85, %dma_start3A_126, %dma_start3A_127] : memref<3x64x128xf32, #tpu.memory_space<vmem>> -> memref<1x64x128xf32, #tpu.memory_space<vmem>>
        %dma_start3A_129 = tpu.memref_squeeze %dma_start3A_128 : memref<1x64x128xf32, #tpu.memory_space<vmem>> -> memref<64x128xf32, #tpu.memory_space<vmem>>
        %dma_start3A_130 = arith.constant 0 : i32
        %dma_start3A_131 = tpu.memref_slice %arg8[%rem3A_85, %dma_start3A_130] : memref<3x64xi32, #tpu.memory_space<vmem>> -> memref<1x64xi32, #tpu.memory_space<vmem>>
        %dma_start3A_132 = tpu.memref_squeeze %dma_start3A_131 : memref<1x64xi32, #tpu.memory_space<vmem>> -> memref<64xi32, #tpu.memory_space<vmem>>
        %dma_start3A_133 = arith.constant 0 : i32
        %dma_start3A_134 = arith.constant 0 : i32
        %dma_start3A_135 = tpu.memref_slice %arg2[%dma_start3A_133, %dma_start3A_134] : memref<10000x128xf32, #tpu.memory_space<hbm>> -> memref<10000x128xf32, #tpu.memory_space<hbm>>
        %dma_start3A_136 = tpu.memref_slice %arg11[%rem3A_85] : memref<3x!tpu.dma_semaphore, #tpu.memory_space<semaphore_mem>> -> memref<1x!tpu.dma_semaphore, #tpu.memory_space<semaphore_mem>>
        %dma_start3A_137 = tpu.memref_squeeze %dma_start3A_136 : memref<1x!tpu.dma_semaphore, #tpu.memory_space<semaphore_mem>> -> memref<!tpu.dma_semaphore, #tpu.memory_space<semaphore_mem>>
        tpu.enqueue_indirect_dma source(%dma_start3A_135 : memref<10000x128xf32, #tpu.memory_space<hbm>>) target(%dma_start3A_129 : memref<64x128xf32, #tpu.memory_space<vmem>>) offsets(%dma_start3A_132 : memref<64xi32, #tpu.memory_space<vmem>>) semaphore(%dma_start3A_137 : memref<!tpu.dma_semaphore, #tpu.memory_space<semaphore_mem>>)
      } else {
      }
      %mul3A_92 = arith.constant 64 : i32
      %mul3A_93 = arith.muli %scan3A_79, %mul3A_92 : i32
      %add3A_94 = arith.addi %mul3A_15, %mul3A_93 : i32
      %multiple_of3A_95 = tpu.assume_multiple %add3A_94, 64 : i32
      "tpu.region"() ({
        %run_scoped3A_120 = tpu.sem_alloc : memref<!tpu.dma_semaphore, #tpu.memory_space<semaphore_mem>>
        %dma_start3A_121 = arith.constant 0 : i32
        %dma_start3A_122 = tpu.memref_slice %arg9[%rem3A_81, %dma_start3A_121] : memref<3x64xi32, #tpu.memory_space<vmem>> -> memref<1x64xi32, #tpu.memory_space<vmem>>
        %dma_start3A_123 = tpu.memref_squeeze %dma_start3A_122 : memref<1x64xi32, #tpu.memory_space<vmem>> -> memref<64xi32, #tpu.memory_space<vmem>>
        %dma_start3A_124 = tpu.memref_slice %arg4[%multiple_of3A_95] : memref<327680xi32, #tpu.memory_space<hbm>> -> memref<64xi32, #tpu.memory_space<hbm>>
        %dma_start3A_125 = arith.constant 0 : i32
        %dma_start3A_126 = tpu.memref_slice %arg9[%rem3A_81, %dma_start3A_125] : memref<3x64xi32, #tpu.memory_space<vmem>> -> memref<1x64xi32, #tpu.memory_space<vmem>>
        %dma_start3A_127 = tpu.memref_squeeze %dma_start3A_126 : memref<1x64xi32, #tpu.memory_space<vmem>> -> memref<64xi32, #tpu.memory_space<vmem>>
        %dma_start3A_128 = tpu.memref_slice %arg4[%multiple_of3A_95] : memref<327680xi32, #tpu.memory_space<hbm>> -> memref<64xi32, #tpu.memory_space<hbm>>
        tpu.enqueue_dma source(%dma_start3A_128 : memref<64xi32, #tpu.memory_space<hbm>>) target(%dma_start3A_127 : memref<64xi32, #tpu.memory_space<vmem>>) target_semaphore(%run_scoped3A_120 : memref<!tpu.dma_semaphore, #tpu.memory_space<semaphore_mem>>)
        %dma_wait3A_129 = arith.constant 0 : i32
        %dma_wait3A_130 = tpu.memref_slice %arg9[%rem3A_81, %dma_wait3A_129] : memref<3x64xi32, #tpu.memory_space<vmem>> -> memref<1x64xi32, #tpu.memory_space<vmem>>
        %dma_wait3A_131 = tpu.memref_squeeze %dma_wait3A_130 : memref<1x64xi32, #tpu.memory_space<vmem>> -> memref<64xi32, #tpu.memory_space<vmem>>
        %dma_wait3A_132 = tpu.memref_slice %arg4[%multiple_of3A_95] : memref<327680xi32, #tpu.memory_space<hbm>> -> memref<64xi32, #tpu.memory_space<hbm>>
        %dma_wait3A_133 = arith.constant 0 : i32
        %dma_wait3A_134 = tpu.memref_slice %arg9[%rem3A_81, %dma_wait3A_133] : memref<3x64xi32, #tpu.memory_space<vmem>> -> memref<1x64xi32, #tpu.memory_space<vmem>>
        %dma_wait3A_135 = tpu.memref_squeeze %dma_wait3A_134 : memref<1x64xi32, #tpu.memory_space<vmem>> -> memref<64xi32, #tpu.memory_space<vmem>>
        %dma_wait3A_136 = tpu.memref_slice %arg4[%multiple_of3A_95] : memref<327680xi32, #tpu.memory_space<hbm>> -> memref<64xi32, #tpu.memory_space<hbm>>
        tpu.wait_dma2 semaphore(%run_scoped3A_120 : memref<!tpu.dma_semaphore, #tpu.memory_space<semaphore_mem>>) src(%dma_wait3A_136 : memref<64xi32, #tpu.memory_space<hbm>>) dst(%dma_wait3A_135 : memref<64xi32, #tpu.memory_space<vmem>>)
        tpu.yield
      }) : () -> ()
      %dma_wait3A_96 = arith.constant 0 : i32
      %dma_wait3A_97 = arith.constant 0 : i32
      %dma_wait3A_98 = tpu.memref_slice %arg10[%rem3A_81, %dma_wait3A_96, %dma_wait3A_97] : memref<3x64x128xf32, #tpu.memory_space<vmem>> -> memref<1x64x128xf32, #tpu.memory_space<vmem>>
      %dma_wait3A_99 = tpu.memref_squeeze %dma_wait3A_98 : memref<1x64x128xf32, #tpu.memory_space<vmem>> -> memref<64x128xf32, #tpu.memory_space<vmem>>
      %dma_wait3A_100 = arith.constant 0 : i32
      %dma_wait3A_101 = tpu.memref_slice %arg8[%rem3A_81, %dma_wait3A_100] : memref<3x64xi32, #tpu.memory_space<vmem>> -> memref<1x64xi32, #tpu.memory_space<vmem>>
      %dma_wait3A_102 = tpu.memref_squeeze %dma_wait3A_101 : memref<1x64xi32, #tpu.memory_space<vmem>> -> memref<64xi32, #tpu.memory_space<vmem>>
      %dma_wait3A_103 = arith.constant 0 : i32
      %dma_wait3A_104 = arith.constant 0 : i32
      %dma_wait3A_105 = tpu.memref_slice %arg2[%dma_wait3A_103, %dma_wait3A_104] : memref<10000x128xf32, #tpu.memory_space<hbm>> -> memref<10000x128xf32, #tpu.memory_space<hbm>>
      %dma_wait3A_106 = tpu.memref_slice %arg11[%rem3A_81] : memref<3x!tpu.dma_semaphore, #tpu.memory_space<semaphore_mem>> -> memref<1x!tpu.dma_semaphore, #tpu.memory_space<semaphore_mem>>
      %dma_wait3A_107 = tpu.memref_squeeze %dma_wait3A_106 : memref<1x!tpu.dma_semaphore, #tpu.memory_space<semaphore_mem>> -> memref<!tpu.dma_semaphore, #tpu.memory_space<semaphore_mem>>
      tpu.wait_indirect_dma semaphore(%dma_wait3A_107 : memref<!tpu.dma_semaphore, #tpu.memory_space<semaphore_mem>>) src(%dma_wait3A_105 : memref<10000x128xf32, #tpu.memory_space<hbm>>) dst(%dma_wait3A_99 : memref<64x128xf32, #tpu.memory_space<vmem>>)
      %dma_start3A_108 = arith.constant 0 : i32
      %dma_start3A_109 = arith.constant 0 : i32
      %dma_start3A_110 = tpu.memref_slice %arg10[%rem3A_81, %dma_start3A_108, %dma_start3A_109] : memref<3x64x128xf32, #tpu.memory_space<vmem>> -> memref<1x64x128xf32, #tpu.memory_space<vmem>>
      %dma_start3A_111 = tpu.memref_squeeze %dma_start3A_110 : memref<1x64x128xf32, #tpu.memory_space<vmem>> -> memref<64x128xf32, #tpu.memory_space<vmem>>
      %dma_start3A_112 = arith.constant 0 : i32
      %dma_start3A_113 = tpu.memref_slice %arg9[%rem3A_81, %dma_start3A_112] : memref<3x64xi32, #tpu.memory_space<vmem>> -> memref<1x64xi32, #tpu.memory_space<vmem>>
      %dma_start3A_114 = tpu.memref_squeeze %dma_start3A_113 : memref<1x64xi32, #tpu.memory_space<vmem>> -> memref<64xi32, #tpu.memory_space<vmem>>
      %dma_start3A_115 = arith.constant 0 : i32
      %dma_start3A_116 = arith.constant 0 : i32
      %dma_start3A_117 = tpu.memref_slice %arg7[%dma_start3A_115, %dma_start3A_116] : memref<10240x128xf32, #tpu.memory_space<vmem_shared>> -> memref<10240x128xf32, #tpu.memory_space<vmem_shared>>
      %dma_start3A_118 = tpu.memref_slice %arg12[%rem3A_81] : memref<3x!tpu.dma_semaphore, #tpu.memory_space<semaphore_mem>> -> memref<1x!tpu.dma_semaphore, #tpu.memory_space<semaphore_mem>>
      %dma_start3A_119 = tpu.memref_squeeze %dma_start3A_118 : memref<1x!tpu.dma_semaphore, #tpu.memory_space<semaphore_mem>> -> memref<!tpu.dma_semaphore, #tpu.memory_space<semaphore_mem>>
      tpu.enqueue_indirect_dma source(%dma_start3A_111 : memref<64x128xf32, #tpu.memory_space<vmem>>) target(%dma_start3A_117 : memref<10240x128xf32, #tpu.memory_space<vmem_shared>>) offsets(%dma_start3A_114 : memref<64xi32, #tpu.memory_space<vmem>>) semaphore(%dma_start3A_119 : memref<!tpu.dma_semaphore, #tpu.memory_space<semaphore_mem>>) {add = true}
    }
    %scan3A_37 = arith.constant 160 : i32
    %rem3A = arith.constant 159 : i32
    %rem3A_38 = arith.constant 3 : i32
    %rem3A_39 = arith.remsi %rem3A, %rem3A_38 : i32
    %rem3A_40 = arith.constant 158 : i32
    %rem3A_41 = arith.constant 3 : i32
    %rem3A_42 = arith.remsi %rem3A_40, %rem3A_41 : i32
    %dma_wait3A = arith.constant 0 : i32
    %dma_wait3A_43 = arith.constant 0 : i32
    %dma_wait3A_44 = tpu.memref_slice %arg10[%rem3A_39, %dma_wait3A, %dma_wait3A_43] : memref<3x64x128xf32, #tpu.memory_space<vmem>> -> memref<1x64x128xf32, #tpu.memory_space<vmem>>
    %dma_wait3A_45 = tpu.memref_squeeze %dma_wait3A_44 : memref<1x64x128xf32, #tpu.memory_space<vmem>> -> memref<64x128xf32, #tpu.memory_space<vmem>>
    %dma_wait3A_46 = arith.constant 0 : i32
    %dma_wait3A_47 = tpu.memref_slice %arg9[%rem3A_39, %dma_wait3A_46] : memref<3x64xi32, #tpu.memory_space<vmem>> -> memref<1x64xi32, #tpu.memory_space<vmem>>
    %dma_wait3A_48 = tpu.memref_squeeze %dma_wait3A_47 : memref<1x64xi32, #tpu.memory_space<vmem>> -> memref<64xi32, #tpu.memory_space<vmem>>
    %dma_wait3A_49 = arith.constant 0 : i32
    %dma_wait3A_50 = arith.constant 0 : i32
    %dma_wait3A_51 = tpu.memref_slice %arg7[%dma_wait3A_49, %dma_wait3A_50] : memref<10240x128xf32, #tpu.memory_space<vmem_shared>> -> memref<10240x128xf32, #tpu.memory_space<vmem_shared>>
    %dma_wait3A_52 = tpu.memref_slice %arg12[%rem3A_39] : memref<3x!tpu.dma_semaphore, #tpu.memory_space<semaphore_mem>> -> memref<1x!tpu.dma_semaphore, #tpu.memory_space<semaphore_mem>>
    %dma_wait3A_53 = tpu.memref_squeeze %dma_wait3A_52 : memref<1x!tpu.dma_semaphore, #tpu.memory_space<semaphore_mem>> -> memref<!tpu.dma_semaphore, #tpu.memory_space<semaphore_mem>>
    tpu.wait_indirect_dma semaphore(%dma_wait3A_53 : memref<!tpu.dma_semaphore, #tpu.memory_space<semaphore_mem>>) src(%dma_wait3A_45 : memref<64x128xf32, #tpu.memory_space<vmem>>) dst(%dma_wait3A_51 : memref<10240x128xf32, #tpu.memory_space<vmem_shared>>)
    %dma_wait3A_54 = arith.constant 0 : i32
    %dma_wait3A_55 = arith.constant 0 : i32
    %dma_wait3A_56 = tpu.memref_slice %arg10[%rem3A_42, %dma_wait3A_54, %dma_wait3A_55] : memref<3x64x128xf32, #tpu.memory_space<vmem>> -> memref<1x64x128xf32, #tpu.memory_space<vmem>>
    %dma_wait3A_57 = tpu.memref_squeeze %dma_wait3A_56 : memref<1x64x128xf32, #tpu.memory_space<vmem>> -> memref<64x128xf32, #tpu.memory_space<vmem>>
    %dma_wait3A_58 = arith.constant 0 : i32
    %dma_wait3A_59 = tpu.memref_slice %arg9[%rem3A_42, %dma_wait3A_58] : memref<3x64xi32, #tpu.memory_space<vmem>> -> memref<1x64xi32, #tpu.memory_space<vmem>>
    %dma_wait3A_60 = tpu.memref_squeeze %dma_wait3A_59 : memref<1x64xi32, #tpu.memory_space<vmem>> -> memref<64xi32, #tpu.memory_space<vmem>>
    %dma_wait3A_61 = arith.constant 0 : i32
    %dma_wait3A_62 = arith.constant 0 : i32
    %dma_wait3A_63 = tpu.memref_slice %arg7[%dma_wait3A_61, %dma_wait3A_62] : memref<10240x128xf32, #tpu.memory_space<vmem_shared>> -> memref<10240x128xf32, #tpu.memory_space<vmem_shared>>
    %dma_wait3A_64 = tpu.memref_slice %arg12[%rem3A_42] : memref<3x!tpu.dma_semaphore, #tpu.memory_space<semaphore_mem>> -> memref<1x!tpu.dma_semaphore, #tpu.memory_space<semaphore_mem>>
    %dma_wait3A_65 = tpu.memref_squeeze %dma_wait3A_64 : memref<1x!tpu.dma_semaphore, #tpu.memory_space<semaphore_mem>> -> memref<!tpu.dma_semaphore, #tpu.memory_space<semaphore_mem>>
    tpu.wait_indirect_dma semaphore(%dma_wait3A_65 : memref<!tpu.dma_semaphore, #tpu.memory_space<semaphore_mem>>) src(%dma_wait3A_57 : memref<64x128xf32, #tpu.memory_space<vmem>>) dst(%dma_wait3A_63 : memref<10240x128xf32, #tpu.memory_space<vmem_shared>>)
    %barrier3A_66 = arith.constant 0 : index
    tpu.barrier barrier_id(%barrier3A_66)
    %scan3A_67 = arith.constant 0 : i32
    %scan3A_68 = arith.constant 0 : i32
    %scan3A_69 = arith.constant 10 : i32
    %scan3A_70 = arith.addi %scan3A_68, %scan3A_69 : i32
    %scan3A_71 = arith.constant 1 : i32
    scf.for %scan3A_79 = %scan3A_68 to %scan3A_70 step %scan3A_71  : i32 {
      %rem3A_80 = arith.constant 3 : i32
      %rem3A_81 = arith.remsi %scan3A_79, %rem3A_80 : i32
      %ge3A = arith.constant 3 : i32
      %ge3A_82 = arith.cmpi sge, %scan3A_79, %ge3A : i32
      %convert_element_type3A = arith.extui %ge3A_82 : i1 to i32
      %cond3A = arith.constant 0 : i32
      %cond3A_83 = arith.cmpi ne, %convert_element_type3A, %cond3A : i32
      scf.if %cond3A_83 {
        %dma_wait3A_104 = arith.constant 0 : i32
        %dma_wait3A_105 = arith.constant 0 : i32
        %dma_wait3A_106 = tpu.memref_slice %arg10[%rem3A_81, %dma_wait3A_104, %dma_wait3A_105] : memref<3x64x128xf32, #tpu.memory_space<vmem>> -> memref<1x64x128xf32, #tpu.memory_space<vmem>>
        %dma_wait3A_107 = tpu.memref_squeeze %dma_wait3A_106 : memref<1x64x128xf32, #tpu.memory_space<vmem>> -> memref<64x128xf32, #tpu.memory_space<vmem>>
        %dma_wait3A_108 = arith.constant 0 : i32
        %dma_wait3A_109 = arith.constant 0 : i32
        %dma_wait3A_110 = tpu.memref_slice %arg6[%arg0, %dma_wait3A_108, %dma_wait3A_109] : memref<2x10240x128xf32, #tpu.memory_space<hbm>> -> memref<1x64x128xf32, #tpu.memory_space<hbm>>
        %dma_wait3A_111 = tpu.memref_squeeze %dma_wait3A_110 : memref<1x64x128xf32, #tpu.memory_space<hbm>> -> memref<64x128xf32, #tpu.memory_space<hbm>>
        %dma_wait3A_112 = tpu.memref_slice %arg11[%rem3A_81] : memref<3x!tpu.dma_semaphore, #tpu.memory_space<semaphore_mem>> -> memref<1x!tpu.dma_semaphore, #tpu.memory_space<semaphore_mem>>
        %dma_wait3A_113 = tpu.memref_squeeze %dma_wait3A_112 : memref<1x!tpu.dma_semaphore, #tpu.memory_space<semaphore_mem>> -> memref<!tpu.dma_semaphore, #tpu.memory_space<semaphore_mem>>
        %dma_wait3A_114 = arith.constant 0 : i32
        %dma_wait3A_115 = arith.constant 0 : i32
        %dma_wait3A_116 = tpu.memref_slice %arg6[%arg0, %dma_wait3A_114, %dma_wait3A_115] : memref<2x10240x128xf32, #tpu.memory_space<hbm>> -> memref<1x64x128xf32, #tpu.memory_space<hbm>>
        %dma_wait3A_117 = tpu.memref_squeeze %dma_wait3A_116 : memref<1x64x128xf32, #tpu.memory_space<hbm>> -> memref<64x128xf32, #tpu.memory_space<hbm>>
        %dma_wait3A_118 = arith.constant 0 : i32
        %dma_wait3A_119 = arith.constant 0 : i32
        %dma_wait3A_120 = tpu.memref_slice %arg10[%rem3A_81, %dma_wait3A_118, %dma_wait3A_119] : memref<3x64x128xf32, #tpu.memory_space<vmem>> -> memref<1x64x128xf32, #tpu.memory_space<vmem>>
        %dma_wait3A_121 = tpu.memref_squeeze %dma_wait3A_120 : memref<1x64x128xf32, #tpu.memory_space<vmem>> -> memref<64x128xf32, #tpu.memory_space<vmem>>
        tpu.wait_dma2 semaphore(%dma_wait3A_113 : memref<!tpu.dma_semaphore, #tpu.memory_space<semaphore_mem>>) src(%dma_wait3A_121 : memref<64x128xf32, #tpu.memory_space<vmem>>) dst(%dma_wait3A_117 : memref<64x128xf32, #tpu.memory_space<hbm>>)
      } else {
      }
      %mul3A_84 = arith.constant 64 : i32
      %mul3A_85 = arith.muli %scan3A_79, %mul3A_84 : i32
      %add3A_86 = arith.addi %mul3A_2, %mul3A_85 : i32
      %multiple_of3A_87 = tpu.assume_multiple %add3A_86, 64 : i32
      "tpu.region"() ({
        %run_scoped3A_104 = tpu.sem_alloc : memref<!tpu.dma_semaphore, #tpu.memory_space<semaphore_mem>>
        %dma_start3A_105 = arith.constant 0 : i32
        %dma_start3A_106 = arith.constant 0 : i32
        %dma_start3A_107 = tpu.memref_slice %arg10[%rem3A_81, %dma_start3A_105, %dma_start3A_106] : memref<3x64x128xf32, #tpu.memory_space<vmem>> -> memref<1x64x128xf32, #tpu.memory_space<vmem>>
        %dma_start3A_108 = tpu.memref_squeeze %dma_start3A_107 : memref<1x64x128xf32, #tpu.memory_space<vmem>> -> memref<64x128xf32, #tpu.memory_space<vmem>>
        %dma_start3A_109 = arith.constant 0 : i32
        %dma_start3A_110 = tpu.memref_slice %arg7[%multiple_of3A_87, %dma_start3A_109] : memref<10240x128xf32, #tpu.memory_space<vmem_shared>> -> memref<64x128xf32, #tpu.memory_space<vmem_shared>>
        %dma_start3A_111 = arith.constant 0 : i32
        %dma_start3A_112 = arith.constant 0 : i32
        %dma_start3A_113 = tpu.memref_slice %arg10[%rem3A_81, %dma_start3A_111, %dma_start3A_112] : memref<3x64x128xf32, #tpu.memory_space<vmem>> -> memref<1x64x128xf32, #tpu.memory_space<vmem>>
        %dma_start3A_114 = tpu.memref_squeeze %dma_start3A_113 : memref<1x64x128xf32, #tpu.memory_space<vmem>> -> memref<64x128xf32, #tpu.memory_space<vmem>>
        %dma_start3A_115 = arith.constant 0 : i32
        %dma_start3A_116 = tpu.memref_slice %arg7[%multiple_of3A_87, %dma_start3A_115] : memref<10240x128xf32, #tpu.memory_space<vmem_shared>> -> memref<64x128xf32, #tpu.memory_space<vmem_shared>>
        tpu.enqueue_dma source(%dma_start3A_116 : memref<64x128xf32, #tpu.memory_space<vmem_shared>>) target(%dma_start3A_114 : memref<64x128xf32, #tpu.memory_space<vmem>>) target_semaphore(%run_scoped3A_104 : memref<!tpu.dma_semaphore, #tpu.memory_space<semaphore_mem>>)
        %dma_wait3A_117 = arith.constant 0 : i32
        %dma_wait3A_118 = arith.constant 0 : i32
        %dma_wait3A_119 = tpu.memref_slice %arg10[%rem3A_81, %dma_wait3A_117, %dma_wait3A_118] : memref<3x64x128xf32, #tpu.memory_space<vmem>> -> memref<1x64x128xf32, #tpu.memory_space<vmem>>
        %dma_wait3A_120 = tpu.memref_squeeze %dma_wait3A_119 : memref<1x64x128xf32, #tpu.memory_space<vmem>> -> memref<64x128xf32, #tpu.memory_space<vmem>>
        %dma_wait3A_121 = arith.constant 0 : i32
        %dma_wait3A_122 = tpu.memref_slice %arg7[%multiple_of3A_87, %dma_wait3A_121] : memref<10240x128xf32, #tpu.memory_space<vmem_shared>> -> memref<64x128xf32, #tpu.memory_space<vmem_shared>>
        %dma_wait3A_123 = arith.constant 0 : i32
        %dma_wait3A_124 = arith.constant 0 : i32
        %dma_wait3A_125 = tpu.memref_slice %arg10[%rem3A_81, %dma_wait3A_123, %dma_wait3A_124] : memref<3x64x128xf32, #tpu.memory_space<vmem>> -> memref<1x64x128xf32, #tpu.memory_space<vmem>>
        %dma_wait3A_126 = tpu.memref_squeeze %dma_wait3A_125 : memref<1x64x128xf32, #tpu.memory_space<vmem>> -> memref<64x128xf32, #tpu.memory_space<vmem>>
        %dma_wait3A_127 = arith.constant 0 : i32
        %dma_wait3A_128 = tpu.memref_slice %arg7[%multiple_of3A_87, %dma_wait3A_127] : memref<10240x128xf32, #tpu.memory_space<vmem_shared>> -> memref<64x128xf32, #tpu.memory_space<vmem_shared>>
        tpu.wait_dma2 semaphore(%run_scoped3A_104 : memref<!tpu.dma_semaphore, #tpu.memory_space<semaphore_mem>>) src(%dma_wait3A_128 : memref<64x128xf32, #tpu.memory_space<vmem_shared>>) dst(%dma_wait3A_126 : memref<64x128xf32, #tpu.memory_space<vmem>>)
        tpu.yield
      }) : () -> ()
      %dma_start3A_88 = arith.constant 0 : i32
      %dma_start3A_89 = arith.constant 0 : i32
      %dma_start3A_90 = tpu.memref_slice %arg10[%rem3A_81, %dma_start3A_88, %dma_start3A_89] : memref<3x64x128xf32, #tpu.memory_space<vmem>> -> memref<1x64x128xf32, #tpu.memory_space<vmem>>
      %dma_start3A_91 = tpu.memref_squeeze %dma_start3A_90 : memref<1x64x128xf32, #tpu.memory_space<vmem>> -> memref<64x128xf32, #tpu.memory_space<vmem>>
      %dma_start3A_92 = arith.constant 0 : i32
      %dma_start3A_93 = tpu.memref_slice %arg6[%arg0, %multiple_of3A_87, %dma_start3A_92] : memref<2x10240x128xf32, #tpu.memory_space<hbm>> -> memref<1x64x128xf32, #tpu.memory_space<hbm>>
      %dma_start3A_94 = tpu.memref_squeeze %dma_start3A_93 : memref<1x64x128xf32, #tpu.memory_space<hbm>> -> memref<64x128xf32, #tpu.memory_space<hbm>>
      %dma_start3A_95 = tpu.memref_slice %arg11[%rem3A_81] : memref<3x!tpu.dma_semaphore, #tpu.memory_space<semaphore_mem>> -> memref<1x!tpu.dma_semaphore, #tpu.memory_space<semaphore_mem>>
      %dma_start3A_96 = tpu.memref_squeeze %dma_start3A_95 : memref<1x!tpu.dma_semaphore, #tpu.memory_space<semaphore_mem>> -> memref<!tpu.dma_semaphore, #tpu.memory_space<semaphore_mem>>
      %dma_start3A_97 = arith.constant 0 : i32
      %dma_start3A_98 = tpu.memref_slice %arg6[%arg0, %multiple_of3A_87, %dma_start3A_97] : memref<2x10240x128xf32, #tpu.memory_space<hbm>> -> memref<1x64x128xf32, #tpu.memory_space<hbm>>
      %dma_start3A_99 = tpu.memref_squeeze %dma_start3A_98 : memref<1x64x128xf32, #tpu.memory_space<hbm>> -> memref<64x128xf32, #tpu.memory_space<hbm>>
      %dma_start3A_100 = arith.constant 0 : i32
      %dma_start3A_101 = arith.constant 0 : i32
      %dma_start3A_102 = tpu.memref_slice %arg10[%rem3A_81, %dma_start3A_100, %dma_start3A_101] : memref<3x64x128xf32, #tpu.memory_space<vmem>> -> memref<1x64x128xf32, #tpu.memory_space<vmem>>
      %dma_start3A_103 = tpu.memref_squeeze %dma_start3A_102 : memref<1x64x128xf32, #tpu.memory_space<vmem>> -> memref<64x128xf32, #tpu.memory_space<vmem>>
      tpu.enqueue_dma source(%dma_start3A_103 : memref<64x128xf32, #tpu.memory_space<vmem>>) target(%dma_start3A_99 : memref<64x128xf32, #tpu.memory_space<hbm>>) target_semaphore(%dma_start3A_96 : memref<!tpu.dma_semaphore, #tpu.memory_space<semaphore_mem>>)
    }
    %scan3A_72 = arith.constant 10 : i32
    %scan3A_73 = arith.constant 0 : i32
    %scan3A_74 = arith.constant 0 : i32
    %scan3A_75 = arith.constant 3 : i32
    %scan3A_76 = arith.addi %scan3A_74, %scan3A_75 : i32
    %scan3A_77 = arith.constant 1 : i32
    scf.for %scan3A_79 = %scan3A_74 to %scan3A_76 step %scan3A_77  : i32 {
      %dma_wait3A_80 = arith.constant 0 : i32
      %dma_wait3A_81 = arith.constant 0 : i32
      %dma_wait3A_82 = tpu.memref_slice %arg10[%scan3A_79, %dma_wait3A_80, %dma_wait3A_81] : memref<3x64x128xf32, #tpu.memory_space<vmem>> -> memref<1x64x128xf32, #tpu.memory_space<vmem>>
      %dma_wait3A_83 = tpu.memref_squeeze %dma_wait3A_82 : memref<1x64x128xf32, #tpu.memory_space<vmem>> -> memref<64x128xf32, #tpu.memory_space<vmem>>
      %dma_wait3A_84 = arith.constant 0 : i32
      %dma_wait3A_85 = arith.constant 0 : i32
      %dma_wait3A_86 = tpu.memref_slice %arg6[%arg0, %dma_wait3A_84, %dma_wait3A_85] : memref<2x10240x128xf32, #tpu.memory_space<hbm>> -> memref<1x64x128xf32, #tpu.memory_space<hbm>>
      %dma_wait3A_87 = tpu.memref_squeeze %dma_wait3A_86 : memref<1x64x128xf32, #tpu.memory_space<hbm>> -> memref<64x128xf32, #tpu.memory_space<hbm>>
      %dma_wait3A_88 = tpu.memref_slice %arg11[%scan3A_79] : memref<3x!tpu.dma_semaphore, #tpu.memory_space<semaphore_mem>> -> memref<1x!tpu.dma_semaphore, #tpu.memory_space<semaphore_mem>>
      %dma_wait3A_89 = tpu.memref_squeeze %dma_wait3A_88 : memref<1x!tpu.dma_semaphore, #tpu.memory_space<semaphore_mem>> -> memref<!tpu.dma_semaphore, #tpu.memory_space<semaphore_mem>>
      %dma_wait3A_90 = arith.constant 0 : i32
      %dma_wait3A_91 = arith.constant 0 : i32
      %dma_wait3A_92 = tpu.memref_slice %arg6[%arg0, %dma_wait3A_90, %dma_wait3A_91] : memref<2x10240x128xf32, #tpu.memory_space<hbm>> -> memref<1x64x128xf32, #tpu.memory_space<hbm>>
      %dma_wait3A_93 = tpu.memref_squeeze %dma_wait3A_92 : memref<1x64x128xf32, #tpu.memory_space<hbm>> -> memref<64x128xf32, #tpu.memory_space<hbm>>
      %dma_wait3A_94 = arith.constant 0 : i32
      %dma_wait3A_95 = arith.constant 0 : i32
      %dma_wait3A_96 = tpu.memref_slice %arg10[%scan3A_79, %dma_wait3A_94, %dma_wait3A_95] : memref<3x64x128xf32, #tpu.memory_space<vmem>> -> memref<1x64x128xf32, #tpu.memory_space<vmem>>
      %dma_wait3A_97 = tpu.memref_squeeze %dma_wait3A_96 : memref<1x64x128xf32, #tpu.memory_space<vmem>> -> memref<64x128xf32, #tpu.memory_space<vmem>>
      tpu.wait_dma2 semaphore(%dma_wait3A_89 : memref<!tpu.dma_semaphore, #tpu.memory_space<semaphore_mem>>) src(%dma_wait3A_97 : memref<64x128xf32, #tpu.memory_space<vmem>>) dst(%dma_wait3A_93 : memref<64x128xf32, #tpu.memory_space<hbm>>)
    }
    %scan3A_78 = arith.constant 3 : i32
    return
  }
}

#map = affine_map<(d0, d1) -> (0)>
#map1 = affine_map<(d0, d1) -> (0, 0)>
#map2 = affine_map<(d0, d1) -> (0, 0, 0)>
module attributes {stable_mosaic.version = 14 : i64} {
  func.func @_deg_body(%arg0: i32, %arg1: i32, %arg2: memref<327680xi32, #tpu.memory_space<hbm>>, %arg3: memref<10240x128xf32, #tpu.memory_space<hbm>>, %arg4: memref<128x128xf32, #tpu.memory_space<hbm>>, %arg5: memref<2x10240x128xf32, #tpu.memory_space<hbm>>, %arg6: memref<10240x128xf32, #tpu.memory_space<vmem_shared>>, %arg7: memref<3x128xi32, #tpu.memory_space<vmem>>, %arg8: memref<128x128xf32, #tpu.memory_space<vmem>>, %arg9: memref<3x!tpu.dma_semaphore, #tpu.memory_space<semaphore_mem>>) attributes {dimension_semantics = [#tpu.dimension_semantics<core_parallel>, #tpu.dimension_semantics<subcore_parallel>], iteration_bounds = array<i64: 2, 16>, scalar_prefetch = 0 : i64, scratch_operands = 4 : i64, tpu.core_type = #tpu.core_type<sc_vector_subcore>, window_params = [{transform_indices = #map}, {transform_indices = #map1}, {transform_indices = #map1}, {transform_indices = #map2}]} {
    %mul3A = arith.constant 16 : i32
    %mul3A_0 = arith.muli %arg0, %mul3A : i32
    %add3A = arith.addi %mul3A_0, %arg1 : i32
    %mul3A_1 = arith.constant 640 : i32
    %mul3A_2 = arith.muli %arg1, %mul3A_1 : i32
    %scan3A = arith.constant 0 : i32
    %scan3A_3 = arith.constant 0 : i32
    %scan3A_4 = arith.constant 5 : i32
    %scan3A_5 = arith.addi %scan3A_3, %scan3A_4 : i32
    %scan3A_6 = arith.constant 1 : i32
    scf.for %scan3A_29 = %scan3A_3 to %scan3A_5 step %scan3A_6  : i32 {
      %mul3A_30 = arith.constant 128 : i32
      %mul3A_31 = arith.muli %scan3A_29, %mul3A_30 : i32
      %add3A_32 = arith.addi %mul3A_2, %mul3A_31 : i32
      %multiple_of3A = tpu.assume_multiple %add3A_32, 128 : i32
      "tpu.region"() ({
        %run_scoped3A = tpu.sem_alloc : memref<!tpu.dma_semaphore, #tpu.memory_space<semaphore_mem>>
        %dma_start3A = arith.constant 0 : i32
        %dma_start3A_33 = tpu.memref_slice %arg3[%multiple_of3A, %dma_start3A] : memref<10240x128xf32, #tpu.memory_space<hbm>> -> memref<128x128xf32, #tpu.memory_space<hbm>>
        %dma_start3A_34 = arith.constant 0 : i32
        %dma_start3A_35 = tpu.memref_slice %arg3[%multiple_of3A, %dma_start3A_34] : memref<10240x128xf32, #tpu.memory_space<hbm>> -> memref<128x128xf32, #tpu.memory_space<hbm>>
        tpu.enqueue_dma source(%dma_start3A_35 : memref<128x128xf32, #tpu.memory_space<hbm>>) target(%arg8 : memref<128x128xf32, #tpu.memory_space<vmem>>) target_semaphore(%run_scoped3A : memref<!tpu.dma_semaphore, #tpu.memory_space<semaphore_mem>>)
        %dma_wait3A = arith.constant 0 : i32
        %dma_wait3A_36 = tpu.memref_slice %arg3[%multiple_of3A, %dma_wait3A] : memref<10240x128xf32, #tpu.memory_space<hbm>> -> memref<128x128xf32, #tpu.memory_space<hbm>>
        %dma_wait3A_37 = arith.constant 0 : i32
        %dma_wait3A_38 = tpu.memref_slice %arg3[%multiple_of3A, %dma_wait3A_37] : memref<10240x128xf32, #tpu.memory_space<hbm>> -> memref<128x128xf32, #tpu.memory_space<hbm>>
        tpu.wait_dma2 semaphore(%run_scoped3A : memref<!tpu.dma_semaphore, #tpu.memory_space<semaphore_mem>>) src(%dma_wait3A_38 : memref<128x128xf32, #tpu.memory_space<hbm>>) dst(%arg8 : memref<128x128xf32, #tpu.memory_space<vmem>>)
        tpu.yield
      }) : () -> ()
      "tpu.region"() ({
        %run_scoped3A = tpu.sem_alloc : memref<!tpu.dma_semaphore, #tpu.memory_space<semaphore_mem>>
        %dma_start3A = arith.constant 0 : i32
        %dma_start3A_33 = tpu.memref_slice %arg6[%multiple_of3A, %dma_start3A] : memref<10240x128xf32, #tpu.memory_space<vmem_shared>> -> memref<128x128xf32, #tpu.memory_space<vmem_shared>>
        %dma_start3A_34 = arith.constant 0 : i32
        %dma_start3A_35 = tpu.memref_slice %arg6[%multiple_of3A, %dma_start3A_34] : memref<10240x128xf32, #tpu.memory_space<vmem_shared>> -> memref<128x128xf32, #tpu.memory_space<vmem_shared>>
        tpu.enqueue_dma source(%arg8 : memref<128x128xf32, #tpu.memory_space<vmem>>) target(%dma_start3A_35 : memref<128x128xf32, #tpu.memory_space<vmem_shared>>) target_semaphore(%run_scoped3A : memref<!tpu.dma_semaphore, #tpu.memory_space<semaphore_mem>>)
        %dma_wait3A = arith.constant 0 : i32
        %dma_wait3A_36 = tpu.memref_slice %arg6[%multiple_of3A, %dma_wait3A] : memref<10240x128xf32, #tpu.memory_space<vmem_shared>> -> memref<128x128xf32, #tpu.memory_space<vmem_shared>>
        %dma_wait3A_37 = arith.constant 0 : i32
        %dma_wait3A_38 = tpu.memref_slice %arg6[%multiple_of3A, %dma_wait3A_37] : memref<10240x128xf32, #tpu.memory_space<vmem_shared>> -> memref<128x128xf32, #tpu.memory_space<vmem_shared>>
        tpu.wait_dma2 semaphore(%run_scoped3A : memref<!tpu.dma_semaphore, #tpu.memory_space<semaphore_mem>>) src(%arg8 : memref<128x128xf32, #tpu.memory_space<vmem>>) dst(%dma_wait3A_38 : memref<128x128xf32, #tpu.memory_space<vmem_shared>>)
        tpu.yield
      }) : () -> ()
    }
    %scan3A_7 = arith.constant 5 : i32
    "tpu.region"() ({
      %run_scoped3A = tpu.sem_alloc : memref<!tpu.dma_semaphore, #tpu.memory_space<semaphore_mem>>
      tpu.enqueue_dma source(%arg4 : memref<128x128xf32, #tpu.memory_space<hbm>>) target(%arg8 : memref<128x128xf32, #tpu.memory_space<vmem>>) target_semaphore(%run_scoped3A : memref<!tpu.dma_semaphore, #tpu.memory_space<semaphore_mem>>)
      tpu.wait_dma2 semaphore(%run_scoped3A : memref<!tpu.dma_semaphore, #tpu.memory_space<semaphore_mem>>) src(%arg4 : memref<128x128xf32, #tpu.memory_space<hbm>>) dst(%arg8 : memref<128x128xf32, #tpu.memory_space<vmem>>)
      tpu.yield
    }) : () -> ()
    %barrier3A = arith.constant 0 : index
    tpu.barrier barrier_id(%barrier3A)
    %mul3A_8 = arith.constant 10240 : i32
    %mul3A_9 = arith.muli %add3A, %mul3A_8 : i32
    %scan3A_10 = arith.constant 0 : i32
    %scan3A_11 = arith.constant 0 : i32
    %scan3A_12 = arith.constant 80 : i32
    %scan3A_13 = arith.addi %scan3A_11, %scan3A_12 : i32
    %scan3A_14 = arith.constant 1 : i32
    scf.for %scan3A_29 = %scan3A_11 to %scan3A_13 step %scan3A_14  : i32 {
      %rem3A = arith.constant 3 : i32
      %rem3A_30 = arith.remsi %scan3A_29, %rem3A : i32
      %ge3A = arith.constant 3 : i32
      %ge3A_31 = arith.cmpi sge, %scan3A_29, %ge3A : i32
      %convert_element_type3A = arith.extui %ge3A_31 : i1 to i32
      %cond3A = arith.constant 0 : i32
      %cond3A_32 = arith.cmpi ne, %convert_element_type3A, %cond3A : i32
      scf.if %cond3A_32 {
        %dma_wait3A = arith.constant 0 : i32
        %dma_wait3A_43 = tpu.memref_slice %arg7[%rem3A_30, %dma_wait3A] : memref<3x128xi32, #tpu.memory_space<vmem>> -> memref<1x128xi32, #tpu.memory_space<vmem>>
        %dma_wait3A_44 = tpu.memref_squeeze %dma_wait3A_43 : memref<1x128xi32, #tpu.memory_space<vmem>> -> memref<128xi32, #tpu.memory_space<vmem>>
        %dma_wait3A_45 = arith.constant 0 : i32
        %dma_wait3A_46 = arith.constant 0 : i32
        %dma_wait3A_47 = tpu.memref_slice %arg6[%dma_wait3A_45, %dma_wait3A_46] : memref<10240x128xf32, #tpu.memory_space<vmem_shared>> -> memref<10240x128xf32, #tpu.memory_space<vmem_shared>>
        %dma_wait3A_48 = tpu.memref_slice %arg9[%rem3A_30] : memref<3x!tpu.dma_semaphore, #tpu.memory_space<semaphore_mem>> -> memref<1x!tpu.dma_semaphore, #tpu.memory_space<semaphore_mem>>
        %dma_wait3A_49 = tpu.memref_squeeze %dma_wait3A_48 : memref<1x!tpu.dma_semaphore, #tpu.memory_space<semaphore_mem>> -> memref<!tpu.dma_semaphore, #tpu.memory_space<semaphore_mem>>
        tpu.wait_indirect_dma semaphore(%dma_wait3A_49 : memref<!tpu.dma_semaphore, #tpu.memory_space<semaphore_mem>>) src(%arg8 : memref<128x128xf32, #tpu.memory_space<vmem>>) dst(%dma_wait3A_47 : memref<10240x128xf32, #tpu.memory_space<vmem_shared>>)
      } else {
      }
      %mul3A_33 = arith.constant 128 : i32
      %mul3A_34 = arith.muli %scan3A_29, %mul3A_33 : i32
      %add3A_35 = arith.addi %mul3A_9, %mul3A_34 : i32
      %multiple_of3A = tpu.assume_multiple %add3A_35, 128 : i32
      "tpu.region"() ({
        %run_scoped3A = tpu.sem_alloc : memref<!tpu.dma_semaphore, #tpu.memory_space<semaphore_mem>>
        %dma_start3A_43 = arith.constant 0 : i32
        %dma_start3A_44 = tpu.memref_slice %arg7[%rem3A_30, %dma_start3A_43] : memref<3x128xi32, #tpu.memory_space<vmem>> -> memref<1x128xi32, #tpu.memory_space<vmem>>
        %dma_start3A_45 = tpu.memref_squeeze %dma_start3A_44 : memref<1x128xi32, #tpu.memory_space<vmem>> -> memref<128xi32, #tpu.memory_space<vmem>>
        %dma_start3A_46 = tpu.memref_slice %arg2[%multiple_of3A] : memref<327680xi32, #tpu.memory_space<hbm>> -> memref<128xi32, #tpu.memory_space<hbm>>
        %dma_start3A_47 = arith.constant 0 : i32
        %dma_start3A_48 = tpu.memref_slice %arg7[%rem3A_30, %dma_start3A_47] : memref<3x128xi32, #tpu.memory_space<vmem>> -> memref<1x128xi32, #tpu.memory_space<vmem>>
        %dma_start3A_49 = tpu.memref_squeeze %dma_start3A_48 : memref<1x128xi32, #tpu.memory_space<vmem>> -> memref<128xi32, #tpu.memory_space<vmem>>
        %dma_start3A_50 = tpu.memref_slice %arg2[%multiple_of3A] : memref<327680xi32, #tpu.memory_space<hbm>> -> memref<128xi32, #tpu.memory_space<hbm>>
        tpu.enqueue_dma source(%dma_start3A_50 : memref<128xi32, #tpu.memory_space<hbm>>) target(%dma_start3A_49 : memref<128xi32, #tpu.memory_space<vmem>>) target_semaphore(%run_scoped3A : memref<!tpu.dma_semaphore, #tpu.memory_space<semaphore_mem>>)
        %dma_wait3A = arith.constant 0 : i32
        %dma_wait3A_51 = tpu.memref_slice %arg7[%rem3A_30, %dma_wait3A] : memref<3x128xi32, #tpu.memory_space<vmem>> -> memref<1x128xi32, #tpu.memory_space<vmem>>
        %dma_wait3A_52 = tpu.memref_squeeze %dma_wait3A_51 : memref<1x128xi32, #tpu.memory_space<vmem>> -> memref<128xi32, #tpu.memory_space<vmem>>
        %dma_wait3A_53 = tpu.memref_slice %arg2[%multiple_of3A] : memref<327680xi32, #tpu.memory_space<hbm>> -> memref<128xi32, #tpu.memory_space<hbm>>
        %dma_wait3A_54 = arith.constant 0 : i32
        %dma_wait3A_55 = tpu.memref_slice %arg7[%rem3A_30, %dma_wait3A_54] : memref<3x128xi32, #tpu.memory_space<vmem>> -> memref<1x128xi32, #tpu.memory_space<vmem>>
        %dma_wait3A_56 = tpu.memref_squeeze %dma_wait3A_55 : memref<1x128xi32, #tpu.memory_space<vmem>> -> memref<128xi32, #tpu.memory_space<vmem>>
        %dma_wait3A_57 = tpu.memref_slice %arg2[%multiple_of3A] : memref<327680xi32, #tpu.memory_space<hbm>> -> memref<128xi32, #tpu.memory_space<hbm>>
        tpu.wait_dma2 semaphore(%run_scoped3A : memref<!tpu.dma_semaphore, #tpu.memory_space<semaphore_mem>>) src(%dma_wait3A_57 : memref<128xi32, #tpu.memory_space<hbm>>) dst(%dma_wait3A_56 : memref<128xi32, #tpu.memory_space<vmem>>)
        tpu.yield
      }) : () -> ()
      %dma_start3A = arith.constant 0 : i32
      %dma_start3A_36 = tpu.memref_slice %arg7[%rem3A_30, %dma_start3A] : memref<3x128xi32, #tpu.memory_space<vmem>> -> memref<1x128xi32, #tpu.memory_space<vmem>>
      %dma_start3A_37 = tpu.memref_squeeze %dma_start3A_36 : memref<1x128xi32, #tpu.memory_space<vmem>> -> memref<128xi32, #tpu.memory_space<vmem>>
      %dma_start3A_38 = arith.constant 0 : i32
      %dma_start3A_39 = arith.constant 0 : i32
      %dma_start3A_40 = tpu.memref_slice %arg6[%dma_start3A_38, %dma_start3A_39] : memref<10240x128xf32, #tpu.memory_space<vmem_shared>> -> memref<10240x128xf32, #tpu.memory_space<vmem_shared>>
      %dma_start3A_41 = tpu.memref_slice %arg9[%rem3A_30] : memref<3x!tpu.dma_semaphore, #tpu.memory_space<semaphore_mem>> -> memref<1x!tpu.dma_semaphore, #tpu.memory_space<semaphore_mem>>
      %dma_start3A_42 = tpu.memref_squeeze %dma_start3A_41 : memref<1x!tpu.dma_semaphore, #tpu.memory_space<semaphore_mem>> -> memref<!tpu.dma_semaphore, #tpu.memory_space<semaphore_mem>>
      tpu.enqueue_indirect_dma source(%arg8 : memref<128x128xf32, #tpu.memory_space<vmem>>) target(%dma_start3A_40 : memref<10240x128xf32, #tpu.memory_space<vmem_shared>>) offsets(%dma_start3A_37 : memref<128xi32, #tpu.memory_space<vmem>>) semaphore(%dma_start3A_42 : memref<!tpu.dma_semaphore, #tpu.memory_space<semaphore_mem>>) {add = true}
    }
    %scan3A_15 = arith.constant 80 : i32
    %scan3A_16 = arith.constant 0 : i32
    %scan3A_17 = arith.constant 0 : i32
    %scan3A_18 = arith.constant 3 : i32
    %scan3A_19 = arith.addi %scan3A_17, %scan3A_18 : i32
    %scan3A_20 = arith.constant 1 : i32
    scf.for %scan3A_29 = %scan3A_17 to %scan3A_19 step %scan3A_20  : i32 {
      %dma_wait3A = arith.constant 0 : i32
      %dma_wait3A_30 = tpu.memref_slice %arg7[%scan3A_29, %dma_wait3A] : memref<3x128xi32, #tpu.memory_space<vmem>> -> memref<1x128xi32, #tpu.memory_space<vmem>>
      %dma_wait3A_31 = tpu.memref_squeeze %dma_wait3A_30 : memref<1x128xi32, #tpu.memory_space<vmem>> -> memref<128xi32, #tpu.memory_space<vmem>>
      %dma_wait3A_32 = arith.constant 0 : i32
      %dma_wait3A_33 = arith.constant 0 : i32
      %dma_wait3A_34 = tpu.memref_slice %arg6[%dma_wait3A_32, %dma_wait3A_33] : memref<10240x128xf32, #tpu.memory_space<vmem_shared>> -> memref<10240x128xf32, #tpu.memory_space<vmem_shared>>
      %dma_wait3A_35 = tpu.memref_slice %arg9[%scan3A_29] : memref<3x!tpu.dma_semaphore, #tpu.memory_space<semaphore_mem>> -> memref<1x!tpu.dma_semaphore, #tpu.memory_space<semaphore_mem>>
      %dma_wait3A_36 = tpu.memref_squeeze %dma_wait3A_35 : memref<1x!tpu.dma_semaphore, #tpu.memory_space<semaphore_mem>> -> memref<!tpu.dma_semaphore, #tpu.memory_space<semaphore_mem>>
      tpu.wait_indirect_dma semaphore(%dma_wait3A_36 : memref<!tpu.dma_semaphore, #tpu.memory_space<semaphore_mem>>) src(%arg8 : memref<128x128xf32, #tpu.memory_space<vmem>>) dst(%dma_wait3A_34 : memref<10240x128xf32, #tpu.memory_space<vmem_shared>>)
    }
    %scan3A_21 = arith.constant 3 : i32
    %barrier3A_22 = arith.constant 0 : index
    tpu.barrier barrier_id(%barrier3A_22)
    %scan3A_23 = arith.constant 0 : i32
    %scan3A_24 = arith.constant 0 : i32
    %scan3A_25 = arith.constant 5 : i32
    %scan3A_26 = arith.addi %scan3A_24, %scan3A_25 : i32
    %scan3A_27 = arith.constant 1 : i32
    scf.for %scan3A_29 = %scan3A_24 to %scan3A_26 step %scan3A_27  : i32 {
      %mul3A_30 = arith.constant 128 : i32
      %mul3A_31 = arith.muli %scan3A_29, %mul3A_30 : i32
      %add3A_32 = arith.addi %mul3A_2, %mul3A_31 : i32
      %multiple_of3A = tpu.assume_multiple %add3A_32, 128 : i32
      "tpu.region"() ({
        %run_scoped3A = tpu.sem_alloc : memref<!tpu.dma_semaphore, #tpu.memory_space<semaphore_mem>>
        %dma_start3A = arith.constant 0 : i32
        %dma_start3A_33 = tpu.memref_slice %arg6[%multiple_of3A, %dma_start3A] : memref<10240x128xf32, #tpu.memory_space<vmem_shared>> -> memref<128x128xf32, #tpu.memory_space<vmem_shared>>
        %dma_start3A_34 = arith.constant 0 : i32
        %dma_start3A_35 = tpu.memref_slice %arg6[%multiple_of3A, %dma_start3A_34] : memref<10240x128xf32, #tpu.memory_space<vmem_shared>> -> memref<128x128xf32, #tpu.memory_space<vmem_shared>>
        tpu.enqueue_dma source(%dma_start3A_35 : memref<128x128xf32, #tpu.memory_space<vmem_shared>>) target(%arg8 : memref<128x128xf32, #tpu.memory_space<vmem>>) target_semaphore(%run_scoped3A : memref<!tpu.dma_semaphore, #tpu.memory_space<semaphore_mem>>)
        %dma_wait3A = arith.constant 0 : i32
        %dma_wait3A_36 = tpu.memref_slice %arg6[%multiple_of3A, %dma_wait3A] : memref<10240x128xf32, #tpu.memory_space<vmem_shared>> -> memref<128x128xf32, #tpu.memory_space<vmem_shared>>
        %dma_wait3A_37 = arith.constant 0 : i32
        %dma_wait3A_38 = tpu.memref_slice %arg6[%multiple_of3A, %dma_wait3A_37] : memref<10240x128xf32, #tpu.memory_space<vmem_shared>> -> memref<128x128xf32, #tpu.memory_space<vmem_shared>>
        tpu.wait_dma2 semaphore(%run_scoped3A : memref<!tpu.dma_semaphore, #tpu.memory_space<semaphore_mem>>) src(%dma_wait3A_38 : memref<128x128xf32, #tpu.memory_space<vmem_shared>>) dst(%arg8 : memref<128x128xf32, #tpu.memory_space<vmem>>)
        tpu.yield
      }) : () -> ()
      "tpu.region"() ({
        %run_scoped3A = tpu.sem_alloc : memref<!tpu.dma_semaphore, #tpu.memory_space<semaphore_mem>>
        %dma_start3A = arith.constant 0 : i32
        %dma_start3A_33 = tpu.memref_slice %arg5[%arg0, %multiple_of3A, %dma_start3A] : memref<2x10240x128xf32, #tpu.memory_space<hbm>> -> memref<1x128x128xf32, #tpu.memory_space<hbm>>
        %dma_start3A_34 = tpu.memref_squeeze %dma_start3A_33 : memref<1x128x128xf32, #tpu.memory_space<hbm>> -> memref<128x128xf32, #tpu.memory_space<hbm>>
        %dma_start3A_35 = arith.constant 0 : i32
        %dma_start3A_36 = tpu.memref_slice %arg5[%arg0, %multiple_of3A, %dma_start3A_35] : memref<2x10240x128xf32, #tpu.memory_space<hbm>> -> memref<1x128x128xf32, #tpu.memory_space<hbm>>
        %dma_start3A_37 = tpu.memref_squeeze %dma_start3A_36 : memref<1x128x128xf32, #tpu.memory_space<hbm>> -> memref<128x128xf32, #tpu.memory_space<hbm>>
        tpu.enqueue_dma source(%arg8 : memref<128x128xf32, #tpu.memory_space<vmem>>) target(%dma_start3A_37 : memref<128x128xf32, #tpu.memory_space<hbm>>) target_semaphore(%run_scoped3A : memref<!tpu.dma_semaphore, #tpu.memory_space<semaphore_mem>>)
        %dma_wait3A = arith.constant 0 : i32
        %dma_wait3A_38 = tpu.memref_slice %arg5[%arg0, %multiple_of3A, %dma_wait3A] : memref<2x10240x128xf32, #tpu.memory_space<hbm>> -> memref<1x128x128xf32, #tpu.memory_space<hbm>>
        %dma_wait3A_39 = tpu.memref_squeeze %dma_wait3A_38 : memref<1x128x128xf32, #tpu.memory_space<hbm>> -> memref<128x128xf32, #tpu.memory_space<hbm>>
        %dma_wait3A_40 = arith.constant 0 : i32
        %dma_wait3A_41 = tpu.memref_slice %arg5[%arg0, %multiple_of3A, %dma_wait3A_40] : memref<2x10240x128xf32, #tpu.memory_space<hbm>> -> memref<1x128x128xf32, #tpu.memory_space<hbm>>
        %dma_wait3A_42 = tpu.memref_squeeze %dma_wait3A_41 : memref<1x128x128xf32, #tpu.memory_space<hbm>> -> memref<128x128xf32, #tpu.memory_space<hbm>>
        tpu.wait_dma2 semaphore(%run_scoped3A : memref<!tpu.dma_semaphore, #tpu.memory_space<semaphore_mem>>) src(%arg8 : memref<128x128xf32, #tpu.memory_space<vmem>>) dst(%dma_wait3A_42 : memref<128x128xf32, #tpu.memory_space<hbm>>)
        tpu.yield
      }) : () -> ()
    }
    %scan3A_28 = arith.constant 5 : i32
    return
  }
}

module attributes {stable_mosaic.version = 14 : i64} {
  func.func @_lin2_body(%arg0: i32, %arg1: memref<1000x128xf32, #tpu.memory_space<vmem>>, %arg2: memref<128x128xf32, #tpu.memory_space<vmem>>, %arg3: memref<128x128xf32, #tpu.memory_space<vmem>>, %arg4: memref<1x128xf32, #tpu.memory_space<vmem>>, %arg5: memref<1000x128xf32, #tpu.memory_space<vmem>>, %arg6: memref<1000x128xf32, #tpu.memory_space<vmem>>) attributes {dimension_semantics = [#tpu.dimension_semantics<arbitrary>], iteration_bounds = array<i64: 10>, scalar_prefetch = 0 : i64, scratch_operands = 0 : i64, tpu.core_type = #tpu.core_type<tc>, window_params = [{transform_indices = @transform_0, window_bounds = array<i64: 1000, 128>}, {pipeline_mode = #tpu.pipeline_mode<synchronous>, transform_indices = @transform_1, window_bounds = array<i64: 128, 128>}, {pipeline_mode = #tpu.pipeline_mode<synchronous>, transform_indices = @transform_2, window_bounds = array<i64: 128, 128>}, {pipeline_mode = #tpu.pipeline_mode<synchronous>, transform_indices = @transform_3, window_bounds = array<i64: 1, 128>}, {transform_indices = @transform_4, window_bounds = array<i64: 1000, 128>}, {transform_indices = @transform_5, window_bounds = array<i64: 1000, 128>}]} {
    %get3A = arith.constant 0 : index
    %get3A_0 = arith.constant 0 : index
    %get3A_1 = vector.load %arg1[%get3A, %get3A_0] : memref<1000x128xf32, #tpu.memory_space<vmem>>, vector<1000x128xf32>
    %get3A_2 = arith.constant 0 : index
    %get3A_3 = arith.constant 0 : index
    %get3A_4 = vector.load %arg2[%get3A_2, %get3A_3] : memref<128x128xf32, #tpu.memory_space<vmem>>, vector<128x128xf32>
    %dot_general3A = arith.constant dense<0.000000e+00> : vector<1000x128xf32>
    %dot_general3A_5 = tpu.matmul %get3A_1, %get3A_4, %dot_general3A {dimension_numbers = #tpu.dot_dimension_numbers<[1], [0], [0], [1], [0, 0, 1, 1], [], []>, transpose_lhs_hint = false} : vector<1000x128xf32>, vector<128x128xf32>, vector<1000x128xf32> -> vector<1000x128xf32>
    %swap3A = arith.constant 0 : index
    %swap3A_6 = arith.constant 0 : index
    %swap3A_7 = vector.load %arg5[%swap3A, %swap3A_6] : memref<1000x128xf32, #tpu.memory_space<vmem>>, vector<1000x128xf32>
    tpu.vector_store %arg5[%swap3A, %swap3A_6], %dot_general3A_5 {strides = array<i32>} : memref<1000x128xf32, #tpu.memory_space<vmem>>, vector<1000x128xf32>,
    %get3A_8 = arith.constant 0 : index
    %get3A_9 = arith.constant 0 : index
    %get3A_10 = vector.load %arg3[%get3A_8, %get3A_9] : memref<128x128xf32, #tpu.memory_space<vmem>>, vector<128x128xf32>
    %dot_general3A_11 = arith.constant dense<0.000000e+00> : vector<1000x128xf32>
    %dot_general3A_12 = tpu.matmul %get3A_1, %get3A_10, %dot_general3A_11 {dimension_numbers = #tpu.dot_dimension_numbers<[1], [0], [0], [1], [0, 0, 1, 1], [], []>, transpose_lhs_hint = false} : vector<1000x128xf32>, vector<128x128xf32>, vector<1000x128xf32> -> vector<1000x128xf32>
    %get3A_13 = arith.constant 0 : index
    %get3A_14 = arith.constant 0 : index
    %get3A_15 = vector.load %arg4[%get3A_13, %get3A_14] : memref<1x128xf32, #tpu.memory_space<vmem>>, vector<1x128xf32>
    %add3A = vector.broadcast %get3A_15 : vector<1x128xf32> to vector<1000x128xf32>
    %add3A_16 = arith.addf %dot_general3A_12, %add3A : vector<1000x128xf32>
    %swap3A_17 = arith.constant 0 : index
    %swap3A_18 = arith.constant 0 : index
    %swap3A_19 = vector.load %arg6[%swap3A_17, %swap3A_18] : memref<1000x128xf32, #tpu.memory_space<vmem>>, vector<1000x128xf32>
    tpu.vector_store %arg6[%swap3A_17, %swap3A_18], %add3A_16 {strides = array<i32>} : memref<1000x128xf32, #tpu.memory_space<vmem>>, vector<1000x128xf32>,
    return
  }
  func.func @transform_0(%arg0: i32) -> (i32, i32) {
    %c0_i32 = arith.constant 0 : i32
    %c0_i32_0 = arith.constant 0 : i32
    return %arg0, %c0_i32 : i32, i32
  }
  func.func @transform_1(%arg0: i32) -> (i32, i32) {
    %c0_i32 = arith.constant 0 : i32
    %c0_i32_0 = arith.constant 0 : i32
    %c0_i32_1 = arith.constant 0 : i32
    return %c0_i32, %c0_i32_0 : i32, i32
  }
  func.func @transform_2(%arg0: i32) -> (i32, i32) {
    %c0_i32 = arith.constant 0 : i32
    %c0_i32_0 = arith.constant 0 : i32
    %c0_i32_1 = arith.constant 0 : i32
    return %c0_i32, %c0_i32_0 : i32, i32
  }
  func.func @transform_3(%arg0: i32) -> (i32, i32) {
    %c0_i32 = arith.constant 0 : i32
    %c0_i32_0 = arith.constant 0 : i32
    %c0_i32_1 = arith.constant 0 : i32
    return %c0_i32, %c0_i32_0 : i32, i32
  }
  func.func @transform_4(%arg0: i32) -> (i32, i32) {
    %c0_i32 = arith.constant 0 : i32
    %c0_i32_0 = arith.constant 0 : i32
    return %arg0, %c0_i32 : i32, i32
  }
  func.func @transform_5(%arg0: i32) -> (i32, i32) {
    %c0_i32 = arith.constant 0 : i32
    %c0_i32_0 = arith.constant 0 : i32
    return %arg0, %c0_i32 : i32, i32
  }
}

module attributes {stable_mosaic.version = 14 : i64} {
  func.func @_combine_lin2_body(%arg0: i32, %arg1: memref<1000x128xf32, #tpu.memory_space<vmem>>, %arg2: memref<1000x128xf32, #tpu.memory_space<vmem>>, %arg3: memref<1000x128xf32, #tpu.memory_space<vmem>>, %arg4: memref<1000x128xf32, #tpu.memory_space<vmem>>, %arg5: memref<1000x128xf32, #tpu.memory_space<vmem>>, %arg6: memref<128x128xf32, #tpu.memory_space<vmem>>, %arg7: memref<128x128xf32, #tpu.memory_space<vmem>>, %arg8: memref<1x128xf32, #tpu.memory_space<vmem>>, %arg9: memref<1000x128xf32, #tpu.memory_space<vmem>>, %arg10: memref<1000x128xf32, #tpu.memory_space<vmem>>) attributes {dimension_semantics = [#tpu.dimension_semantics<arbitrary>], iteration_bounds = array<i64: 10>, scalar_prefetch = 0 : i64, scratch_operands = 0 : i64, tpu.core_type = #tpu.core_type<tc>, window_params = [{transform_indices = @transform_0, window_bounds = array<i64: 1000, 128>}, {transform_indices = @transform_1, window_bounds = array<i64: 1000, 128>}, {transform_indices = @transform_2, window_bounds = array<i64: 1000, 128>}, {transform_indices = @transform_3, window_bounds = array<i64: 1000, 128>}, {transform_indices = @transform_4, window_bounds = array<i64: 1000, 128>}, {pipeline_mode = #tpu.pipeline_mode<synchronous>, transform_indices = @transform_5, window_bounds = array<i64: 128, 128>}, {pipeline_mode = #tpu.pipeline_mode<synchronous>, transform_indices = @transform_6, window_bounds = array<i64: 128, 128>}, {pipeline_mode = #tpu.pipeline_mode<synchronous>, transform_indices = @transform_7, window_bounds = array<i64: 1, 128>}, {transform_indices = @transform_8, window_bounds = array<i64: 1000, 128>}, {transform_indices = @transform_9, window_bounds = array<i64: 1000, 128>}]} {
    %get3A = arith.constant 0 : index
    %get3A_0 = arith.constant 0 : index
    %get3A_1 = vector.load %arg3[%get3A, %get3A_0] : memref<1000x128xf32, #tpu.memory_space<vmem>>, vector<1000x1xf32>
    %get3A_2 = arith.constant 0 : index
    %get3A_3 = arith.constant 0 : index
    %get3A_4 = vector.load %arg4[%get3A_2, %get3A_3] : memref<1000x128xf32, #tpu.memory_space<vmem>>, vector<1000x1xf32>
    %add3A = arith.addf %get3A_1, %get3A_4 : vector<1000x1xf32>
    %max3A = arith.constant 1.000000e+00 : f32
    %max3A_5 = vector.broadcast %max3A : f32 to vector<1000x1xf32>
    %max3A_6 = arith.maximumf %add3A, %max3A_5 : vector<1000x1xf32>
    %div3A = arith.constant 1.000000e+00 : f32
    %div3A_7 = vector.broadcast %div3A : f32 to vector<1000x1xf32>
    %div3A_8 = arith.divf %div3A_7, %max3A_6 : vector<1000x1xf32>
    %get3A_9 = arith.constant 0 : index
    %get3A_10 = arith.constant 0 : index
    %get3A_11 = vector.load %arg1[%get3A_9, %get3A_10] : memref<1000x128xf32, #tpu.memory_space<vmem>>, vector<1000x128xf32>
    %get3A_12 = arith.constant 0 : index
    %get3A_13 = arith.constant 0 : index
    %get3A_14 = vector.load %arg2[%get3A_12, %get3A_13] : memref<1000x128xf32, #tpu.memory_space<vmem>>, vector<1000x128xf32>
    %add3A_15 = arith.addf %get3A_11, %get3A_14 : vector<1000x128xf32>
    %mul3A = vector.broadcast %div3A_8 : vector<1000x1xf32> to vector<1000x128xf32>
    %mul3A_16 = arith.mulf %add3A_15, %mul3A : vector<1000x128xf32>
    %get3A_17 = arith.constant 0 : index
    %get3A_18 = arith.constant 0 : index
    %get3A_19 = vector.load %arg5[%get3A_17, %get3A_18] : memref<1000x128xf32, #tpu.memory_space<vmem>>, vector<1000x128xf32>
    %add3A_20 = arith.addf %mul3A_16, %get3A_19 : vector<1000x128xf32>
    %max3A_21 = arith.constant 0.000000e+00 : f32
    %max3A_22 = vector.broadcast %max3A_21 : f32 to vector<1000x128xf32>
    %max3A_23 = arith.maximumf %add3A_20, %max3A_22 : vector<1000x128xf32>
    %get3A_24 = arith.constant 0 : index
    %get3A_25 = arith.constant 0 : index
    %get3A_26 = vector.load %arg6[%get3A_24, %get3A_25] : memref<128x128xf32, #tpu.memory_space<vmem>>, vector<128x128xf32>
    %dot_general3A = arith.constant dense<0.000000e+00> : vector<1000x128xf32>
    %dot_general3A_27 = tpu.matmul %max3A_23, %get3A_26, %dot_general3A {dimension_numbers = #tpu.dot_dimension_numbers<[1], [0], [0], [1], [0, 0, 1, 1], [], []>, transpose_lhs_hint = false} : vector<1000x128xf32>, vector<128x128xf32>, vector<1000x128xf32> -> vector<1000x128xf32>
    %swap3A = arith.constant 0 : index
    %swap3A_28 = arith.constant 0 : index
    %swap3A_29 = vector.load %arg9[%swap3A, %swap3A_28] : memref<1000x128xf32, #tpu.memory_space<vmem>>, vector<1000x128xf32>
    tpu.vector_store %arg9[%swap3A, %swap3A_28], %dot_general3A_27 {strides = array<i32>} : memref<1000x128xf32, #tpu.memory_space<vmem>>, vector<1000x128xf32>,
    %get3A_30 = arith.constant 0 : index
    %get3A_31 = arith.constant 0 : index
    %get3A_32 = vector.load %arg7[%get3A_30, %get3A_31] : memref<128x128xf32, #tpu.memory_space<vmem>>, vector<128x128xf32>
    %dot_general3A_33 = arith.constant dense<0.000000e+00> : vector<1000x128xf32>
    %dot_general3A_34 = tpu.matmul %max3A_23, %get3A_32, %dot_general3A_33 {dimension_numbers = #tpu.dot_dimension_numbers<[1], [0], [0], [1], [0, 0, 1, 1], [], []>, transpose_lhs_hint = false} : vector<1000x128xf32>, vector<128x128xf32>, vector<1000x128xf32> -> vector<1000x128xf32>
    %get3A_35 = arith.constant 0 : index
    %get3A_36 = arith.constant 0 : index
    %get3A_37 = vector.load %arg8[%get3A_35, %get3A_36] : memref<1x128xf32, #tpu.memory_space<vmem>>, vector<1x128xf32>
    %add3A_38 = vector.broadcast %get3A_37 : vector<1x128xf32> to vector<1000x128xf32>
    %add3A_39 = arith.addf %dot_general3A_34, %add3A_38 : vector<1000x128xf32>
    %swap3A_40 = arith.constant 0 : index
    %swap3A_41 = arith.constant 0 : index
    %swap3A_42 = vector.load %arg10[%swap3A_40, %swap3A_41] : memref<1000x128xf32, #tpu.memory_space<vmem>>, vector<1000x128xf32>
    tpu.vector_store %arg10[%swap3A_40, %swap3A_41], %add3A_39 {strides = array<i32>} : memref<1000x128xf32, #tpu.memory_space<vmem>>, vector<1000x128xf32>,
    return
  }
  func.func @transform_0(%arg0: i32) -> (i32, i32) {
    %c0_i32 = arith.constant 0 : i32
    %c0_i32_0 = arith.constant 0 : i32
    return %arg0, %c0_i32 : i32, i32
  }
  func.func @transform_1(%arg0: i32) -> (i32, i32) {
    %c0_i32 = arith.constant 0 : i32
    %c0_i32_0 = arith.constant 0 : i32
    return %arg0, %c0_i32 : i32, i32
  }
  func.func @transform_2(%arg0: i32) -> (i32, i32) {
    %c0_i32 = arith.constant 0 : i32
    %c0_i32_0 = arith.constant 0 : i32
    return %arg0, %c0_i32 : i32, i32
  }
  func.func @transform_3(%arg0: i32) -> (i32, i32) {
    %c0_i32 = arith.constant 0 : i32
    %c0_i32_0 = arith.constant 0 : i32
    return %arg0, %c0_i32 : i32, i32
  }
  func.func @transform_4(%arg0: i32) -> (i32, i32) {
    %c0_i32 = arith.constant 0 : i32
    %c0_i32_0 = arith.constant 0 : i32
    return %arg0, %c0_i32 : i32, i32
  }
  func.func @transform_5(%arg0: i32) -> (i32, i32) {
    %c0_i32 = arith.constant 0 : i32
    %c0_i32_0 = arith.constant 0 : i32
    %c0_i32_1 = arith.constant 0 : i32
    return %c0_i32, %c0_i32_0 : i32, i32
  }
  func.func @transform_6(%arg0: i32) -> (i32, i32) {
    %c0_i32 = arith.constant 0 : i32
    %c0_i32_0 = arith.constant 0 : i32
    %c0_i32_1 = arith.constant 0 : i32
    return %c0_i32, %c0_i32_0 : i32, i32
  }
  func.func @transform_7(%arg0: i32) -> (i32, i32) {
    %c0_i32 = arith.constant 0 : i32
    %c0_i32_0 = arith.constant 0 : i32
    %c0_i32_1 = arith.constant 0 : i32
    return %c0_i32, %c0_i32_0 : i32, i32
  }
  func.func @transform_8(%arg0: i32) -> (i32, i32) {
    %c0_i32 = arith.constant 0 : i32
    %c0_i32_0 = arith.constant 0 : i32
    return %arg0, %c0_i32 : i32, i32
  }
  func.func @transform_9(%arg0: i32) -> (i32, i32) {
    %c0_i32 = arith.constant 0 : i32
    %c0_i32_0 = arith.constant 0 : i32
    return %arg0, %c0_i32 : i32, i32
  }
}

module attributes {stable_mosaic.version = 14 : i64} {
  func.func @_combine_fc_body(%arg0: i32, %arg1: memref<1000x128xf32, #tpu.memory_space<vmem>>, %arg2: memref<1000x128xf32, #tpu.memory_space<vmem>>, %arg3: memref<1000x128xf32, #tpu.memory_space<vmem>>, %arg4: memref<1000x128xf32, #tpu.memory_space<vmem>>, %arg5: memref<1000x128xf32, #tpu.memory_space<vmem>>, %arg6: memref<128x128xf32, #tpu.memory_space<vmem>>, %arg7: memref<1x128xf32, #tpu.memory_space<vmem>>, %arg8: memref<1000x128xf32, #tpu.memory_space<vmem>>) attributes {dimension_semantics = [#tpu.dimension_semantics<arbitrary>], iteration_bounds = array<i64: 10>, scalar_prefetch = 0 : i64, scratch_operands = 0 : i64, tpu.core_type = #tpu.core_type<tc>, window_params = [{transform_indices = @transform_0, window_bounds = array<i64: 1000, 128>}, {transform_indices = @transform_1, window_bounds = array<i64: 1000, 128>}, {transform_indices = @transform_2, window_bounds = array<i64: 1000, 128>}, {transform_indices = @transform_3, window_bounds = array<i64: 1000, 128>}, {transform_indices = @transform_4, window_bounds = array<i64: 1000, 128>}, {pipeline_mode = #tpu.pipeline_mode<synchronous>, transform_indices = @transform_5, window_bounds = array<i64: 128, 128>}, {pipeline_mode = #tpu.pipeline_mode<synchronous>, transform_indices = @transform_6, window_bounds = array<i64: 1, 128>}, {transform_indices = @transform_7, window_bounds = array<i64: 1000, 128>}]} {
    %get3A = arith.constant 0 : index
    %get3A_0 = arith.constant 0 : index
    %get3A_1 = vector.load %arg3[%get3A, %get3A_0] : memref<1000x128xf32, #tpu.memory_space<vmem>>, vector<1000x1xf32>
    %get3A_2 = arith.constant 0 : index
    %get3A_3 = arith.constant 0 : index
    %get3A_4 = vector.load %arg4[%get3A_2, %get3A_3] : memref<1000x128xf32, #tpu.memory_space<vmem>>, vector<1000x1xf32>
    %add3A = arith.addf %get3A_1, %get3A_4 : vector<1000x1xf32>
    %max3A = arith.constant 1.000000e+00 : f32
    %max3A_5 = vector.broadcast %max3A : f32 to vector<1000x1xf32>
    %max3A_6 = arith.maximumf %add3A, %max3A_5 : vector<1000x1xf32>
    %div3A = arith.constant 1.000000e+00 : f32
    %div3A_7 = vector.broadcast %div3A : f32 to vector<1000x1xf32>
    %div3A_8 = arith.divf %div3A_7, %max3A_6 : vector<1000x1xf32>
    %get3A_9 = arith.constant 0 : index
    %get3A_10 = arith.constant 0 : index
    %get3A_11 = vector.load %arg1[%get3A_9, %get3A_10] : memref<1000x128xf32, #tpu.memory_space<vmem>>, vector<1000x128xf32>
    %get3A_12 = arith.constant 0 : index
    %get3A_13 = arith.constant 0 : index
    %get3A_14 = vector.load %arg2[%get3A_12, %get3A_13] : memref<1000x128xf32, #tpu.memory_space<vmem>>, vector<1000x128xf32>
    %add3A_15 = arith.addf %get3A_11, %get3A_14 : vector<1000x128xf32>
    %mul3A = vector.broadcast %div3A_8 : vector<1000x1xf32> to vector<1000x128xf32>
    %mul3A_16 = arith.mulf %add3A_15, %mul3A : vector<1000x128xf32>
    %get3A_17 = arith.constant 0 : index
    %get3A_18 = arith.constant 0 : index
    %get3A_19 = vector.load %arg5[%get3A_17, %get3A_18] : memref<1000x128xf32, #tpu.memory_space<vmem>>, vector<1000x128xf32>
    %add3A_20 = arith.addf %mul3A_16, %get3A_19 : vector<1000x128xf32>
    %max3A_21 = arith.constant 0.000000e+00 : f32
    %max3A_22 = vector.broadcast %max3A_21 : f32 to vector<1000x128xf32>
    %max3A_23 = arith.maximumf %add3A_20, %max3A_22 : vector<1000x128xf32>
    %get3A_24 = arith.constant 0 : index
    %get3A_25 = arith.constant 0 : index
    %get3A_26 = vector.load %arg6[%get3A_24, %get3A_25] : memref<128x128xf32, #tpu.memory_space<vmem>>, vector<128x128xf32>
    %dot_general3A = arith.constant dense<0.000000e+00> : vector<1000x128xf32>
    %dot_general3A_27 = tpu.matmul %max3A_23, %get3A_26, %dot_general3A {dimension_numbers = #tpu.dot_dimension_numbers<[1], [0], [0], [1], [0, 0, 1, 1], [], []>, transpose_lhs_hint = false} : vector<1000x128xf32>, vector<128x128xf32>, vector<1000x128xf32> -> vector<1000x128xf32>
    %get3A_28 = arith.constant 0 : index
    %get3A_29 = arith.constant 0 : index
    %get3A_30 = vector.load %arg7[%get3A_28, %get3A_29] : memref<1x128xf32, #tpu.memory_space<vmem>>, vector<1x128xf32>
    %add3A_31 = vector.broadcast %get3A_30 : vector<1x128xf32> to vector<1000x128xf32>
    %add3A_32 = arith.addf %dot_general3A_27, %add3A_31 : vector<1000x128xf32>
    %swap3A = arith.constant 0 : index
    %swap3A_33 = arith.constant 0 : index
    %swap3A_34 = vector.load %arg8[%swap3A, %swap3A_33] : memref<1000x128xf32, #tpu.memory_space<vmem>>, vector<1000x128xf32>
    tpu.vector_store %arg8[%swap3A, %swap3A_33], %add3A_32 {strides = array<i32>} : memref<1000x128xf32, #tpu.memory_space<vmem>>, vector<1000x128xf32>,
    return
  }
  func.func @transform_0(%arg0: i32) -> (i32, i32) {
    %c0_i32 = arith.constant 0 : i32
    %c0_i32_0 = arith.constant 0 : i32
    return %arg0, %c0_i32 : i32, i32
  }
  func.func @transform_1(%arg0: i32) -> (i32, i32) {
    %c0_i32 = arith.constant 0 : i32
    %c0_i32_0 = arith.constant 0 : i32
    return %arg0, %c0_i32 : i32, i32
  }
  func.func @transform_2(%arg0: i32) -> (i32, i32) {
    %c0_i32 = arith.constant 0 : i32
    %c0_i32_0 = arith.constant 0 : i32
    return %arg0, %c0_i32 : i32, i32
  }
  func.func @transform_3(%arg0: i32) -> (i32, i32) {
    %c0_i32 = arith.constant 0 : i32
    %c0_i32_0 = arith.constant 0 : i32
    return %arg0, %c0_i32 : i32, i32
  }
  func.func @transform_4(%arg0: i32) -> (i32, i32) {
    %c0_i32 = arith.constant 0 : i32
    %c0_i32_0 = arith.constant 0 : i32
    return %arg0, %c0_i32 : i32, i32
  }
  func.func @transform_5(%arg0: i32) -> (i32, i32) {
    %c0_i32 = arith.constant 0 : i32
    %c0_i32_0 = arith.constant 0 : i32
    %c0_i32_1 = arith.constant 0 : i32
    return %c0_i32, %c0_i32_0 : i32, i32
  }
  func.func @transform_6(%arg0: i32) -> (i32, i32) {
    %c0_i32 = arith.constant 0 : i32
    %c0_i32_0 = arith.constant 0 : i32
    %c0_i32_1 = arith.constant 0 : i32
    return %c0_i32, %c0_i32_0 : i32, i32
  }
  func.func @transform_7(%arg0: i32) -> (i32, i32) {
    %c0_i32 = arith.constant 0 : i32
    %c0_i32_0 = arith.constant 0 : i32
    return %arg0, %c0_i32 : i32, i32
  }
}

</mosaic_0001>

<sc_bundles>
// kernel: kernel.11.cloned.1.call-start
scs
__scs_entry_jumppad:
0x0: {  	(pc) =	sbr.rel $0x88, $3  }
0x1: {  	(tag) =	ssettag $0x0;
	lr =	simm.s32 $0x1  }
0x2: {  	[smem:$0x3F97] =	sst lr;
	_ =	strace $0xD0000000  }
0x3: {  	_ = 	snop  }
0x4: {  	_ = 	snop  }
0x5: {  	_ = 	snop  }
0x6: {  	_ = 	snop  }
0x7: {  	_ = 	snop  }
__scs_overlays_trampoline_lowered:
0x8: {  	[smem:$0x3FA6] =	sst s0  }
0x9: {  	[smem:$0x3FA7] =	sst s1  }
0xa: {  	[smem:$0x3FA8] =	sst s2  }
0xb: {  	[smem:$0x3FA9] =	sst s3  }
0xc: {  	[smem:$0x3FAA] =	sst s4  }
0xd: {  	[smem:$0x3FAB] =	sst s5  }
0xe: {  	[smem:$0x3FAC] =	sst s6  }
0xf: {  	[smem:$0x3FAD] =	sst s7  }
0x10: {  	[smem:$0x3FAE] =	sst s8  }
0x11: {  	[smem:$0x3FAF] =	sst s9;
	s0 =	simm.s32 @!p0 $0x0  }
0x12: {  	s1 =	sld [smem:$0x3F95];
	s0 =	simm.s32 @p0 $0x1  }
0x13: {  	[smem:$0x3FB0] =	sst s0;
	s0 =	simm.s32 @!p1 $0x0  }
0x14: {  	s2 =	sld [smem:$0x3F94];
	s0 =	simm.s32 @p1 $0x1  }
0x15: {  	[smem:$0x3FB1] =	sst s0;
	s0 =	simm.s32 @!p2 $0x0  }
0x16: {  	s3 =	sld [smem:$0x3FDB];
	s0 =	simm.s32 @p2 $0x1  }
0x17: {  	s4 =	simm.s32 $0x1BF5;
	[smem:$0x3FB3] =	sst s0  }
0x18: {  	s0 =	sld [smem:$0x3F96];
	_ =	swait.ge [sflag:s4], $0x0  }
0x19: {  	s7 =	sld [smem:$0x3F97]  }
0x1a: {  	s8 =	sadd.s32 $0xFFFFE003, lr  }
0x1b: {  	s9 =	sadd.s32 $0xFFFFFEF7, lr;
	s5 =	simm.s32 $0xFFFFFFFF;
	p2 =	slt.u32 s8, $0xFFFFF086  }
0x1c: {  	p1 =	slt.u32 s9, $0xF7A;
	s5 =	simm.s32 @!p2 $0x0  }
0x1d: {  	s5 =	simm.s32 @p1 $0x1;
	p0 =	seq.s32 s7, s2  }
0x1e: {  	s7 =	smul.u32 @!p0 $0xF7A, s2;
	p2 =	seq.s32 @!p0 s5, $0x0  }
0x1f: {  	s9 =	smul.u32 $0xF7A, s1;
	s8 =	simm.s32 @!p0 $0x1BF5;
	p2 =	por !p2, p0  }
0x20: {  	[sflag:s8] =	ssyncset.s32 @!p0 $0xFFFFF086;
	s6 =	sadd.s32 @!p0 s3, s7;
	s7 =	simm.s32 @!p0 $0x108  }
0x21: {  	s3 =	sadd.s32 s3, s9;
	s6 =	sadd.s32 @!p0 $0x88, s6;
	s7 =	simm.s32 @p2 $0x1082  }
0x22: {  	[simem:s7], [sflag:s8] =	dma.local @!p0 [hbm:s6], $0xF7A  }
0x23: {  	s9 =	sor.u32 $0xD0000000, s2;
	s6 =	simm.s32 $0x108;
	_ =	swait.ge @!p0 [sflag:s8], $0x0  }
0x24: {  	s3 =	sadd.s32 $0x88, s3;
	s6 =	simm.s32 @!p1 $0x1082;
	[sflag:s4] =	ssyncset.s32 $0xFFFFF086  }
0x25: {  	[simem:s6], [sflag:s4] =	dma.local [hbm:s3], $0xF7A  }
0x26: {  	[smem:$0x3F97] =	sst s1;
	(tag) =	ssettag s2;
	_ =	strace s9  }
0x27: {  	s1 =	sld [smem:$0x3FA7]  }
0x28: {  	s2 =	sld [smem:$0x3FA8]  }
0x29: {  	s4 =	sld [smem:$0x3FAA]  }
0x2a: {  	p0 =	seq.s32 s5, $0x0;
	s5 =	sld [smem:$0x3FAB]  }
0x2b: {  	s6 =	sld [smem:$0x3FAC]  }
0x2c: {  	s7 =	sld [smem:$0x3FAD]  }
0x2d: {  	s3 =	simm.s32 $0x108;
	s8 =	sld [smem:$0x3FAE]  }
0x2e: {  	s3 =	simm.s32 @!p0 $0x1082;
	s9 =	sld [smem:$0x3FAF]  }
0x2f: {  	lr =	sadd.s32 s0, s3;
	s0 =	sld [smem:$0x3FA6]  }
0x30: {  	s3 =	sld [smem:$0x3FA9]  }
0x31: {  	[smem:$0x3FB2] =	sst s10  }
0x32: {  	s10 =	sld [smem:$0x3FB0];
	_ =	sdelay $0x3  }
0x33: {  	p0 =	seq.s32 s10, $0x1;
	s10 =	sld [smem:$0x3FB2];
	_ =	sdelay $0x3  }
0x34: {  	[smem:$0x3FB2] =	sst s10  }
0x35: {  	s10 =	sld [smem:$0x3FB1];
	_ =	sdelay $0x3  }
0x36: {  	p1 =	seq.s32 s10, $0x1;
	s10 =	sld [smem:$0x3FB2];
	_ =	sdelay $0x3  }
0x37: {  	[smem:$0x3FB2] =	sst s10  }
0x38: {  	s10 =	sld [smem:$0x3FB3]  }
0x39: {  	_ = 	snop;
	(pc) =	sbr.ind lr, $3  }
0x3a: {  	_ = 	snop  }
0x3b: {  	_ = 	snop  }
0x3c: {  	p2 =	seq.s32 s10, $0x1;
	s10 =	sld [smem:$0x3FB2]  }
0x3d: {  	_ =	shalt  }
0x3e: {  	_ =	shalt  }
0x3f: {  	_ =	shalt  }
0x40: {  	_ =	shalt  }
0x41: {  	_ =	shalt  }
0x42: {  	_ =	shalt  }
0x43: {  	_ =	shalt  }
0x44: {  	_ =	shalt  }
0x45: {  	_ =	shalt  }
0x46: {  	_ =	shalt  }
0x47: {  	_ =	shalt  }
0x48: {  	_ =	shalt  }
0x49: {  	_ =	shalt  }
0x4a: {  	_ =	shalt  }
0x4b: {  	_ =	shalt  }
0x4c: {  	_ =	shalt  }
0x4d: {  	_ =	shalt  }
0x4e: {  	_ =	shalt  }
0x4f: {  	_ =	shalt  }
0x50: {  	_ =	shalt  }
0x51: {  	_ =	shalt  }
0x52: {  	_ =	shalt  }
0x53: {  	_ =	shalt  }
0x54: {  	_ =	shalt  }
0x55: {  	_ =	shalt  }
0x56: {  	_ =	shalt  }
0x57: {  	_ =	shalt  }
0x58: {  	_ =	shalt  }
0x59: {  	_ =	shalt  }
0x5a: {  	_ =	shalt  }
0x5b: {  	_ =	shalt  }
0x5c: {  	_ =	shalt  }
0x5d: {  	_ =	shalt  }
0x5e: {  	_ =	shalt  }
0x5f: {  	_ =	shalt  }
0x60: {  	_ =	shalt  }
0x61: {  	_ =	shalt  }
0x62: {  	_ =	shalt  }
0x63: {  	_ =	shalt  }
0x64: {  	_ =	shalt  }
0x65: {  	_ =	shalt  }
0x66: {  	_ =	shalt  }
0x67: {  	_ =	shalt  }
0x68: {  	_ =	shalt  }
0x69: {  	_ =	shalt  }
0x6a: {  	_ =	shalt  }
0x6b: {  	_ =	shalt  }
0x6c: {  	_ =	shalt  }
0x6d: {  	_ =	shalt  }
0x6e: {  	_ =	shalt  }
0x6f: {  	_ =	shalt  }
0x70: {  	_ =	shalt  }
0x71: {  	_ =	shalt  }
0x72: {  	_ =	shalt  }
0x73: {  	_ =	shalt  }
0x74: {  	_ =	shalt  }
0x75: {  	_ =	shalt  }
0x76: {  	_ =	shalt  }
0x77: {  	_ =	shalt  }
0x78: {  	_ =	shalt  }
0x79: {  	_ =	shalt  }
0x7a: {  	_ =	shalt  }
0x7b: {  	_ =	shalt  }
0x7c: {  	_ =	shalt  }
0x7d: {  	_ =	shalt  }
0x7e: {  	_ =	shalt  }
0x7f: {  	_ =	shalt  }
0x80: {  	_ =	shalt  }
0x81: {  	_ =	shalt  }
0x82: {  	_ =	shalt  }
0x83: {  	_ =	shalt  }
0x84: {  	_ =	shalt  }
0x85: {  	_ =	shalt  }
0x86: {  	_ =	shalt  }
0x87: {  	_ =	shalt  }
.Lfunc_end0:
.L_simem_size_0:
called_computation.1_lowered:
.L_overlay_start_0:
0x88: {  	s2 =	sld [smem:$0x3FD9]  }
0x89: {  	s3 =	sld [smem:$0x3FFE];
	_ =	sdelay $0x1  }
0x8a: {  	s1 =	srdreg.scid  }
0x8b: {  	s0 =	sand.u32 $0x1, s1  }
0x8c: {  	s17 =	sshll.u32 s0, $0xA;
	s2 =	sadd.s32 s3, s2  }
0x8d: {  	s2 =	sadd.s32 s2, s17  }
0x8e: {  	[smem:$0x3FBE] =	sst s2  }
0x8f: {  	_ = 	snop  }
0x90: {  	s2 =	sld [smem:$0x3FD0];
	(tm) =	ssettm $0x1  }
0x91: {  	s18 =	sld [smem:$0x3FFB];
	_ =	sdelay $0x3  }
0x92: {  	_ =	strace s18  }
0x93: {  	s3 =	sld [smem:$0x3FFC];
	_ =	sdelay $0x3  }
0x94: {  	_ =	strace s3  }
0x95: {  	s3 =	sld [smem:$0x3FFD];
	_ =	sdelay $0x3  }
0x96: {  	_ =	strace s3  }
0x97: {  	_ =	strace $0x8FFFFFFF  }
0x98: {  	s19 =	sld [smem:$0x3FDB];
	_ =	sdelay $0x1  }
0x99: {  	s4 =	simm.s32 $_scs_section_size  }
0x9a: {  	s5 =	simm.s32 $_size__tile_overlayer_lowered;
	s6 =	simm.s32 $_tile_overlayer_lowered  }
0x9b: {  	s22 =	simm.s32 $0x1BFF;
	s21 =	sshll.u32 s6, $0x1;
	s3 =	sadd.s32 s4, s19  }
0x9c: {  	s7 =	simm.s32 $0x0;
	s20 =	sshll.u32 s5, $0x1;
	s5 =	sadd.s32 s21, s3  }
0x9d: {  	[timem:s7], [sflag:s22] =	dma.local [hbm:s5], s20  }
0x9e: {  	_ =	swait.ge [sflag:s22], s20  }
0x9f: {  	s4 =	ssub.s32 $0x0, s20;
	[sflag:s22] =	ssyncset.done $0x0  }
0xa0: {  	[sflag:s22] =	ssyncadd.s32 s4;
	_ =	sdelay $0x1  }
0xa1: {  	s23 =	simm.s32 $0x1B8B  }
0xa2: {  	_ =	swait.ge [sflag:s23], $0x1  }
0xa3: {  	[sflag:s23] =	ssyncset.done $0x0  }
0xa4: {  	s25 =	simm.s32 $0x1B8E;
	s24 =	sld [smem:$0x3FFE];
	[sflag:s23] =	ssyncadd.s32 $0xFFFFFFFF  }
0xa5: {  	s26 =	simm.s32 $execute0_lowered;
	[smem:$0x3FD2] =	sst s25  }
0xa6: {  	s5 =	sshll.u32 s26, $0x1;
	_ =	strace $0x80000049;
	[dreg:$0x1] =	wrdreg $0xFFFFFFFF  }
0xa7: {  	s28 =	simm.s32 $_size_execute0_lowered;
	s3 =	sadd.s32 s3, s5;
	[dreg:$0x0] =	wrdreg $0x0  }
0xa8: {  	s5 =	sshll.u32 s28, $0x1;
	[dreg:$0x2] =	wrdreg s3  }
0xa9: {  	[dreg:$0x3] =	wrdreg s5  }
0xaa: {  	[dreg:$0x4] =	wrdreg $0xC0  }
0xab: {  	_ =	task [dreg:s7], $0x5FFFF  }
0xac: {  	[dreg:$0x1] =	wrdreg $0xFFFFFFFF  }
0xad: {  	[dreg:$0x0] =	wrdreg $0x60  }
0xae: {  	[dreg:$0x2] =	wrdreg s2  }
0xaf: {  	[dreg:$0x3] =	wrdreg s24  }
0xb0: {  	[dreg:$0x4] =	wrdreg $0x0  }
0xb1: {  	[dreg:$0x5] =	wrdreg $0x9  }
0xb2: {  	_ =	task.clear_ibuf [dreg:s7], $0x6FFFF;
	_ =	strace $0x90000049  }
0xb3: {  	s29 =	simm.s32 $0x9;
	_ =	strace $0x8000004B  }
0xb4: {  	_ =	swait.ge [sflag:s29], $0x1  }
0xb5: {  	[sflag:s29] =	ssyncadd.s32 $0xFFFFFFFF  }
0xb6: {  	_ =	strace $0x9000004B  }
0xb7: {  	_ =	sfence  }
0xb8: {  	s30 =	sld [smem:$0x0];
	_ =	sdelay $0x2  }
0xb9: {  	s31 =	sshll.u32 s1, $0xD;
	s1 =	sshrl.u32 s1, $0x2  }
0xba: {  	s3 =	sand.u32 $0x4000, s31;
	s1 =	sadd.s32 s1, s30  }
0xbb: {  	s0 =	sor.u32 s3, s0;
	s1 =	sshll.u32 s1, $0x11  }
0xbc: {  	s0 =	sor.u32 s1, s0  }
0xbd: {  	s0 =	sadd.s32 $0x8F2B, s0  }
0xbe: {  	[sflag:s0] =	ssyncadd.remote.s32 $0x1  }
0xbf: {  	_ =	sfence.sel $0xFFFF  }
0xc0: {  	[dreg:$0x0] =	wrdreg $0xFFFFFFFF;
	(pc) =	sbr.abs _section_cstart, $3  }
0xc1: {  	[dreg:$0x1] =	wrdreg $0xFFFFFFFF  }
0xc2: {  	_ =	task.clear_ibuf [dreg:s7], $0x2FFFF;
	_ =	strace $0x9FFFFFFF  }
0xc3: {  	(tm) =	ssettm $0x7FFFFFFF  }
tec
execute0_lowered:
.L_overlay_start_1:
0x0: {  	(tag) =	ssettag $0x1  }
0x1: {  	s18 =	stileid.u32  }
0x2: {  	s0 =	srdreg.scid;
	s2 =	smul.u32 $0x14000, s18  }
0x3: {  	s0 =	sand.u32 $0x1, s0;
	s4 =	smul.u32 $0x2800, s18  }
0x4: {  	s3 =	rddreg [dreg:$0x1];
	s1 =	smul.u32 $0x140000, s0  }
0x5: {  	s8 =	sadd.s32 $0x8FA00, s3;
	s5 =	smul.u32 $0x28000, s0;
	s6 =	ssub.s32 $0x2, s0  }
0x6: {  	s0 =	sshll.u32 s0, $0x4;
	s9 =	sshrl.u32 s6, $0x1;
	s10 =	sadd.s32 $0x6000, s2  }
0x7: {  	s15 =	sadd.s32 $0xA000, s2;
	s16 =	sadd.s32 $0xC000, s2;
	s17 =	sadd.s32 $0xE000, s2  }
0x8: {  	s19 =	sadd.s32 $0x10000, s2;
	s0 =	sor.u32 s18, s0;
	s7 =	sadd.s32 s1, s2  }
0x9: {  	s6 =	ssub.s32 s6, s9;
	s9 =	sadd.s32 $0x4000, s2;
	s13 =	sadd.s32 s1, s10  }
0xa: {  	s23 =	sadd.s32 s1, s15;
	s14 =	sadd.s32 s1, s16;
	s26 =	sadd.s32 s1, s17  }
0xb: {  	s28 =	sadd.s32 s1, s19;
	s30 =	sadd.s32 s4, s5;
	s0 =	smul.u32 $0x2800, s0  }
0xc: {  	s4 =	sadd.s32 s4, s3;
	s7 =	sshrl.u32 s7, $0x3;
	s12 =	sadd.s32 s1, s9  }
0xd: {  	s13 =	sshrl.u32 s13, $0x3;
	s14 =	sshrl.u32 s14, $0x3;
	s5 =	sshrl.u32 s30, $0x3  }
0xe: {  	s7 =	sadd.s32 s8, s7;
	s12 =	sshrl.u32 s12, $0x3;
	s21 =	sadd.s32 s8, s13  }
0xf: {  	s13 =	sshrl.u32 s23, $0x3;
	s25 =	sadd.s32 s8, s14;
	s5 =	sadd.s32 s5, s3  }
0x10: {  	s3 =	sadd.s32 $0x85A00, s3;
	s0 =	sshrl.u32 s0, $0x3;
	s14 =	rddreg [dreg:$0x2]  }
0x11: {  	[dreg:$0x4] =	wrdreg s7;
	s7 =	sor.u32 $0x2000, s2;
	s20 =	sadd.s32 s8, s12  }
0x12: {  	[dreg:$0x7] =	wrdreg s21;
	s12 =	sadd.s32 $0x8000, s2;
	s24 =	sadd.s32 s8, s13  }
0x13: {  	[dreg:$0xa] =	wrdreg s25;
	s2 =	sadd.s32 $0x12000, s2;
	s13 =	sshrl.u32 s28, $0x3  }
0x14: {  	s0 =	sadd.s32 s3, s0;
	s11 =	sadd.s32 s1, s7;
	[dreg:$0x6] =	wrdreg s20  }
0x15: {  	s22 =	sadd.s32 s1, s12;
	[dreg:$0x9] =	wrdreg s24;
	s1 =	sadd.s32 s1, s2  }
0x16: {  	s29 =	sadd.s32 s8, s13;
	s13 =	rddreg [dreg:$0x0];
	s11 =	sshrl.u32 s11, $0x3  }
0x17: {  	[dreg:$0xe] =	wrdreg s0;
	s1 =	sshrl.u32 s1, $0x3;
	s11 =	sadd.s32 s8, s11  }
0x18: {  	s31 =	smul.u32 $0x50000, s18;
	s1 =	sadd.s32 s8, s1;
	[dreg:$0x5] =	wrdreg s11  }
0x19: {  	s11 =	sshrl.u32 s22, $0x3;
	[dreg:$0xd] =	wrdreg s1;
	s1 =	sor.u32 $0x40, s30  }
0x1a: {  	[dreg:$0xc] =	wrdreg s29;
	s11 =	sadd.s32 s8, s11;
	s1 =	sshrl.u32 s1, $0x3  }
0x1b: {  	[dreg:$0x8] =	wrdreg s11;
	s11 =	sshrl.u32 s26, $0x3;
	s1 =	sadd.s32 s1, s3  }
0x1c: {  	s21 =	sadd.s32 s9, s14;
	s11 =	sadd.s32 s8, s11;
	[dreg:$0xf] =	wrdreg s1  }
0x1d: {  	s25 =	sadd.s32 s16, s14;
	[dreg:$0xb] =	wrdreg s11;
	s11 =	simm.s32 $0x0  }
0x1e: {  	s28 =	sadd.s32 s19, s14;
	s3 =	sadd.s32 $0xDA00, s4;
	[smem:$0x7FF] =	sst s11  }
0x1f: {  	s8 =	smax.u32 s6, $0x1;
	_ =	strace $0x8000004A;
	[dreg:$0x10] =	wrdreg s3  }
0x20: {  	s9 =	simm.s32 $0x4;
	s20 =	sadd.s32 s7, s14;
	[dreg:$0x11] =	wrdreg s8  }
0x21: {  	s16 =	simm.s32 $0x6;
	s19 =	simm.s32 $0x18400;
	[dreg:$0x12] =	wrdreg s20  }
0x22: {  	s23 =	sadd.s32 s12, s14;
	s22 =	sadd.s32 s10, s14;
	[dreg:$0x13] =	wrdreg s21  }
0x23: {  	s24 =	sadd.s32 s15, s14;
	s7 =	simm.s32 $0x14400;
	[dreg:$0x14] =	wrdreg s22  }
0x24: {  	s15 =	simm.s32 $0x40;
	s29 =	sadd.s32 s2, s14;
	[dreg:$0x15] =	wrdreg s23  }
0x25: {  	s10 =	simm.s32 $0x14000;
	s4 =	sshrl.u32 s31, $0x2;
	[dreg:$0x16] =	wrdreg s24  }
0x26: {  	s26 =	sadd.s32 s17, s14;
	s18 =	sadd.s32 s4, s14;
	[dreg:$0x17] =	wrdreg s25  }
0x27: {  	s17 =	simm.s32 $0x16400;
	s30 =	sadd.s32 $0x2000, s18;
	[dreg:$0x18] =	wrdreg s26  }
0x28: {  	s31 =	sadd.s32 $0x4000, s18;
	s0 =	sadd.s32 $0x6000, s18;
	[dreg:$0x19] =	wrdreg s28  }
0x29: {  	s1 =	sadd.s32 $0x8000, s18;
	s2 =	sadd.s32 $0xA000, s18;
	[dreg:$0x1a] =	wrdreg s29  }
0x2a: {  	s4 =	sadd.s32 $0xE000, s18;
	s6 =	sadd.s32 $0x12000, s18;
	[dreg:$0x1b] =	wrdreg s30  }
0x2b: {  	s25 =	sadd.s32 $0x3A00, s5;
	[dreg:$0x1c] =	wrdreg s31;
	s3 =	sadd.s32 $0xC000, s18  }
0x2c: {  	s5 =	sadd.s32 $0x10000, s18;
	s8 =	simm.s32 $0x7;
	s20 =	simm.s32 $0x1  }
0x2d: {  	s21 =	simm.s32 $0x2;
	s22 =	simm.s32 $0x3;
	s23 =	simm.s32 $0x0  }
.LBB2_1:
0x2e: {  	s12 =	rddreg [dreg:$0x10]  }
0x2f: {  	[tilespmem:s7], [sflag:$0x7] =	stream.linear.gather [hbm4b:s12+s11], $0x2000, $0x38;
	[tilespmem:$0x1A400] =	vst v63  }
0x30: {  	_ =	swait.ge [sflag:s8], $0x2000  }
0x31: {  	[sflag:s8] =	ssyncset.done $0x0  }
0x32: {  	[sflag:s8] =	ssyncadd.s32 $0xFFFFE000  }
0x33: {  	[spmem:s18] =	stream.linear.scatter [tilespmem:s7], [sflag:$0x4], $0x2000, $0x38;
	[tilespmem:$0x1A400] =	vst v63  }
0x34: {  	s28 =	rddreg [dreg:$0x1b]  }
0x35: {  	[spmem:s28] =	stream.linear.scatter [tilespmem:s7], [sflag:$0x4], $0x2000, $0x38;
	[tilespmem:$0x1A400] =	vst v63  }
0x36: {  	s29 =	rddreg [dreg:$0x1c]  }
0x37: {  	[spmem:s29] =	stream.linear.scatter [tilespmem:s7], [sflag:$0x4], $0x2000, $0x38;
	[tilespmem:$0x1A400] =	vst v63  }
0x38: {  	_ = 	snop  }
0x39: {  	[spmem:s0] =	stream.linear.scatter [tilespmem:s7], [sflag:$0x4], $0x2000, $0x38;
	[tilespmem:$0x1A400] =	vst v63  }
0x3a: {  	_ = 	snop  }
0x3b: {  	[spmem:s1] =	stream.linear.scatter [tilespmem:s7], [sflag:$0x4], $0x2000, $0x38;
	[tilespmem:$0x1A400] =	vst v63  }
0x3c: {  	_ = 	snop  }
0x3d: {  	[spmem:s2] =	stream.linear.scatter [tilespmem:s7], [sflag:$0x4], $0x2000, $0x38;
	[tilespmem:$0x1A400] =	vst v63  }
0x3e: {  	_ = 	snop  }
0x3f: {  	[spmem:s3] =	stream.linear.scatter [tilespmem:s7], [sflag:$0x4], $0x2000, $0x38;
	[tilespmem:$0x1A400] =	vst v63  }
0x40: {  	_ = 	snop  }
0x41: {  	[spmem:s4] =	stream.linear.scatter [tilespmem:s7], [sflag:$0x4], $0x2000, $0x38;
	[tilespmem:$0x1A400] =	vst v63  }
0x42: {  	_ = 	snop  }
0x43: {  	[spmem:s5] =	stream.linear.scatter [tilespmem:s7], [sflag:$0x4], $0x2000, $0x38;
	[tilespmem:$0x1A400] =	vst v63  }
0x44: {  	_ = 	snop  }
0x45: {  	[spmem:s6] =	stream.linear.scatter [tilespmem:s7], [sflag:$0x4], $0x2000, $0x38;
	[tilespmem:$0x1A400] =	vst v63  }
0x46: {  	_ =	swait.ge [sflag:s9], $0x2000  }
0x47: {  	[sflag:s9] =	ssyncset.done $0x0  }
0x48: {  	[sflag:s9] =	ssyncadd.s32 $0xFFFFE000  }
0x49: {  	_ =	swait.ge [sflag:s9], $0x2000  }
0x4a: {  	[sflag:s9] =	ssyncset.done $0x0  }
0x4b: {  	[sflag:s9] =	ssyncadd.s32 $0xFFFFE000  }
0x4c: {  	_ =	swait.ge [sflag:s9], $0x2000  }
0x4d: {  	[sflag:s9] =	ssyncset.done $0x0  }
0x4e: {  	[sflag:s9] =	ssyncadd.s32 $0xFFFFE000  }
0x4f: {  	_ =	swait.ge [sflag:s9], $0x2000  }
0x50: {  	[sflag:s9] =	ssyncset.done $0x0  }
0x51: {  	[sflag:s9] =	ssyncadd.s32 $0xFFFFE000  }
0x52: {  	_ =	swait.ge [sflag:s9], $0x2000  }
0x53: {  	[sflag:s9] =	ssyncset.done $0x0  }
0x54: {  	[sflag:s9] =	ssyncadd.s32 $0xFFFFE000  }
0x55: {  	_ =	swait.ge [sflag:s9], $0x2000  }
0x56: {  	[sflag:s9] =	ssyncset.done $0x0  }
0x57: {  	[sflag:s9] =	ssyncadd.s32 $0xFFFFE000  }
0x58: {  	_ =	swait.ge [sflag:s9], $0x2000  }
0x59: {  	[sflag:s9] =	ssyncset.done $0x0  }
0x5a: {  	[sflag:s9] =	ssyncadd.s32 $0xFFFFE000  }
0x5b: {  	_ =	swait.ge [sflag:s9], $0x2000  }
0x5c: {  	[sflag:s9] =	ssyncset.done $0x0  }
0x5d: {  	[sflag:s9] =	ssyncadd.s32 $0xFFFFE000  }
0x5e: {  	_ =	swait.ge [sflag:s9], $0x2000  }
0x5f: {  	[sflag:s9] =	ssyncset.done $0x0  }
0x60: {  	[sflag:s9] =	ssyncadd.s32 $0xFFFFE000  }
0x61: {  	_ =	swait.ge [sflag:s9], $0x2000  }
0x62: {  	[sflag:s9] =	ssyncset.done $0x0  }
0x63: {  	[sflag:s9] =	ssyncadd.s32 $0xFFFFE000  }
0x64: {  	[bflag:$0x0] =	sbarrier.arrive $0xFFFF  }
0x65: {  	s31 =	rddreg [dreg:$0xe]  }
0x66: {  	[tilespmem:s10], [sflag:$0x7] =	stream.linear.gather [hbm4b:s31+s11], $0x40, $0x38;
	[tilespmem:$0x1A400] =	vst v63  }
0x67: {  	_ =	swait.ge [sflag:s8], $0x40  }
0x68: {  	s30 =	smov.u32 s25;
	[sflag:s8] =	ssyncset.done $0x0  }
0x69: {  	s26 =	simm.s32 $0x0;
	s24 =	rddreg [dreg:$0xf];
	[sflag:s8] =	ssyncadd.s32 $0xFFFFFFC0  }
0x6a: {  	[tilespmem:s7], [sflag:$0x1] =	stream.indirect.gather [hbm4b:s13+s15], $0x80, s10, s15, $0xb8;
	[tilespmem:$0x1A400] =	vst v63  }
.LBB2_2:
0x6b: {  	s28 =	sadd.s32 $0x1, s26  }
0x6c: {  	s29 =	sand.u32 $0xFF, s28  }
0x6d: {  	s29 =	smul.u32 $0xAB, s29;
	_ =	sdelay $0x1  }
0x6e: {  	s29 =	sshrl.u32 s29, $0x9  }
0x6f: {  	s29 =	smul.u32 $0x3, s29;
	_ =	sdelay $0x1  }
0x70: {  	s29 =	ssub.s32 s28, s29  }
0x71: {  	p0 =	slt.u32 s26, $0x2;
	s29 =	sand.u32 $0xFF, s29  }
0x72: {  	s31 =	sadd.s32 @!p0 $0x4, s29  }
0x73: {  	p1 =	seq.s32 @!p0 s26, $0x9F;
	_ =	swait.ge @!p0 [sflag:s31], $0x2000  }
0x74: {  	p1 =	por p0, !p1;
	[sflag:s31] =	ssyncset.done @!p0 $0x0  }
0x75: {  	[sflag:s31] =	ssyncadd.s32 @!p0 $0xFFFFE000;
	s31 =	sshll.u32 @p1 s29, $0x7  }
0x76: {  	s31 =	sadd.s32 @p1 $0x14000, s31  }
0x77: {  	[tilespmem:s31], [sflag:$0x7] =	stream.linear.gather @p1 [hbm4b:s24+s11], $0x40, $0x38;
	[tilespmem:$0x1A400] =	vst v63  }
0x78: {  	_ =	swait.ge @p1 [sflag:s8], $0x40  }
0x79: {  	s12 =	sshll.u32 @p1 s29, $0xD;
	[sflag:s8] =	ssyncset.done @p1 $0x0  }
0x7a: {  	s12 =	sadd.s32 @p1 $0x14400, s12;
	s29 =	sadd.s32 @p1 $0x1, s29;
	[sflag:s8] =	ssyncadd.s32 @p1 $0xFFFFFFC0  }
0x7b: {  	[tilespmem:s12], [sflag:s29] =	stream.indirect.gather @p1 [hbm4b:s13+s15], $0x80, s31, s15, $0xb8;
	[tilespmem:$0x1A400] =	vst v63  }
0x7c: {  	s29 =	smul.u32 $0xAB, s26;
	_ =	sdelay $0x1  }
0x7d: {  	s12 =	sshrl.u32 s29, $0x9  }
0x7e: {  	s12 =	sand.u32 $0x7F, s12  }
0x7f: {  	s12 =	smul.u32 $0x3, s12;
	_ =	sdelay $0x1  }
0x80: {  	s12 =	ssub.s32 s26, s12  }
0x81: {  	s12 =	sand.u32 $0xFF, s12  }
0x82: {  	s31 =	sshll.u32 s12, $0x7  }
0x83: {  	s26 =	sadd.s32 $0x14200, s31  }
0x84: {  	[tilespmem:s26], [sflag:$0x7] =	stream.linear.gather [hbm4b:s30+s11], $0x40, $0x38;
	[tilespmem:$0x1A400] =	vst v63  }
0x85: {  	_ =	swait.ge [sflag:s8], $0x40  }
0x86: {  	[sflag:s8] =	ssyncset.done $0x0  }
0x87: {  	p0 =	sne.s32 s28, $0xA0;
	s29 =	sadd.s32 $0x1, s12;
	[sflag:s8] =	ssyncadd.s32 $0xFFFFFFC0  }
.Ltmp0:
0x88: {  	_ =	swait.ge [sflag:s29], $0x2000;
	(pc) =	sbr.rel @p0 .LBB2_2-.Ltmp0, $4  }
0x89: {  	s31 =	sshll.u32 s12, $0xD;
	[sflag:s29] =	ssyncset.done $0x0  }
0x8a: {  	s12 =	sadd.s32 $0x4, s12;
	s31 =	sadd.s32 $0x14400, s31;
	[sflag:s29] =	ssyncadd.s32 $0xFFFFE000  }
0x8b: {  	[spmem:s14] =	stream.indirect.scatter.add.f32 [tilespmem:s31], [sflag:s12], $0x80, s26, s15, $0xb8;
	[tilespmem:$0x1A400] =	vst v63  }
0x8c: {  	s24 =	sadd.s32 $0x8, s24;
	s30 =	sadd.s32 $0x8, s30;
	s26 =	smov.u32 s28  }
0x8d: {  	_ =	swait.ge [sflag:s9], $0x2000  }
0x8e: {  	[sflag:s9] =	ssyncset.done $0x0  }
0x8f: {  	[sflag:s9] =	ssyncadd.s32 $0xFFFFE000  }
0x90: {  	_ =	swait.ge [sflag:s16], $0x2000  }
0x91: {  	[sflag:s16] =	ssyncset.done $0x0  }
0x92: {  	[sflag:s16] =	ssyncadd.s32 $0xFFFFE000  }
0x93: {  	[bflag:$0x0] =	sbarrier.arrive $0xFFFF  }
0x94: {  	[tilespmem:s7], [sflag:$0x7] =	stream.linear.gather [spmem:s18], $0x2000, $0x38;
	[tilespmem:$0x1A400] =	vst v63  }
0x95: {  	_ =	swait.ge [sflag:s8], $0x2000  }
0x96: {  	[sflag:s8] =	ssyncset.done $0x0  }
0x97: {  	s12 =	rddreg [dreg:$0x4];
	[sflag:s8] =	ssyncadd.s32 $0xFFFFE000  }
0x98: {  	[hbm4b:s12+s11] =	stream.linear.scatter [tilespmem:s7], [sflag:$0x1], $0x2000, $0x38;
	[tilespmem:$0x1A400] =	vst v63  }
0x99: {  	s31 =	rddreg [dreg:$0x12]  }
0x9a: {  	[tilespmem:s17], [sflag:$0x7] =	stream.linear.gather [spmem:s31], $0x2000, $0x38;
	[tilespmem:$0x1A400] =	vst v63  }
0x9b: {  	_ =	swait.ge [sflag:s8], $0x2000  }
0x9c: {  	[sflag:s8] =	ssyncset.done $0x0  }
0x9d: {  	s24 =	rddreg [dreg:$0x5];
	[sflag:s8] =	ssyncadd.s32 $0xFFFFE000  }
0x9e: {  	[hbm4b:s24+s11] =	stream.linear.scatter [tilespmem:s17], [sflag:$0x2], $0x2000, $0x38;
	[tilespmem:$0x1A400] =	vst v63  }
0x9f: {  	s26 =	rddreg [dreg:$0x13]  }
0xa0: {  	[tilespmem:s19], [sflag:$0x7] =	stream.linear.gather [spmem:s26], $0x2000, $0x38;
	[tilespmem:$0x1A400] =	vst v63  }
0xa1: {  	_ =	swait.ge [sflag:s8], $0x2000  }
0xa2: {  	[sflag:s8] =	ssyncset.done $0x0  }
0xa3: {  	s28 =	rddreg [dreg:$0x6];
	[sflag:s8] =	ssyncadd.s32 $0xFFFFE000  }
0xa4: {  	[hbm4b:s28+s11] =	stream.linear.scatter [tilespmem:s19], [sflag:$0x3], $0x2000, $0x38;
	[tilespmem:$0x1A400] =	vst v63  }
0xa5: {  	_ =	swait.ge [sflag:s20], $0x2000  }
0xa6: {  	[sflag:s20] =	ssyncset.done $0x0  }
0xa7: {  	s29 =	rddreg [dreg:$0x14];
	[sflag:s20] =	ssyncadd.s32 $0xFFFFE000  }
0xa8: {  	[tilespmem:s7], [sflag:$0x7] =	stream.linear.gather [spmem:s29], $0x2000, $0x38;
	[tilespmem:$0x1A400] =	vst v63  }
0xa9: {  	_ =	swait.ge [sflag:s8], $0x2000  }
0xaa: {  	[sflag:s8] =	ssyncset.done $0x0  }
0xab: {  	s30 =	rddreg [dreg:$0x7];
	[sflag:s8] =	ssyncadd.s32 $0xFFFFE000  }
0xac: {  	[hbm4b:s30+s11] =	stream.linear.scatter [tilespmem:s7], [sflag:$0x1], $0x2000, $0x38;
	[tilespmem:$0x1A400] =	vst v63  }
0xad: {  	_ =	swait.ge [sflag:s21], $0x2000  }
0xae: {  	[sflag:s21] =	ssyncset.done $0x0  }
0xaf: {  	s31 =	rddreg [dreg:$0x15];
	[sflag:s21] =	ssyncadd.s32 $0xFFFFE000  }
0xb0: {  	[tilespmem:s17], [sflag:$0x7] =	stream.linear.gather [spmem:s31], $0x2000, $0x38;
	[tilespmem:$0x1A400] =	vst v63  }
0xb1: {  	_ =	swait.ge [sflag:s8], $0x2000  }
0xb2: {  	[sflag:s8] =	ssyncset.done $0x0  }
0xb3: {  	s24 =	rddreg [dreg:$0x8];
	[sflag:s8] =	ssyncadd.s32 $0xFFFFE000  }
0xb4: {  	[hbm4b:s24+s11] =	stream.linear.scatter [tilespmem:s17], [sflag:$0x2], $0x2000, $0x38;
	[tilespmem:$0x1A400] =	vst v63  }
0xb5: {  	_ =	swait.ge [sflag:s22], $0x2000  }
0xb6: {  	[sflag:s22] =	ssyncset.done $0x0  }
0xb7: {  	s26 =	rddreg [dreg:$0x16];
	[sflag:s22] =	ssyncadd.s32 $0xFFFFE000  }
0xb8: {  	[tilespmem:s19], [sflag:$0x7] =	stream.linear.gather [spmem:s26], $0x2000, $0x38;
	[tilespmem:$0x1A400] =	vst v63  }
0xb9: {  	_ =	swait.ge [sflag:s8], $0x2000  }
0xba: {  	[sflag:s8] =	ssyncset.done $0x0  }
0xbb: {  	s28 =	rddreg [dreg:$0x9];
	[sflag:s8] =	ssyncadd.s32 $0xFFFFE000  }
0xbc: {  	[hbm4b:s28+s11] =	stream.linear.scatter [tilespmem:s19], [sflag:$0x3], $0x2000, $0x38;
	[tilespmem:$0x1A400] =	vst v63  }
0xbd: {  	_ =	swait.ge [sflag:s20], $0x2000  }
0xbe: {  	[sflag:s20] =	ssyncset.done $0x0  }
0xbf: {  	s29 =	rddreg [dreg:$0x17];
	[sflag:s20] =	ssyncadd.s32 $0xFFFFE000  }
0xc0: {  	[tilespmem:s7], [sflag:$0x7] =	stream.linear.gather [spmem:s29], $0x2000, $0x38;
	[tilespmem:$0x1A400] =	vst v63  }
0xc1: {  	_ =	swait.ge [sflag:s8], $0x2000  }
0xc2: {  	[sflag:s8] =	ssyncset.done $0x0  }
0xc3: {  	s30 =	rddreg [dreg:$0xa];
	[sflag:s8] =	ssyncadd.s32 $0xFFFFE000  }
0xc4: {  	[hbm4b:s30+s11] =	stream.linear.scatter [tilespmem:s7], [sflag:$0x1], $0x2000, $0x38;
	[tilespmem:$0x1A400] =	vst v63  }
0xc5: {  	_ =	swait.ge [sflag:s21], $0x2000  }
0xc6: {  	[sflag:s21] =	ssyncset.done $0x0  }
0xc7: {  	s31 =	rddreg [dreg:$0x18];
	[sflag:s21] =	ssyncadd.s32 $0xFFFFE000  }
0xc8: {  	[tilespmem:s17], [sflag:$0x7] =	stream.linear.gather [spmem:s31], $0x2000, $0x38;
	[tilespmem:$0x1A400] =	vst v63  }
0xc9: {  	_ =	swait.ge [sflag:s8], $0x2000  }
0xca: {  	[sflag:s8] =	ssyncset.done $0x0  }
0xcb: {  	s24 =	rddreg [dreg:$0xb];
	[sflag:s8] =	ssyncadd.s32 $0xFFFFE000  }
0xcc: {  	[hbm4b:s24+s11] =	stream.linear.scatter [tilespmem:s17], [sflag:$0x2], $0x2000, $0x38;
	[tilespmem:$0x1A400] =	vst v63  }
0xcd: {  	_ =	swait.ge [sflag:s22], $0x2000  }
0xce: {  	[sflag:s22] =	ssyncset.done $0x0  }
0xcf: {  	s26 =	rddreg [dreg:$0x19];
	[sflag:s22] =	ssyncadd.s32 $0xFFFFE000  }
0xd0: {  	[tilespmem:s19], [sflag:$0x7] =	stream.linear.gather [spmem:s26], $0x2000, $0x38;
	[tilespmem:$0x1A400] =	vst v63  }
0xd1: {  	_ =	swait.ge [sflag:s8], $0x2000  }
0xd2: {  	[sflag:s8] =	ssyncset.done $0x0  }
0xd3: {  	s28 =	rddreg [dreg:$0xc];
	[sflag:s8] =	ssyncadd.s32 $0xFFFFE000  }
0xd4: {  	[hbm4b:s28+s11] =	stream.linear.scatter [tilespmem:s19], [sflag:$0x3], $0x2000, $0x38;
	[tilespmem:$0x1A400] =	vst v63  }
0xd5: {  	_ =	swait.ge [sflag:s20], $0x2000  }
0xd6: {  	[sflag:s20] =	ssyncset.done $0x0  }
0xd7: {  	s29 =	rddreg [dreg:$0x1a];
	[sflag:s20] =	ssyncadd.s32 $0xFFFFE000  }
0xd8: {  	[tilespmem:s7], [sflag:$0x7] =	stream.linear.gather [spmem:s29], $0x2000, $0x38;
	[tilespmem:$0x1A400] =	vst v63  }
0xd9: {  	_ =	swait.ge [sflag:s8], $0x2000  }
0xda: {  	[sflag:s8] =	ssyncset.done $0x0  }
0xdb: {  	s30 =	rddreg [dreg:$0xd];
	[sflag:s8] =	ssyncadd.s32 $0xFFFFE000  }
0xdc: {  	[hbm4b:s30+s11] =	stream.linear.scatter [tilespmem:s7], [sflag:$0x1], $0x2000, $0x38;
	[tilespmem:$0x1A400] =	vst v63  }
0xdd: {  	_ =	swait.ge [sflag:s20], $0x2000  }
0xde: {  	[sflag:s20] =	ssyncset.done $0x0  }
0xdf: {  	[sflag:s20] =	ssyncadd.s32 $0xFFFFE000  }
0xe0: {  	_ =	swait.ge [sflag:s21], $0x2000  }
0xe1: {  	[sflag:s21] =	ssyncset.done $0x0  }
0xe2: {  	[sflag:s21] =	ssyncadd.s32 $0xFFFFE000  }
0xe3: {  	_ =	swait.ge [sflag:s22], $0x2000  }
0xe4: {  	s23 =	sadd.s32 $0x1, s23;
	s31 =	rddreg [dreg:$0x11]  }
0xe5: {  	p0 =	sne.s32 s23, s31  }
.Ltmp1:
0xe6: {  	_ = 	snop;
	(pc) =	sbr.rel @p0 .LBB2_1-.Ltmp1, $3  }
0xe7: {  	_ =	sdelay $0x1  }
0xe8: {  	[sflag:s22] =	ssyncset.done $0x0  }
0xe9: {  	[sflag:s22] =	ssyncadd.s32 $0xFFFFE000  }
0xea: {  	_ =	sfence.sel $0x180000  }
0xeb: {  	[bflag:$0x0] =	sbarrier.arrive $0xFFFF  }
0xec: {  	_ =	strace $0x9000004A  }
0xed: {  	s0 =	stileid.u32;
	[bflag:$0x2] =	sbarrier.arrive $0xFFFF  }
0xee: {  	p0 =	sne.s32 s0, $0x0;
	s0 =	rddreg [dreg:$0x3]  }
0xef: {  	s0 =	sadd.s32 @!p0 $0x100000, s0  }
0xf0: {  	[sflag:s0] =	ssyncadd.tile.s32 @!p0 $0x1;
	_ =	shalt  }
.Lfunc_end2:
_tile_overlayer_lowered:
.L_overlay_start_2:
0xf1: {  	(tag) =	ssettag $0x2  }
0xf2: {  	s0 =	rddreg [dreg:$0x0];
	s2 =	stileid.u32  }
0xf3: {  	s1 =	rddreg [dreg:$0x1];
	p0 =	sne.s32 s2, $0x0  }
0xf4: {  	s3 =	rddreg [dreg:$0x2];
	[bflag:$0x3] =	sbarrier.arrive $0xFFFF;
	s2 =	simm.s32 @!p0 $0x1C07  }
0xf5: {  	[timem:s3], [sflag:s2] =	dma.local @!p0 [hbm:s0], s1  }
0xf6: {  	s0 =	simm.s32 @!p0 $0x7  }
0xf7: {  	_ =	swait.ge @!p0 [sflag:s0], s1  }
0xf8: {  	s1 =	ssub.s32 @!p0 $0x0, s1;
	[sflag:s0] =	ssyncset.done @!p0 $0x0  }
0xf9: {  	[sflag:s0] =	ssyncadd.s32 @!p0 s1  }
0xfa: {  	[bflag:$0x3] =	sbarrier.arrive $0xFFFF  }
0xfb: {  	_ =	shalt  }

// kernel: kernel.14.cloned.1.call-start
scs
__scs_entry_jumppad:
0x0: {  	(pc) =	sbr.rel $0x88, $3  }
0x1: {  	(tag) =	ssettag $0x0;
	lr =	simm.s32 $0x1  }
0x2: {  	[smem:$0x3F97] =	sst lr;
	_ =	strace $0xD0000000  }
0x3: {  	_ = 	snop  }
0x4: {  	_ = 	snop  }
0x5: {  	_ = 	snop  }
0x6: {  	_ = 	snop  }
0x7: {  	_ = 	snop  }
__scs_overlays_trampoline_lowered:
0x8: {  	[smem:$0x3FA6] =	sst s0  }
0x9: {  	[smem:$0x3FA7] =	sst s1  }
0xa: {  	[smem:$0x3FA8] =	sst s2  }
0xb: {  	[smem:$0x3FA9] =	sst s3  }
0xc: {  	[smem:$0x3FAA] =	sst s4  }
0xd: {  	[smem:$0x3FAB] =	sst s5  }
0xe: {  	[smem:$0x3FAC] =	sst s6  }
0xf: {  	[smem:$0x3FAD] =	sst s7  }
0x10: {  	[smem:$0x3FAE] =	sst s8  }
0x11: {  	[smem:$0x3FAF] =	sst s9;
	s0 =	simm.s32 @!p0 $0x0  }
0x12: {  	s1 =	sld [smem:$0x3F95];
	s0 =	simm.s32 @p0 $0x1  }
0x13: {  	[smem:$0x3FB0] =	sst s0;
	s0 =	simm.s32 @!p1 $0x0  }
0x14: {  	s2 =	sld [smem:$0x3F94];
	s0 =	simm.s32 @p1 $0x1  }
0x15: {  	[smem:$0x3FB1] =	sst s0;
	s0 =	simm.s32 @!p2 $0x0  }
0x16: {  	s3 =	sld [smem:$0x3FDB];
	s0 =	simm.s32 @p2 $0x1  }
0x17: {  	s4 =	simm.s32 $0x1BF5;
	[smem:$0x3FB3] =	sst s0  }
0x18: {  	s0 =	sld [smem:$0x3F96];
	_ =	swait.ge [sflag:s4], $0x0  }
0x19: {  	s7 =	sld [smem:$0x3F97]  }
0x1a: {  	s8 =	sadd.s32 $0xFFFFE003, lr  }
0x1b: {  	s9 =	sadd.s32 $0xFFFFFEF7, lr;
	s5 =	simm.s32 $0xFFFFFFFF;
	p2 =	slt.u32 s8, $0xFFFFF086  }
0x1c: {  	p1 =	slt.u32 s9, $0xF7A;
	s5 =	simm.s32 @!p2 $0x0  }
0x1d: {  	s5 =	simm.s32 @p1 $0x1;
	p0 =	seq.s32 s7, s2  }
0x1e: {  	s7 =	smul.u32 @!p0 $0xF7A, s2;
	p2 =	seq.s32 @!p0 s5, $0x0  }
0x1f: {  	s9 =	smul.u32 $0xF7A, s1;
	s8 =	simm.s32 @!p0 $0x1BF5;
	p2 =	por !p2, p0  }
0x20: {  	[sflag:s8] =	ssyncset.s32 @!p0 $0xFFFFF086;
	s6 =	sadd.s32 @!p0 s3, s7;
	s7 =	simm.s32 @!p0 $0x108  }
0x21: {  	s3 =	sadd.s32 s3, s9;
	s6 =	sadd.s32 @!p0 $0x88, s6;
	s7 =	simm.s32 @p2 $0x1082  }
0x22: {  	[simem:s7], [sflag:s8] =	dma.local @!p0 [hbm:s6], $0xF7A  }
0x23: {  	s9 =	sor.u32 $0xD0000000, s2;
	s6 =	simm.s32 $0x108;
	_ =	swait.ge @!p0 [sflag:s8], $0x0  }
0x24: {  	s3 =	sadd.s32 $0x88, s3;
	s6 =	simm.s32 @!p1 $0x1082;
	[sflag:s4] =	ssyncset.s32 $0xFFFFF086  }
0x25: {  	[simem:s6], [sflag:s4] =	dma.local [hbm:s3], $0xF7A  }
0x26: {  	[smem:$0x3F97] =	sst s1;
	(tag) =	ssettag s2;
	_ =	strace s9  }
0x27: {  	s1 =	sld [smem:$0x3FA7]  }
0x28: {  	s2 =	sld [smem:$0x3FA8]  }
0x29: {  	s4 =	sld [smem:$0x3FAA]  }
0x2a: {  	p0 =	seq.s32 s5, $0x0;
	s5 =	sld [smem:$0x3FAB]  }
0x2b: {  	s6 =	sld [smem:$0x3FAC]  }
0x2c: {  	s7 =	sld [smem:$0x3FAD]  }
0x2d: {  	s3 =	simm.s32 $0x108;
	s8 =	sld [smem:$0x3FAE]  }
0x2e: {  	s3 =	simm.s32 @!p0 $0x1082;
	s9 =	sld [smem:$0x3FAF]  }
0x2f: {  	lr =	sadd.s32 s0, s3;
	s0 =	sld [smem:$0x3FA6]  }
0x30: {  	s3 =	sld [smem:$0x3FA9]  }
0x31: {  	[smem:$0x3FB2] =	sst s10  }
0x32: {  	s10 =	sld [smem:$0x3FB0];
	_ =	sdelay $0x3  }
0x33: {  	p0 =	seq.s32 s10, $0x1;
	s10 =	sld [smem:$0x3FB2];
	_ =	sdelay $0x3  }
0x34: {  	[smem:$0x3FB2] =	sst s10  }
0x35: {  	s10 =	sld [smem:$0x3FB1];
	_ =	sdelay $0x3  }
0x36: {  	p1 =	seq.s32 s10, $0x1;
	s10 =	sld [smem:$0x3FB2];
	_ =	sdelay $0x3  }
0x37: {  	[smem:$0x3FB2] =	sst s10  }
0x38: {  	s10 =	sld [smem:$0x3FB3]  }
0x39: {  	_ = 	snop;
	(pc) =	sbr.ind lr, $3  }
0x3a: {  	_ = 	snop  }
0x3b: {  	_ = 	snop  }
0x3c: {  	p2 =	seq.s32 s10, $0x1;
	s10 =	sld [smem:$0x3FB2]  }
0x3d: {  	_ =	shalt  }
0x3e: {  	_ =	shalt  }
0x3f: {  	_ =	shalt  }
0x40: {  	_ =	shalt  }
0x41: {  	_ =	shalt  }
0x42: {  	_ =	shalt  }
0x43: {  	_ =	shalt  }
0x44: {  	_ =	shalt  }
0x45: {  	_ =	shalt  }
0x46: {  	_ =	shalt  }
0x47: {  	_ =	shalt  }
0x48: {  	_ =	shalt  }
0x49: {  	_ =	shalt  }
0x4a: {  	_ =	shalt  }
0x4b: {  	_ =	shalt  }
0x4c: {  	_ =	shalt  }
0x4d: {  	_ =	shalt  }
0x4e: {  	_ =	shalt  }
0x4f: {  	_ =	shalt  }
0x50: {  	_ =	shalt  }
0x51: {  	_ =	shalt  }
0x52: {  	_ =	shalt  }
0x53: {  	_ =	shalt  }
0x54: {  	_ =	shalt  }
0x55: {  	_ =	shalt  }
0x56: {  	_ =	shalt  }
0x57: {  	_ =	shalt  }
0x58: {  	_ =	shalt  }
0x59: {  	_ =	shalt  }
0x5a: {  	_ =	shalt  }
0x5b: {  	_ =	shalt  }
0x5c: {  	_ =	shalt  }
0x5d: {  	_ =	shalt  }
0x5e: {  	_ =	shalt  }
0x5f: {  	_ =	shalt  }
0x60: {  	_ =	shalt  }
0x61: {  	_ =	shalt  }
0x62: {  	_ =	shalt  }
0x63: {  	_ =	shalt  }
0x64: {  	_ =	shalt  }
0x65: {  	_ =	shalt  }
0x66: {  	_ =	shalt  }
0x67: {  	_ =	shalt  }
0x68: {  	_ =	shalt  }
0x69: {  	_ =	shalt  }
0x6a: {  	_ =	shalt  }
0x6b: {  	_ =	shalt  }
0x6c: {  	_ =	shalt  }
0x6d: {  	_ =	shalt  }
0x6e: {  	_ =	shalt  }
0x6f: {  	_ =	shalt  }
0x70: {  	_ =	shalt  }
0x71: {  	_ =	shalt  }
0x72: {  	_ =	shalt  }
0x73: {  	_ =	shalt  }
0x74: {  	_ =	shalt  }
0x75: {  	_ =	shalt  }
0x76: {  	_ =	shalt  }
0x77: {  	_ =	shalt  }
0x78: {  	_ =	shalt  }
0x79: {  	_ =	shalt  }
0x7a: {  	_ =	shalt  }
0x7b: {  	_ =	shalt  }
0x7c: {  	_ =	shalt  }
0x7d: {  	_ =	shalt  }
0x7e: {  	_ =	shalt  }
0x7f: {  	_ =	shalt  }
0x80: {  	_ =	shalt  }
0x81: {  	_ =	shalt  }
0x82: {  	_ =	shalt  }
0x83: {  	_ =	shalt  }
0x84: {  	_ =	shalt  }
0x85: {  	_ =	shalt  }
0x86: {  	_ =	shalt  }
0x87: {  	_ =	shalt  }
.Lfunc_end0:
.L_simem_size_0:
called_computation.2_lowered:
.L_overlay_start_0:
0x88: {  	s2 =	sld [smem:$0x3FD9]  }
0x89: {  	s3 =	sld [smem:$0x3FFE];
	_ =	sdelay $0x1  }
0x8a: {  	s1 =	srdreg.scid  }
0x8b: {  	s0 =	sand.u32 $0x1, s1  }
0x8c: {  	s17 =	sshll.u32 s0, $0xA;
	s2 =	sadd.s32 s3, s2  }
0x8d: {  	s2 =	sadd.s32 s2, s17  }
0x8e: {  	[smem:$0x3FBE] =	sst s2  }
0x8f: {  	_ = 	snop  }
0x90: {  	s2 =	sld [smem:$0x3FD0];
	(tm) =	ssettm $0x1  }
0x91: {  	s18 =	sld [smem:$0x3FFB];
	_ =	sdelay $0x3  }
0x92: {  	_ =	strace s18  }
0x93: {  	s3 =	sld [smem:$0x3FFC];
	_ =	sdelay $0x3  }
0x94: {  	_ =	strace s3  }
0x95: {  	s3 =	sld [smem:$0x3FFD];
	_ =	sdelay $0x3  }
0x96: {  	_ =	strace s3  }
0x97: {  	_ =	strace $0x8FFFFFFF  }
0x98: {  	s19 =	sld [smem:$0x3FDB];
	_ =	sdelay $0x1  }
0x99: {  	s4 =	simm.s32 $_scs_section_size  }
0x9a: {  	s5 =	simm.s32 $_size__tile_overlayer_lowered;
	s6 =	simm.s32 $_tile_overlayer_lowered  }
0x9b: {  	s22 =	simm.s32 $0x1BFF;
	s21 =	sshll.u32 s6, $0x1;
	s3 =	sadd.s32 s4, s19  }
0x9c: {  	s7 =	simm.s32 $0x0;
	s20 =	sshll.u32 s5, $0x1;
	s5 =	sadd.s32 s21, s3  }
0x9d: {  	[timem:s7], [sflag:s22] =	dma.local [hbm:s5], s20  }
0x9e: {  	_ =	swait.ge [sflag:s22], s20  }
0x9f: {  	s4 =	ssub.s32 $0x0, s20;
	[sflag:s22] =	ssyncset.done $0x0  }
0xa0: {  	[sflag:s22] =	ssyncadd.s32 s4;
	_ =	sdelay $0x1  }
0xa1: {  	s23 =	simm.s32 $0x1B8B  }
0xa2: {  	_ =	swait.ge [sflag:s23], $0x1  }
0xa3: {  	[sflag:s23] =	ssyncset.done $0x0  }
0xa4: {  	s25 =	simm.s32 $0x1B8E;
	s24 =	sld [smem:$0x3FFE];
	[sflag:s23] =	ssyncadd.s32 $0xFFFFFFFF  }
0xa5: {  	s26 =	simm.s32 $execute0_lowered;
	[smem:$0x3FD2] =	sst s25  }
0xa6: {  	s5 =	sshll.u32 s26, $0x1;
	_ =	strace $0x8000004C;
	[dreg:$0x1] =	wrdreg $0xFFFFFFFF  }
0xa7: {  	s28 =	simm.s32 $_size_execute0_lowered;
	s3 =	sadd.s32 s3, s5;
	[dreg:$0x0] =	wrdreg $0x0  }
0xa8: {  	s5 =	sshll.u32 s28, $0x1;
	[dreg:$0x2] =	wrdreg s3  }
0xa9: {  	[dreg:$0x3] =	wrdreg s5  }
0xaa: {  	[dreg:$0x4] =	wrdreg $0xC0  }
0xab: {  	_ =	task [dreg:s7], $0x5FFFF  }
0xac: {  	[dreg:$0x1] =	wrdreg $0xFFFFFFFF  }
0xad: {  	[dreg:$0x0] =	wrdreg $0x60  }
0xae: {  	[dreg:$0x2] =	wrdreg s2  }
0xaf: {  	[dreg:$0x3] =	wrdreg s24  }
0xb0: {  	[dreg:$0x4] =	wrdreg $0x0  }
0xb1: {  	[dreg:$0x5] =	wrdreg $0x9  }
0xb2: {  	_ =	task.clear_ibuf [dreg:s7], $0x6FFFF;
	_ =	strace $0x9000004C  }
0xb3: {  	s29 =	simm.s32 $0x9;
	_ =	strace $0x8000004E  }
0xb4: {  	_ =	swait.ge [sflag:s29], $0x1  }
0xb5: {  	[sflag:s29] =	ssyncadd.s32 $0xFFFFFFFF  }
0xb6: {  	_ =	strace $0x9000004E  }
0xb7: {  	_ =	sfence  }
0xb8: {  	s30 =	sld [smem:$0x0];
	_ =	sdelay $0x2  }
0xb9: {  	s31 =	sshll.u32 s1, $0xD;
	s1 =	sshrl.u32 s1, $0x2  }
0xba: {  	s3 =	sand.u32 $0x4000, s31;
	s1 =	sadd.s32 s1, s30  }
0xbb: {  	s0 =	sor.u32 s3, s0;
	s1 =	sshll.u32 s1, $0x11  }
0xbc: {  	s0 =	sor.u32 s1, s0  }
0xbd: {  	s0 =	sadd.s32 $0x8F2B, s0  }
0xbe: {  	[sflag:s0] =	ssyncadd.remote.s32 $0x1  }
0xbf: {  	_ =	sfence.sel $0xFFFF  }
0xc0: {  	[dreg:$0x0] =	wrdreg $0xFFFFFFFF;
	(pc) =	sbr.abs _section_cstart, $3  }
0xc1: {  	[dreg:$0x1] =	wrdreg $0xFFFFFFFF  }
0xc2: {  	_ =	task.clear_ibuf [dreg:s7], $0x2FFFF;
	_ =	strace $0x9FFFFFFF  }
0xc3: {  	(tm) =	ssettm $0x7FFFFFFF  }
tec
execute0_lowered:
.L_overlay_start_1:
0x0: {  	(tag) =	ssettag $0x1  }
0x1: {  	s18 =	stileid.u32  }
0x2: {  	s0 =	srdreg.scid;
	s2 =	smul.u32 $0x14000, s18  }
0x3: {  	s0 =	sand.u32 $0x1, s0;
	s4 =	smul.u32 $0x2800, s18  }
0x4: {  	s3 =	rddreg [dreg:$0x1];
	s1 =	smul.u32 $0x140000, s0  }
0x5: {  	s8 =	sadd.s32 $0x8FA00, s3;
	s5 =	smul.u32 $0x28000, s0;
	s6 =	ssub.s32 $0x2, s0  }
0x6: {  	s0 =	sshll.u32 s0, $0x4;
	s9 =	sshrl.u32 s6, $0x1;
	s10 =	sadd.s32 $0x6000, s2  }
0x7: {  	s15 =	sadd.s32 $0xA000, s2;
	s16 =	sadd.s32 $0xC000, s2;
	s17 =	sadd.s32 $0xE000, s2  }
0x8: {  	s19 =	sadd.s32 $0x10000, s2;
	s0 =	sor.u32 s18, s0;
	s7 =	sadd.s32 s1, s2  }
0x9: {  	s6 =	ssub.s32 s6, s9;
	s9 =	sadd.s32 $0x4000, s2;
	s13 =	sadd.s32 s1, s10  }
0xa: {  	s23 =	sadd.s32 s1, s15;
	s14 =	sadd.s32 s1, s16;
	s26 =	sadd.s32 s1, s17  }
0xb: {  	s28 =	sadd.s32 s1, s19;
	s30 =	sadd.s32 s4, s5;
	s0 =	smul.u32 $0x2800, s0  }
0xc: {  	s4 =	sadd.s32 s4, s3;
	s7 =	sshrl.u32 s7, $0x3;
	s12 =	sadd.s32 s1, s9  }
0xd: {  	s13 =	sshrl.u32 s13, $0x3;
	s14 =	sshrl.u32 s14, $0x3;
	s5 =	sshrl.u32 s30, $0x3  }
0xe: {  	s7 =	sadd.s32 s8, s7;
	s12 =	sshrl.u32 s12, $0x3;
	s21 =	sadd.s32 s8, s13  }
0xf: {  	s13 =	sshrl.u32 s23, $0x3;
	s25 =	sadd.s32 s8, s14;
	s5 =	sadd.s32 s5, s3  }
0x10: {  	s3 =	sadd.s32 $0x85A00, s3;
	s0 =	sshrl.u32 s0, $0x3;
	s14 =	rddreg [dreg:$0x2]  }
0x11: {  	[dreg:$0x4] =	wrdreg s7;
	s7 =	sor.u32 $0x2000, s2;
	s20 =	sadd.s32 s8, s12  }
0x12: {  	[dreg:$0x7] =	wrdreg s21;
	s12 =	sadd.s32 $0x8000, s2;
	s24 =	sadd.s32 s8, s13  }
0x13: {  	[dreg:$0xa] =	wrdreg s25;
	s2 =	sadd.s32 $0x12000, s2;
	s13 =	sshrl.u32 s28, $0x3  }
0x14: {  	s0 =	sadd.s32 s3, s0;
	s11 =	sadd.s32 s1, s7;
	[dreg:$0x6] =	wrdreg s20  }
0x15: {  	s22 =	sadd.s32 s1, s12;
	[dreg:$0x9] =	wrdreg s24;
	s1 =	sadd.s32 s1, s2  }
0x16: {  	s29 =	sadd.s32 s8, s13;
	s13 =	rddreg [dreg:$0x0];
	s11 =	sshrl.u32 s11, $0x3  }
0x17: {  	[dreg:$0xe] =	wrdreg s0;
	s1 =	sshrl.u32 s1, $0x3;
	s11 =	sadd.s32 s8, s11  }
0x18: {  	s31 =	smul.u32 $0x50000, s18;
	s1 =	sadd.s32 s8, s1;
	[dreg:$0x5] =	wrdreg s11  }
0x19: {  	s11 =	sshrl.u32 s22, $0x3;
	[dreg:$0xd] =	wrdreg s1;
	s1 =	sor.u32 $0x40, s30  }
0x1a: {  	[dreg:$0xc] =	wrdreg s29;
	s11 =	sadd.s32 s8, s11;
	s1 =	sshrl.u32 s1, $0x3  }
0x1b: {  	[dreg:$0x8] =	wrdreg s11;
	s11 =	sshrl.u32 s26, $0x3;
	s1 =	sadd.s32 s1, s3  }
0x1c: {  	s21 =	sadd.s32 s9, s14;
	s11 =	sadd.s32 s8, s11;
	[dreg:$0xf] =	wrdreg s1  }
0x1d: {  	s25 =	sadd.s32 s16, s14;
	[dreg:$0xb] =	wrdreg s11;
	s11 =	simm.s32 $0x0  }
0x1e: {  	s28 =	sadd.s32 s19, s14;
	s3 =	sadd.s32 $0xDA00, s4;
	[smem:$0x7FF] =	sst s11  }
0x1f: {  	s8 =	smax.u32 s6, $0x1;
	_ =	strace $0x8000004D;
	[dreg:$0x10] =	wrdreg s3  }
0x20: {  	s9 =	simm.s32 $0x4;
	s20 =	sadd.s32 s7, s14;
	[dreg:$0x11] =	wrdreg s8  }
0x21: {  	s16 =	simm.s32 $0x6;
	s19 =	simm.s32 $0x18400;
	[dreg:$0x12] =	wrdreg s20  }
0x22: {  	s23 =	sadd.s32 s12, s14;
	s22 =	sadd.s32 s10, s14;
	[dreg:$0x13] =	wrdreg s21  }
0x23: {  	s24 =	sadd.s32 s15, s14;
	s7 =	simm.s32 $0x14400;
	[dreg:$0x14] =	wrdreg s22  }
0x24: {  	s15 =	simm.s32 $0x40;
	s29 =	sadd.s32 s2, s14;
	[dreg:$0x15] =	wrdreg s23  }
0x25: {  	s10 =	simm.s32 $0x14000;
	s4 =	sshrl.u32 s31, $0x2;
	[dreg:$0x16] =	wrdreg s24  }
0x26: {  	s26 =	sadd.s32 s17, s14;
	s18 =	sadd.s32 s4, s14;
	[dreg:$0x17] =	wrdreg s25  }
0x27: {  	s17 =	simm.s32 $0x16400;
	s30 =	sadd.s32 $0x2000, s18;
	[dreg:$0x18] =	wrdreg s26  }
0x28: {  	s31 =	sadd.s32 $0x4000, s18;
	s0 =	sadd.s32 $0x6000, s18;
	[dreg:$0x19] =	wrdreg s28  }
0x29: {  	s1 =	sadd.s32 $0x8000, s18;
	s2 =	sadd.s32 $0xA000, s18;
	[dreg:$0x1a] =	wrdreg s29  }
0x2a: {  	s4 =	sadd.s32 $0xE000, s18;
	s6 =	sadd.s32 $0x12000, s18;
	[dreg:$0x1b] =	wrdreg s30  }
0x2b: {  	s25 =	sadd.s32 $0x3A00, s5;
	[dreg:$0x1c] =	wrdreg s31;
	s3 =	sadd.s32 $0xC000, s18  }
0x2c: {  	s5 =	sadd.s32 $0x10000, s18;
	s8 =	simm.s32 $0x7;
	s20 =	simm.s32 $0x1  }
0x2d: {  	s21 =	simm.s32 $0x2;
	s22 =	simm.s32 $0x3;
	s23 =	simm.s32 $0x0  }
.LBB2_1:
0x2e: {  	s12 =	rddreg [dreg:$0x10]  }
0x2f: {  	[tilespmem:s7], [sflag:$0x7] =	stream.linear.gather [hbm4b:s12+s11], $0x2000, $0x38;
	[tilespmem:$0x1A400] =	vst v63  }
0x30: {  	_ =	swait.ge [sflag:s8], $0x2000  }
0x31: {  	[sflag:s8] =	ssyncset.done $0x0  }
0x32: {  	[sflag:s8] =	ssyncadd.s32 $0xFFFFE000  }
0x33: {  	[spmem:s18] =	stream.linear.scatter [tilespmem:s7], [sflag:$0x4], $0x2000, $0x38;
	[tilespmem:$0x1A400] =	vst v63  }
0x34: {  	s28 =	rddreg [dreg:$0x1b]  }
0x35: {  	[spmem:s28] =	stream.linear.scatter [tilespmem:s7], [sflag:$0x4], $0x2000, $0x38;
	[tilespmem:$0x1A400] =	vst v63  }
0x36: {  	s29 =	rddreg [dreg:$0x1c]  }
0x37: {  	[spmem:s29] =	stream.linear.scatter [tilespmem:s7], [sflag:$0x4], $0x2000, $0x38;
	[tilespmem:$0x1A400] =	vst v63  }
0x38: {  	_ = 	snop  }
0x39: {  	[spmem:s0] =	stream.linear.scatter [tilespmem:s7], [sflag:$0x4], $0x2000, $0x38;
	[tilespmem:$0x1A400] =	vst v63  }
0x3a: {  	_ = 	snop  }
0x3b: {  	[spmem:s1] =	stream.linear.scatter [tilespmem:s7], [sflag:$0x4], $0x2000, $0x38;
	[tilespmem:$0x1A400] =	vst v63  }
0x3c: {  	_ = 	snop  }
0x3d: {  	[spmem:s2] =	stream.linear.scatter [tilespmem:s7], [sflag:$0x4], $0x2000, $0x38;
	[tilespmem:$0x1A400] =	vst v63  }
0x3e: {  	_ = 	snop  }
0x3f: {  	[spmem:s3] =	stream.linear.scatter [tilespmem:s7], [sflag:$0x4], $0x2000, $0x38;
	[tilespmem:$0x1A400] =	vst v63  }
0x40: {  	_ = 	snop  }
0x41: {  	[spmem:s4] =	stream.linear.scatter [tilespmem:s7], [sflag:$0x4], $0x2000, $0x38;
	[tilespmem:$0x1A400] =	vst v63  }
0x42: {  	_ = 	snop  }
0x43: {  	[spmem:s5] =	stream.linear.scatter [tilespmem:s7], [sflag:$0x4], $0x2000, $0x38;
	[tilespmem:$0x1A400] =	vst v63  }
0x44: {  	_ = 	snop  }
0x45: {  	[spmem:s6] =	stream.linear.scatter [tilespmem:s7], [sflag:$0x4], $0x2000, $0x38;
	[tilespmem:$0x1A400] =	vst v63  }
0x46: {  	_ =	swait.ge [sflag:s9], $0x2000  }
0x47: {  	[sflag:s9] =	ssyncset.done $0x0  }
0x48: {  	[sflag:s9] =	ssyncadd.s32 $0xFFFFE000  }
0x49: {  	_ =	swait.ge [sflag:s9], $0x2000  }
0x4a: {  	[sflag:s9] =	ssyncset.done $0x0  }
0x4b: {  	[sflag:s9] =	ssyncadd.s32 $0xFFFFE000  }
0x4c: {  	_ =	swait.ge [sflag:s9], $0x2000  }
0x4d: {  	[sflag:s9] =	ssyncset.done $0x0  }
0x4e: {  	[sflag:s9] =	ssyncadd.s32 $0xFFFFE000  }
0x4f: {  	_ =	swait.ge [sflag:s9], $0x2000  }
0x50: {  	[sflag:s9] =	ssyncset.done $0x0  }
0x51: {  	[sflag:s9] =	ssyncadd.s32 $0xFFFFE000  }
0x52: {  	_ =	swait.ge [sflag:s9], $0x2000  }
0x53: {  	[sflag:s9] =	ssyncset.done $0x0  }
0x54: {  	[sflag:s9] =	ssyncadd.s32 $0xFFFFE000  }
0x55: {  	_ =	swait.ge [sflag:s9], $0x2000  }
0x56: {  	[sflag:s9] =	ssyncset.done $0x0  }
0x57: {  	[sflag:s9] =	ssyncadd.s32 $0xFFFFE000  }
0x58: {  	_ =	swait.ge [sflag:s9], $0x2000  }
0x59: {  	[sflag:s9] =	ssyncset.done $0x0  }
0x5a: {  	[sflag:s9] =	ssyncadd.s32 $0xFFFFE000  }
0x5b: {  	_ =	swait.ge [sflag:s9], $0x2000  }
0x5c: {  	[sflag:s9] =	ssyncset.done $0x0  }
0x5d: {  	[sflag:s9] =	ssyncadd.s32 $0xFFFFE000  }
0x5e: {  	_ =	swait.ge [sflag:s9], $0x2000  }
0x5f: {  	[sflag:s9] =	ssyncset.done $0x0  }
0x60: {  	[sflag:s9] =	ssyncadd.s32 $0xFFFFE000  }
0x61: {  	_ =	swait.ge [sflag:s9], $0x2000  }
0x62: {  	[sflag:s9] =	ssyncset.done $0x0  }
0x63: {  	[sflag:s9] =	ssyncadd.s32 $0xFFFFE000  }
0x64: {  	[bflag:$0x0] =	sbarrier.arrive $0xFFFF  }
0x65: {  	s31 =	rddreg [dreg:$0xe]  }
0x66: {  	[tilespmem:s10], [sflag:$0x7] =	stream.linear.gather [hbm4b:s31+s11], $0x40, $0x38;
	[tilespmem:$0x1A400] =	vst v63  }
0x67: {  	_ =	swait.ge [sflag:s8], $0x40  }
0x68: {  	s30 =	smov.u32 s25;
	[sflag:s8] =	ssyncset.done $0x0  }
0x69: {  	s26 =	simm.s32 $0x0;
	s24 =	rddreg [dreg:$0xf];
	[sflag:s8] =	ssyncadd.s32 $0xFFFFFFC0  }
0x6a: {  	[tilespmem:s7], [sflag:$0x1] =	stream.indirect.gather [hbm4b:s13+s15], $0x80, s10, s15, $0xb8;
	[tilespmem:$0x1A400] =	vst v63  }
.LBB2_2:
0x6b: {  	s28 =	sadd.s32 $0x1, s26  }
0x6c: {  	s29 =	sand.u32 $0xFF, s28  }
0x6d: {  	s29 =	smul.u32 $0xAB, s29;
	_ =	sdelay $0x1  }
0x6e: {  	s29 =	sshrl.u32 s29, $0x9  }
0x6f: {  	s29 =	smul.u32 $0x3, s29;
	_ =	sdelay $0x1  }
0x70: {  	s29 =	ssub.s32 s28, s29  }
0x71: {  	p0 =	slt.u32 s26, $0x2;
	s29 =	sand.u32 $0xFF, s29  }
0x72: {  	s31 =	sadd.s32 @!p0 $0x4, s29  }
0x73: {  	p1 =	seq.s32 @!p0 s26, $0x9F;
	_ =	swait.ge @!p0 [sflag:s31], $0x2000  }
0x74: {  	p1 =	por p0, !p1;
	[sflag:s31] =	ssyncset.done @!p0 $0x0  }
0x75: {  	[sflag:s31] =	ssyncadd.s32 @!p0 $0xFFFFE000;
	s31 =	sshll.u32 @p1 s29, $0x7  }
0x76: {  	s31 =	sadd.s32 @p1 $0x14000, s31  }
0x77: {  	[tilespmem:s31], [sflag:$0x7] =	stream.linear.gather @p1 [hbm4b:s24+s11], $0x40, $0x38;
	[tilespmem:$0x1A400] =	vst v63  }
0x78: {  	_ =	swait.ge @p1 [sflag:s8], $0x40  }
0x79: {  	s12 =	sshll.u32 @p1 s29, $0xD;
	[sflag:s8] =	ssyncset.done @p1 $0x0  }
0x7a: {  	s12 =	sadd.s32 @p1 $0x14400, s12;
	s29 =	sadd.s32 @p1 $0x1, s29;
	[sflag:s8] =	ssyncadd.s32 @p1 $0xFFFFFFC0  }
0x7b: {  	[tilespmem:s12], [sflag:s29] =	stream.indirect.gather @p1 [hbm4b:s13+s15], $0x80, s31, s15, $0xb8;
	[tilespmem:$0x1A400] =	vst v63  }
0x7c: {  	s29 =	smul.u32 $0xAB, s26;
	_ =	sdelay $0x1  }
0x7d: {  	s12 =	sshrl.u32 s29, $0x9  }
0x7e: {  	s12 =	sand.u32 $0x7F, s12  }
0x7f: {  	s12 =	smul.u32 $0x3, s12;
	_ =	sdelay $0x1  }
0x80: {  	s12 =	ssub.s32 s26, s12  }
0x81: {  	s12 =	sand.u32 $0xFF, s12  }
0x82: {  	s31 =	sshll.u32 s12, $0x7  }
0x83: {  	s26 =	sadd.s32 $0x14200, s31  }
0x84: {  	[tilespmem:s26], [sflag:$0x7] =	stream.linear.gather [hbm4b:s30+s11], $0x40, $0x38;
	[tilespmem:$0x1A400] =	vst v63  }
0x85: {  	_ =	swait.ge [sflag:s8], $0x40  }
0x86: {  	[sflag:s8] =	ssyncset.done $0x0  }
0x87: {  	p0 =	sne.s32 s28, $0xA0;
	s29 =	sadd.s32 $0x1, s12;
	[sflag:s8] =	ssyncadd.s32 $0xFFFFFFC0  }
.Ltmp0:
0x88: {  	_ =	swait.ge [sflag:s29], $0x2000;
	(pc) =	sbr.rel @p0 .LBB2_2-.Ltmp0, $4  }
0x89: {  	s31 =	sshll.u32 s12, $0xD;
	[sflag:s29] =	ssyncset.done $0x0  }
0x8a: {  	s12 =	sadd.s32 $0x4, s12;
	s31 =	sadd.s32 $0x14400, s31;
	[sflag:s29] =	ssyncadd.s32 $0xFFFFE000  }
0x8b: {  	[spmem:s14] =	stream.indirect.scatter.add.f32 [tilespmem:s31], [sflag:s12], $0x80, s26, s15, $0xb8;
	[tilespmem:$0x1A400] =	vst v63  }
0x8c: {  	s24 =	sadd.s32 $0x8, s24;
	s30 =	sadd.s32 $0x8, s30;
	s26 =	smov.u32 s28  }
0x8d: {  	_ =	swait.ge [sflag:s9], $0x2000  }
0x8e: {  	[sflag:s9] =	ssyncset.done $0x0  }
0x8f: {  	[sflag:s9] =	ssyncadd.s32 $0xFFFFE000  }
0x90: {  	_ =	swait.ge [sflag:s16], $0x2000  }
0x91: {  	[sflag:s16] =	ssyncset.done $0x0  }
0x92: {  	[sflag:s16] =	ssyncadd.s32 $0xFFFFE000  }
0x93: {  	[bflag:$0x0] =	sbarrier.arrive $0xFFFF  }
0x94: {  	[tilespmem:s7], [sflag:$0x7] =	stream.linear.gather [spmem:s18], $0x2000, $0x38;
	[tilespmem:$0x1A400] =	vst v63  }
0x95: {  	_ =	swait.ge [sflag:s8], $0x2000  }
0x96: {  	[sflag:s8] =	ssyncset.done $0x0  }
0x97: {  	s12 =	rddreg [dreg:$0x4];
	[sflag:s8] =	ssyncadd.s32 $0xFFFFE000  }
0x98: {  	[hbm4b:s12+s11] =	stream.linear.scatter [tilespmem:s7], [sflag:$0x1], $0x2000, $0x38;
	[tilespmem:$0x1A400] =	vst v63  }
0x99: {  	s31 =	rddreg [dreg:$0x12]  }
0x9a: {  	[tilespmem:s17], [sflag:$0x7] =	stream.linear.gather [spmem:s31], $0x2000, $0x38;
	[tilespmem:$0x1A400] =	vst v63  }
0x9b: {  	_ =	swait.ge [sflag:s8], $0x2000  }
0x9c: {  	[sflag:s8] =	ssyncset.done $0x0  }
0x9d: {  	s24 =	rddreg [dreg:$0x5];
	[sflag:s8] =	ssyncadd.s32 $0xFFFFE000  }
0x9e: {  	[hbm4b:s24+s11] =	stream.linear.scatter [tilespmem:s17], [sflag:$0x2], $0x2000, $0x38;
	[tilespmem:$0x1A400] =	vst v63  }
0x9f: {  	s26 =	rddreg [dreg:$0x13]  }
0xa0: {  	[tilespmem:s19], [sflag:$0x7] =	stream.linear.gather [spmem:s26], $0x2000, $0x38;
	[tilespmem:$0x1A400] =	vst v63  }
0xa1: {  	_ =	swait.ge [sflag:s8], $0x2000  }
0xa2: {  	[sflag:s8] =	ssyncset.done $0x0  }
0xa3: {  	s28 =	rddreg [dreg:$0x6];
	[sflag:s8] =	ssyncadd.s32 $0xFFFFE000  }
0xa4: {  	[hbm4b:s28+s11] =	stream.linear.scatter [tilespmem:s19], [sflag:$0x3], $0x2000, $0x38;
	[tilespmem:$0x1A400] =	vst v63  }
0xa5: {  	_ =	swait.ge [sflag:s20], $0x2000  }
0xa6: {  	[sflag:s20] =	ssyncset.done $0x0  }
0xa7: {  	s29 =	rddreg [dreg:$0x14];
	[sflag:s20] =	ssyncadd.s32 $0xFFFFE000  }
0xa8: {  	[tilespmem:s7], [sflag:$0x7] =	stream.linear.gather [spmem:s29], $0x2000, $0x38;
	[tilespmem:$0x1A400] =	vst v63  }
0xa9: {  	_ =	swait.ge [sflag:s8], $0x2000  }
0xaa: {  	[sflag:s8] =	ssyncset.done $0x0  }
0xab: {  	s30 =	rddreg [dreg:$0x7];
	[sflag:s8] =	ssyncadd.s32 $0xFFFFE000  }
0xac: {  	[hbm4b:s30+s11] =	stream.linear.scatter [tilespmem:s7], [sflag:$0x1], $0x2000, $0x38;
	[tilespmem:$0x1A400] =	vst v63  }
0xad: {  	_ =	swait.ge [sflag:s21], $0x2000  }
0xae: {  	[sflag:s21] =	ssyncset.done $0x0  }
0xaf: {  	s31 =	rddreg [dreg:$0x15];
	[sflag:s21] =	ssyncadd.s32 $0xFFFFE000  }
0xb0: {  	[tilespmem:s17], [sflag:$0x7] =	stream.linear.gather [spmem:s31], $0x2000, $0x38;
	[tilespmem:$0x1A400] =	vst v63  }
0xb1: {  	_ =	swait.ge [sflag:s8], $0x2000  }
0xb2: {  	[sflag:s8] =	ssyncset.done $0x0  }
0xb3: {  	s24 =	rddreg [dreg:$0x8];
	[sflag:s8] =	ssyncadd.s32 $0xFFFFE000  }
0xb4: {  	[hbm4b:s24+s11] =	stream.linear.scatter [tilespmem:s17], [sflag:$0x2], $0x2000, $0x38;
	[tilespmem:$0x1A400] =	vst v63  }
0xb5: {  	_ =	swait.ge [sflag:s22], $0x2000  }
0xb6: {  	[sflag:s22] =	ssyncset.done $0x0  }
0xb7: {  	s26 =	rddreg [dreg:$0x16];
	[sflag:s22] =	ssyncadd.s32 $0xFFFFE000  }
0xb8: {  	[tilespmem:s19], [sflag:$0x7] =	stream.linear.gather [spmem:s26], $0x2000, $0x38;
	[tilespmem:$0x1A400] =	vst v63  }
0xb9: {  	_ =	swait.ge [sflag:s8], $0x2000  }
0xba: {  	[sflag:s8] =	ssyncset.done $0x0  }
0xbb: {  	s28 =	rddreg [dreg:$0x9];
	[sflag:s8] =	ssyncadd.s32 $0xFFFFE000  }
0xbc: {  	[hbm4b:s28+s11] =	stream.linear.scatter [tilespmem:s19], [sflag:$0x3], $0x2000, $0x38;
	[tilespmem:$0x1A400] =	vst v63  }
0xbd: {  	_ =	swait.ge [sflag:s20], $0x2000  }
0xbe: {  	[sflag:s20] =	ssyncset.done $0x0  }
0xbf: {  	s29 =	rddreg [dreg:$0x17];
	[sflag:s20] =	ssyncadd.s32 $0xFFFFE000  }
0xc0: {  	[tilespmem:s7], [sflag:$0x7] =	stream.linear.gather [spmem:s29], $0x2000, $0x38;
	[tilespmem:$0x1A400] =	vst v63  }
0xc1: {  	_ =	swait.ge [sflag:s8], $0x2000  }
0xc2: {  	[sflag:s8] =	ssyncset.done $0x0  }
0xc3: {  	s30 =	rddreg [dreg:$0xa];
	[sflag:s8] =	ssyncadd.s32 $0xFFFFE000  }
0xc4: {  	[hbm4b:s30+s11] =	stream.linear.scatter [tilespmem:s7], [sflag:$0x1], $0x2000, $0x38;
	[tilespmem:$0x1A400] =	vst v63  }
0xc5: {  	_ =	swait.ge [sflag:s21], $0x2000  }
0xc6: {  	[sflag:s21] =	ssyncset.done $0x0  }
0xc7: {  	s31 =	rddreg [dreg:$0x18];
	[sflag:s21] =	ssyncadd.s32 $0xFFFFE000  }
0xc8: {  	[tilespmem:s17], [sflag:$0x7] =	stream.linear.gather [spmem:s31], $0x2000, $0x38;
	[tilespmem:$0x1A400] =	vst v63  }
0xc9: {  	_ =	swait.ge [sflag:s8], $0x2000  }
0xca: {  	[sflag:s8] =	ssyncset.done $0x0  }
0xcb: {  	s24 =	rddreg [dreg:$0xb];
	[sflag:s8] =	ssyncadd.s32 $0xFFFFE000  }
0xcc: {  	[hbm4b:s24+s11] =	stream.linear.scatter [tilespmem:s17], [sflag:$0x2], $0x2000, $0x38;
	[tilespmem:$0x1A400] =	vst v63  }
0xcd: {  	_ =	swait.ge [sflag:s22], $0x2000  }
0xce: {  	[sflag:s22] =	ssyncset.done $0x0  }
0xcf: {  	s26 =	rddreg [dreg:$0x19];
	[sflag:s22] =	ssyncadd.s32 $0xFFFFE000  }
0xd0: {  	[tilespmem:s19], [sflag:$0x7] =	stream.linear.gather [spmem:s26], $0x2000, $0x38;
	[tilespmem:$0x1A400] =	vst v63  }
0xd1: {  	_ =	swait.ge [sflag:s8], $0x2000  }
0xd2: {  	[sflag:s8] =	ssyncset.done $0x0  }
0xd3: {  	s28 =	rddreg [dreg:$0xc];
	[sflag:s8] =	ssyncadd.s32 $0xFFFFE000  }
0xd4: {  	[hbm4b:s28+s11] =	stream.linear.scatter [tilespmem:s19], [sflag:$0x3], $0x2000, $0x38;
	[tilespmem:$0x1A400] =	vst v63  }
0xd5: {  	_ =	swait.ge [sflag:s20], $0x2000  }
0xd6: {  	[sflag:s20] =	ssyncset.done $0x0  }
0xd7: {  	s29 =	rddreg [dreg:$0x1a];
	[sflag:s20] =	ssyncadd.s32 $0xFFFFE000  }
0xd8: {  	[tilespmem:s7], [sflag:$0x7] =	stream.linear.gather [spmem:s29], $0x2000, $0x38;
	[tilespmem:$0x1A400] =	vst v63  }
0xd9: {  	_ =	swait.ge [sflag:s8], $0x2000  }
0xda: {  	[sflag:s8] =	ssyncset.done $0x0  }
0xdb: {  	s30 =	rddreg [dreg:$0xd];
	[sflag:s8] =	ssyncadd.s32 $0xFFFFE000  }
0xdc: {  	[hbm4b:s30+s11] =	stream.linear.scatter [tilespmem:s7], [sflag:$0x1], $0x2000, $0x38;
	[tilespmem:$0x1A400] =	vst v63  }
0xdd: {  	_ =	swait.ge [sflag:s20], $0x2000  }
0xde: {  	[sflag:s20] =	ssyncset.done $0x0  }
0xdf: {  	[sflag:s20] =	ssyncadd.s32 $0xFFFFE000  }
0xe0: {  	_ =	swait.ge [sflag:s21], $0x2000  }
0xe1: {  	[sflag:s21] =	ssyncset.done $0x0  }
0xe2: {  	[sflag:s21] =	ssyncadd.s32 $0xFFFFE000  }
0xe3: {  	_ =	swait.ge [sflag:s22], $0x2000  }
0xe4: {  	s23 =	sadd.s32 $0x1, s23;
	s31 =	rddreg [dreg:$0x11]  }
0xe5: {  	p0 =	sne.s32 s23, s31  }
.Ltmp1:
0xe6: {  	_ = 	snop;
	(pc) =	sbr.rel @p0 .LBB2_1-.Ltmp1, $3  }
0xe7: {  	_ =	sdelay $0x1  }
0xe8: {  	[sflag:s22] =	ssyncset.done $0x0  }
0xe9: {  	[sflag:s22] =	ssyncadd.s32 $0xFFFFE000  }
0xea: {  	_ =	sfence.sel $0x180000  }
0xeb: {  	[bflag:$0x0] =	sbarrier.arrive $0xFFFF  }
0xec: {  	_ =	strace $0x9000004D  }
0xed: {  	s0 =	stileid.u32;
	[bflag:$0x2] =	sbarrier.arrive $0xFFFF  }
0xee: {  	p0 =	sne.s32 s0, $0x0;
	s0 =	rddreg [dreg:$0x3]  }
0xef: {  	s0 =	sadd.s32 @!p0 $0x100000, s0  }
0xf0: {  	[sflag:s0] =	ssyncadd.tile.s32 @!p0 $0x1;
	_ =	shalt  }
.Lfunc_end2:
_tile_overlayer_lowered:
.L_overlay_start_2:
0xf1: {  	(tag) =	ssettag $0x2  }
0xf2: {  	s0 =	rddreg [dreg:$0x0];
	s2 =	stileid.u32  }
0xf3: {  	s1 =	rddreg [dreg:$0x1];
	p0 =	sne.s32 s2, $0x0  }
0xf4: {  	s3 =	rddreg [dreg:$0x2];
	[bflag:$0x3] =	sbarrier.arrive $0xFFFF;
	s2 =	simm.s32 @!p0 $0x1C07  }
0xf5: {  	[timem:s3], [sflag:s2] =	dma.local @!p0 [hbm:s0], s1  }
0xf6: {  	s0 =	simm.s32 @!p0 $0x7  }
0xf7: {  	_ =	swait.ge @!p0 [sflag:s0], s1  }
0xf8: {  	s1 =	ssub.s32 @!p0 $0x0, s1;
	[sflag:s0] =	ssyncset.done @!p0 $0x0  }
0xf9: {  	[sflag:s0] =	ssyncadd.s32 @!p0 s1  }
0xfa: {  	[bflag:$0x3] =	sbarrier.arrive $0xFFFF  }
0xfb: {  	_ =	shalt  }

// kernel: kernel.8.cloned.1.call-start
scs
__scs_entry_jumppad:
0x0: {  	(pc) =	sbr.rel $0x88, $3  }
0x1: {  	(tag) =	ssettag $0x0;
	lr =	simm.s32 $0x1  }
0x2: {  	[smem:$0x3F97] =	sst lr;
	_ =	strace $0xD0000000  }
0x3: {  	_ = 	snop  }
0x4: {  	_ = 	snop  }
0x5: {  	_ = 	snop  }
0x6: {  	_ = 	snop  }
0x7: {  	_ = 	snop  }
__scs_overlays_trampoline_lowered:
0x8: {  	[smem:$0x3FA6] =	sst s0  }
0x9: {  	[smem:$0x3FA7] =	sst s1  }
0xa: {  	[smem:$0x3FA8] =	sst s2  }
0xb: {  	[smem:$0x3FA9] =	sst s3  }
0xc: {  	[smem:$0x3FAA] =	sst s4  }
0xd: {  	[smem:$0x3FAB] =	sst s5  }
0xe: {  	[smem:$0x3FAC] =	sst s6  }
0xf: {  	[smem:$0x3FAD] =	sst s7  }
0x10: {  	[smem:$0x3FAE] =	sst s8  }
0x11: {  	[smem:$0x3FAF] =	sst s9;
	s0 =	simm.s32 @!p0 $0x0  }
0x12: {  	s1 =	sld [smem:$0x3F95];
	s0 =	simm.s32 @p0 $0x1  }
0x13: {  	[smem:$0x3FB0] =	sst s0;
	s0 =	simm.s32 @!p1 $0x0  }
0x14: {  	s2 =	sld [smem:$0x3F94];
	s0 =	simm.s32 @p1 $0x1  }
0x15: {  	[smem:$0x3FB1] =	sst s0;
	s0 =	simm.s32 @!p2 $0x0  }
0x16: {  	s3 =	sld [smem:$0x3FDB];
	s0 =	simm.s32 @p2 $0x1  }
0x17: {  	s4 =	simm.s32 $0x1BF5;
	[smem:$0x3FB3] =	sst s0  }
0x18: {  	s0 =	sld [smem:$0x3F96];
	_ =	swait.ge [sflag:s4], $0x0  }
0x19: {  	s7 =	sld [smem:$0x3F97]  }
0x1a: {  	s8 =	sadd.s32 $0xFFFFE003, lr  }
0x1b: {  	s9 =	sadd.s32 $0xFFFFFEF7, lr;
	s5 =	simm.s32 $0xFFFFFFFF;
	p2 =	slt.u32 s8, $0xFFFFF086  }
0x1c: {  	p1 =	slt.u32 s9, $0xF7A;
	s5 =	simm.s32 @!p2 $0x0  }
0x1d: {  	s5 =	simm.s32 @p1 $0x1;
	p0 =	seq.s32 s7, s2  }
0x1e: {  	s7 =	smul.u32 @!p0 $0xF7A, s2;
	p2 =	seq.s32 @!p0 s5, $0x0  }
0x1f: {  	s9 =	smul.u32 $0xF7A, s1;
	s8 =	simm.s32 @!p0 $0x1BF5;
	p2 =	por !p2, p0  }
0x20: {  	[sflag:s8] =	ssyncset.s32 @!p0 $0xFFFFF086;
	s6 =	sadd.s32 @!p0 s3, s7;
	s7 =	simm.s32 @!p0 $0x108  }
0x21: {  	s3 =	sadd.s32 s3, s9;
	s6 =	sadd.s32 @!p0 $0x88, s6;
	s7 =	simm.s32 @p2 $0x1082  }
0x22: {  	[simem:s7], [sflag:s8] =	dma.local @!p0 [hbm:s6], $0xF7A  }
0x23: {  	s9 =	sor.u32 $0xD0000000, s2;
	s6 =	simm.s32 $0x108;
	_ =	swait.ge @!p0 [sflag:s8], $0x0  }
0x24: {  	s3 =	sadd.s32 $0x88, s3;
	s6 =	simm.s32 @!p1 $0x1082;
	[sflag:s4] =	ssyncset.s32 $0xFFFFF086  }
0x25: {  	[simem:s6], [sflag:s4] =	dma.local [hbm:s3], $0xF7A  }
0x26: {  	[smem:$0x3F97] =	sst s1;
	(tag) =	ssettag s2;
	_ =	strace s9  }
0x27: {  	s1 =	sld [smem:$0x3FA7]  }
0x28: {  	s2 =	sld [smem:$0x3FA8]  }
0x29: {  	s4 =	sld [smem:$0x3FAA]  }
0x2a: {  	p0 =	seq.s32 s5, $0x0;
	s5 =	sld [smem:$0x3FAB]  }
0x2b: {  	s6 =	sld [smem:$0x3FAC]  }
0x2c: {  	s7 =	sld [smem:$0x3FAD]  }
0x2d: {  	s3 =	simm.s32 $0x108;
	s8 =	sld [smem:$0x3FAE]  }
0x2e: {  	s3 =	simm.s32 @!p0 $0x1082;
	s9 =	sld [smem:$0x3FAF]  }
0x2f: {  	lr =	sadd.s32 s0, s3;
	s0 =	sld [smem:$0x3FA6]  }
0x30: {  	s3 =	sld [smem:$0x3FA9]  }
0x31: {  	[smem:$0x3FB2] =	sst s10  }
0x32: {  	s10 =	sld [smem:$0x3FB0];
	_ =	sdelay $0x3  }
0x33: {  	p0 =	seq.s32 s10, $0x1;
	s10 =	sld [smem:$0x3FB2];
	_ =	sdelay $0x3  }
0x34: {  	[smem:$0x3FB2] =	sst s10  }
0x35: {  	s10 =	sld [smem:$0x3FB1];
	_ =	sdelay $0x3  }
0x36: {  	p1 =	seq.s32 s10, $0x1;
	s10 =	sld [smem:$0x3FB2];
	_ =	sdelay $0x3  }
0x37: {  	[smem:$0x3FB2] =	sst s10  }
0x38: {  	s10 =	sld [smem:$0x3FB3]  }
0x39: {  	_ = 	snop;
	(pc) =	sbr.ind lr, $3  }
0x3a: {  	_ = 	snop  }
0x3b: {  	_ = 	snop  }
0x3c: {  	p2 =	seq.s32 s10, $0x1;
	s10 =	sld [smem:$0x3FB2]  }
0x3d: {  	_ =	shalt  }
0x3e: {  	_ =	shalt  }
0x3f: {  	_ =	shalt  }
0x40: {  	_ =	shalt  }
0x41: {  	_ =	shalt  }
0x42: {  	_ =	shalt  }
0x43: {  	_ =	shalt  }
0x44: {  	_ =	shalt  }
0x45: {  	_ =	shalt  }
0x46: {  	_ =	shalt  }
0x47: {  	_ =	shalt  }
0x48: {  	_ =	shalt  }
0x49: {  	_ =	shalt  }
0x4a: {  	_ =	shalt  }
0x4b: {  	_ =	shalt  }
0x4c: {  	_ =	shalt  }
0x4d: {  	_ =	shalt  }
0x4e: {  	_ =	shalt  }
0x4f: {  	_ =	shalt  }
0x50: {  	_ =	shalt  }
0x51: {  	_ =	shalt  }
0x52: {  	_ =	shalt  }
0x53: {  	_ =	shalt  }
0x54: {  	_ =	shalt  }
0x55: {  	_ =	shalt  }
0x56: {  	_ =	shalt  }
0x57: {  	_ =	shalt  }
0x58: {  	_ =	shalt  }
0x59: {  	_ =	shalt  }
0x5a: {  	_ =	shalt  }
0x5b: {  	_ =	shalt  }
0x5c: {  	_ =	shalt  }
0x5d: {  	_ =	shalt  }
0x5e: {  	_ =	shalt  }
0x5f: {  	_ =	shalt  }
0x60: {  	_ =	shalt  }
0x61: {  	_ =	shalt  }
0x62: {  	_ =	shalt  }
0x63: {  	_ =	shalt  }
0x64: {  	_ =	shalt  }
0x65: {  	_ =	shalt  }
0x66: {  	_ =	shalt  }
0x67: {  	_ =	shalt  }
0x68: {  	_ =	shalt  }
0x69: {  	_ =	shalt  }
0x6a: {  	_ =	shalt  }
0x6b: {  	_ =	shalt  }
0x6c: {  	_ =	shalt  }
0x6d: {  	_ =	shalt  }
0x6e: {  	_ =	shalt  }
0x6f: {  	_ =	shalt  }
0x70: {  	_ =	shalt  }
0x71: {  	_ =	shalt  }
0x72: {  	_ =	shalt  }
0x73: {  	_ =	shalt  }
0x74: {  	_ =	shalt  }
0x75: {  	_ =	shalt  }
0x76: {  	_ =	shalt  }
0x77: {  	_ =	shalt  }
0x78: {  	_ =	shalt  }
0x79: {  	_ =	shalt  }
0x7a: {  	_ =	shalt  }
0x7b: {  	_ =	shalt  }
0x7c: {  	_ =	shalt  }
0x7d: {  	_ =	shalt  }
0x7e: {  	_ =	shalt  }
0x7f: {  	_ =	shalt  }
0x80: {  	_ =	shalt  }
0x81: {  	_ =	shalt  }
0x82: {  	_ =	shalt  }
0x83: {  	_ =	shalt  }
0x84: {  	_ =	shalt  }
0x85: {  	_ =	shalt  }
0x86: {  	_ =	shalt  }
0x87: {  	_ =	shalt  }
.Lfunc_end0:
.L_simem_size_0:
called_computation_lowered:
.L_overlay_start_0:
0x88: {  	s2 =	sld [smem:$0x3FD9]  }
0x89: {  	s3 =	sld [smem:$0x3FFE];
	_ =	sdelay $0x1  }
0x8a: {  	s1 =	srdreg.scid  }
0x8b: {  	s0 =	sand.u32 $0x1, s1  }
0x8c: {  	s17 =	sshll.u32 s0, $0xA;
	s2 =	sadd.s32 s3, s2  }
0x8d: {  	s2 =	sadd.s32 s2, s17  }
0x8e: {  	[smem:$0x3FBE] =	sst s2  }
0x8f: {  	_ = 	snop  }
0x90: {  	s2 =	sld [smem:$0x3FD0];
	(tm) =	ssettm $0x1  }
0x91: {  	s18 =	sld [smem:$0x3FFB];
	_ =	sdelay $0x3  }
0x92: {  	_ =	strace s18  }
0x93: {  	s3 =	sld [smem:$0x3FFC];
	_ =	sdelay $0x3  }
0x94: {  	_ =	strace s3  }
0x95: {  	s3 =	sld [smem:$0x3FFD];
	_ =	sdelay $0x3  }
0x96: {  	_ =	strace s3  }
0x97: {  	_ =	strace $0x8FFFFFFF  }
0x98: {  	s19 =	sld [smem:$0x3FDB];
	_ =	sdelay $0x1  }
0x99: {  	s4 =	simm.s32 $_scs_section_size  }
0x9a: {  	s5 =	simm.s32 $_size__tile_overlayer_lowered;
	s6 =	simm.s32 $_tile_overlayer_lowered  }
0x9b: {  	s22 =	simm.s32 $0x1BFF;
	s21 =	sshll.u32 s6, $0x1;
	s3 =	sadd.s32 s4, s19  }
0x9c: {  	s7 =	simm.s32 $0x0;
	s20 =	sshll.u32 s5, $0x1;
	s5 =	sadd.s32 s21, s3  }
0x9d: {  	[timem:s7], [sflag:s22] =	dma.local [hbm:s5], s20  }
0x9e: {  	_ =	swait.ge [sflag:s22], s20  }
0x9f: {  	s4 =	ssub.s32 $0x0, s20;
	[sflag:s22] =	ssyncset.done $0x0  }
0xa0: {  	[sflag:s22] =	ssyncadd.s32 s4;
	_ =	sdelay $0x1  }
0xa1: {  	s23 =	simm.s32 $0x1B8B  }
0xa2: {  	_ =	swait.ge [sflag:s23], $0x1  }
0xa3: {  	[sflag:s23] =	ssyncset.done $0x0  }
0xa4: {  	s25 =	simm.s32 $0x1B8E;
	s24 =	sld [smem:$0x3FFE];
	[sflag:s23] =	ssyncadd.s32 $0xFFFFFFFF  }
0xa5: {  	s26 =	simm.s32 $execute0_lowered;
	[smem:$0x3FD2] =	sst s25  }
0xa6: {  	s5 =	sshll.u32 s26, $0x1;
	_ =	strace $0x80000046;
	[dreg:$0x1] =	wrdreg $0xFFFFFFFF  }
0xa7: {  	s28 =	simm.s32 $_size_execute0_lowered;
	s3 =	sadd.s32 s3, s5;
	[dreg:$0x0] =	wrdreg $0x0  }
0xa8: {  	s5 =	sshll.u32 s28, $0x1;
	[dreg:$0x2] =	wrdreg s3  }
0xa9: {  	[dreg:$0x3] =	wrdreg s5  }
0xaa: {  	[dreg:$0x4] =	wrdreg $0xC0  }
0xab: {  	_ =	task [dreg:s7], $0x5FFFF  }
0xac: {  	[dreg:$0x1] =	wrdreg $0xFFFFFFFF  }
0xad: {  	[dreg:$0x0] =	wrdreg $0x60  }
0xae: {  	[dreg:$0x2] =	wrdreg s24  }
0xaf: {  	[dreg:$0x3] =	wrdreg s2  }
0xb0: {  	[dreg:$0x4] =	wrdreg $0x0  }
0xb1: {  	[dreg:$0x5] =	wrdreg $0x9  }
0xb2: {  	_ =	task.clear_ibuf [dreg:s7], $0x6FFFF;
	_ =	strace $0x90000046  }
0xb3: {  	s29 =	simm.s32 $0x9;
	_ =	strace $0x80000048  }
0xb4: {  	_ =	swait.ge [sflag:s29], $0x1  }
0xb5: {  	[sflag:s29] =	ssyncadd.s32 $0xFFFFFFFF  }
0xb6: {  	_ =	strace $0x90000048  }
0xb7: {  	_ =	sfence  }
0xb8: {  	s30 =	sld [smem:$0x0];
	_ =	sdelay $0x2  }
0xb9: {  	s31 =	sshll.u32 s1, $0xD;
	s1 =	sshrl.u32 s1, $0x2  }
0xba: {  	s3 =	sand.u32 $0x4000, s31;
	s1 =	sadd.s32 s1, s30  }
0xbb: {  	s0 =	sor.u32 s3, s0;
	s1 =	sshll.u32 s1, $0x11  }
0xbc: {  	s0 =	sor.u32 s1, s0  }
0xbd: {  	s0 =	sadd.s32 $0x8F2B, s0  }
0xbe: {  	[sflag:s0] =	ssyncadd.remote.s32 $0x1  }
0xbf: {  	_ =	sfence.sel $0xFFFF  }
0xc0: {  	[dreg:$0x0] =	wrdreg $0xFFFFFFFF;
	(pc) =	sbr.abs _section_cstart, $3  }
0xc1: {  	[dreg:$0x1] =	wrdreg $0xFFFFFFFF  }
0xc2: {  	_ =	task.clear_ibuf [dreg:s7], $0x2FFFF;
	_ =	strace $0x9FFFFFFF  }
0xc3: {  	(tm) =	ssettm $0x7FFFFFFF  }
tec
execute0_lowered:
.L_overlay_start_1:
0x0: {  	(tag) =	ssettag $0x1  }
0x1: {  	s0 =	rddreg [dreg:$0x0];
	s22 =	stileid.u32  }
0x2: {  	s2 =	rddreg [dreg:$0x2];
	s5 =	smul.u32 $0x50000, s22  }
0x3: {  	s1 =	srdreg.scid;
	s3 =	simm.s32 $0x0;
	s12 =	smul.u32 $0x280, s22  }
0x4: {  	s28 =	simm.s32 $0x3;
	s29 =	simm.s32 $0x0;
	s8 =	smul.u32 $0x2800, s22  }
0x5: {  	s1 =	sand.u32 $0x1, s1;
	[smem:$0x7FF] =	sst s3;
	s31 =	smul.u32 $0x500, s22  }
0x6: {  	s14 =	sadd.s32 $0xDA00, s0;
	s4 =	smul.u32 $0x5000, s1;
	s6 =	ssub.s32 $0x2, s1  }
0x7: {  	_ =	strace $0x80000047;
	s1 =	smul.u32 $0x140000, s1;
	s7 =	sshrl.u32 s6, $0x1  }
0x8: {  	s5 =	sshrl.u32 s5, $0x2;
	s20 =	sadd.s32 s14, s8;
	s21 =	sadd.s32 $0x80, s12  }
0x9: {  	s11 =	sadd.s32 $0x100, s12;
	s13 =	sadd.s32 $0x180, s12;
	s17 =	sadd.s32 $0x200, s12  }
0xa: {  	s4 =	sadd.s32 s4, s0;
	s0 =	sadd.s32 $0x35A00, s0;
	s6 =	ssub.s32 s6, s7  }
0xb: {  	s5 =	sadd.s32 s5, s2;
	[dreg:$0x5] =	wrdreg s20;
	s9 =	sshll.u32 s21, $0x4  }
0xc: {  	s15 =	sshll.u32 s21, $0x7;
	s10 =	sshll.u32 s11, $0x4;
	s18 =	sshll.u32 s11, $0x7  }
0xd: {  	s16 =	sshll.u32 s13, $0x4;
	s19 =	sshll.u32 s13, $0x7;
	s20 =	sshll.u32 s17, $0x4  }
0xe: {  	s21 =	smul.u32 $0x14000, s22;
	s25 =	sshll.u32 s17, $0x7;
	s22 =	simm.s32 $0x14200  }
0xf: {  	s6 =	smax.u32 s6, $0x1;
	s23 =	sadd.s32 s14, s9;
	s9 =	sadd.s32 s15, s2  }
0x10: {  	s24 =	sadd.s32 s14, s10;
	s11 =	sadd.s32 s18, s2;
	s12 =	sadd.s32 s14, s16  }
0x11: {  	s13 =	sadd.s32 s19, s2;
	s14 =	sadd.s32 s14, s20;
	s30 =	sadd.s32 s1, s15  }
0x12: {  	s15 =	sadd.s32 s25, s2;
	s18 =	sadd.s32 s1, s18;
	[dreg:$0x4] =	wrdreg s6  }
0x13: {  	s19 =	sadd.s32 s1, s19;
	s4 =	sadd.s32 s31, s4;
	[dreg:$0x6] =	wrdreg s23  }
0x14: {  	[dreg:$0x7] =	wrdreg s24;
	s26 =	sadd.s32 s1, s21;
	s17 =	sshrl.u32 s30, $0x3  }
0x15: {  	s18 =	sshrl.u32 s18, $0x3;
	s19 =	sshrl.u32 s19, $0x3;
	s1 =	sadd.s32 s1, s25  }
0x16: {  	s21 =	sadd.s32 $0x3A00, s4;
	s23 =	simm.s32 $0x4;
	s24 =	simm.s32 $0x80  }
0x17: {  	s25 =	simm.s32 $0x1;
	s16 =	sshrl.u32 s26, $0x3;
	s17 =	sadd.s32 s0, s17  }
0x18: {  	s18 =	sadd.s32 s0, s18;
	s19 =	sadd.s32 s0, s19;
	s1 =	sshrl.u32 s1, $0x3  }
0x19: {  	s26 =	simm.s32 $0x2;
	s16 =	sadd.s32 s0, s16;
	s20 =	sadd.s32 s0, s1  }
.LBB2_1:
0x1a: {  	s0 =	rddreg [dreg:$0x5]  }
0x1b: {  	[tilespmem:s22], [sflag:$0x4] =	stream.linear.gather [hbm4b:s0+s3], $0x4000, $0x38;
	[tilespmem:$0x18200] =	vst v63  }
0x1c: {  	_ =	swait.ge [sflag:s23], $0x4000  }
0x1d: {  	[sflag:s23] =	ssyncset.done $0x0  }
0x1e: {  	[sflag:s23] =	ssyncadd.s32 $0xFFFFC000  }
0x1f: {  	[spmem:s5] =	stream.linear.scatter [tilespmem:s22], [sflag:$0x4], $0x4000, $0x38;
	[tilespmem:$0x18200] =	vst v63  }
0x20: {  	_ =	swait.ge [sflag:s23], $0x4000  }
0x21: {  	[sflag:s23] =	ssyncset.done $0x0  }
0x22: {  	s4 =	rddreg [dreg:$0x6];
	[sflag:s23] =	ssyncadd.s32 $0xFFFFC000  }
0x23: {  	[tilespmem:s22], [sflag:$0x4] =	stream.linear.gather [hbm4b:s4+s3], $0x4000, $0x38;
	[tilespmem:$0x18200] =	vst v63  }
0x24: {  	_ =	swait.ge [sflag:s23], $0x4000  }
0x25: {  	[sflag:s23] =	ssyncset.done $0x0  }
0x26: {  	[sflag:s23] =	ssyncadd.s32 $0xFFFFC000  }
0x27: {  	[spmem:s9] =	stream.linear.scatter [tilespmem:s22], [sflag:$0x4], $0x4000, $0x38;
	[tilespmem:$0x18200] =	vst v63  }
0x28: {  	_ =	swait.ge [sflag:s23], $0x4000  }
0x29: {  	[sflag:s23] =	ssyncset.done $0x0  }
0x2a: {  	s6 =	rddreg [dreg:$0x7];
	[sflag:s23] =	ssyncadd.s32 $0xFFFFC000  }
0x2b: {  	[tilespmem:s22], [sflag:$0x4] =	stream.linear.gather [hbm4b:s6+s3], $0x4000, $0x38;
	[tilespmem:$0x18200] =	vst v63  }
0x2c: {  	_ =	swait.ge [sflag:s23], $0x4000  }
0x2d: {  	[sflag:s23] =	ssyncset.done $0x0  }
0x2e: {  	[sflag:s23] =	ssyncadd.s32 $0xFFFFC000  }
0x2f: {  	[spmem:s11] =	stream.linear.scatter [tilespmem:s22], [sflag:$0x4], $0x4000, $0x38;
	[tilespmem:$0x18200] =	vst v63  }
0x30: {  	_ =	swait.ge [sflag:s23], $0x4000  }
0x31: {  	[sflag:s23] =	ssyncset.done $0x0  }
0x32: {  	[sflag:s23] =	ssyncadd.s32 $0xFFFFC000  }
0x33: {  	[tilespmem:s22], [sflag:$0x4] =	stream.linear.gather [hbm4b:s12+s3], $0x4000, $0x38;
	[tilespmem:$0x18200] =	vst v63  }
0x34: {  	_ =	swait.ge [sflag:s23], $0x4000  }
0x35: {  	[sflag:s23] =	ssyncset.done $0x0  }
0x36: {  	[sflag:s23] =	ssyncadd.s32 $0xFFFFC000  }
0x37: {  	[spmem:s13] =	stream.linear.scatter [tilespmem:s22], [sflag:$0x4], $0x4000, $0x38;
	[tilespmem:$0x18200] =	vst v63  }
0x38: {  	_ =	swait.ge [sflag:s23], $0x4000  }
0x39: {  	[sflag:s23] =	ssyncset.done $0x0  }
0x3a: {  	[sflag:s23] =	ssyncadd.s32 $0xFFFFC000  }
0x3b: {  	[tilespmem:s22], [sflag:$0x4] =	stream.linear.gather [hbm4b:s14+s3], $0x4000, $0x38;
	[tilespmem:$0x18200] =	vst v63  }
0x3c: {  	_ =	swait.ge [sflag:s23], $0x4000  }
0x3d: {  	[sflag:s23] =	ssyncset.done $0x0  }
0x3e: {  	s7 =	smul.u32 $0xAB, s3;
	[sflag:s23] =	ssyncadd.s32 $0xFFFFC000  }
0x3f: {  	[spmem:s15] =	stream.linear.scatter [tilespmem:s22], [sflag:$0x4], $0x4000, $0x38;
	[tilespmem:$0x18200] =	vst v63  }
0x40: {  	_ =	swait.ge [sflag:s23], $0x4000  }
0x41: {  	s0 =	sshrl.u32 s7, $0x9;
	[sflag:s23] =	ssyncset.done $0x0  }
0x42: {  	s0 =	sand.u32 $0x7F, s0;
	[sflag:s23] =	ssyncadd.s32 $0xFFFFC000  }
0x43: {  	s8 =	simm.s32 $0x1;
	s0 =	smul.u32 $0x3, s0;
	s1 =	rddreg [dreg:$0x1]  }
0x44: {  	[tilespmem:s22], [sflag:$0x4] =	stream.linear.gather [hbm4b:s1+s3], $0x4000, $0x38;
	[tilespmem:$0x18200] =	vst v63  }
0x45: {  	p0 =	por $0x1, $0x1;
	s10 =	smul.u32 $0xAB, s8;
	_ =	swait.ge [sflag:s23], $0x4000  }
0x46: {  	p0 =	por p0, p0;
	s0 =	ssub.s32 $0x0, s0;
	[sflag:s23] =	ssyncset.done $0x0  }
0x47: {  	s4 =	sand.u32 $0xFF, s0;
	s0 =	sshrl.u32 s10, $0x9;
	[sflag:s23] =	ssyncadd.s32 $0xFFFFC000  }
0x48: {  	s30 =	sshll.u32 s4, $0x7;
	s1 =	sadd.s32 @!p0 $0x1, s4;
	[bflag:$0x0] =	sbarrier.arrive $0xFFFF  }
0x49: {  	s0 =	sand.u32 $0x7F, s0;
	s31 =	sadd.s32 $0x14000, s30;
	_ =	swait.ge @!p0 [sflag:s1], $0x4000  }
0x4a: {  	s30 =	sadd.s32 $0x10, s21;
	s6 =	smul.u32 $0x3, s0;
	[sflag:s1] =	ssyncset.done @!p0 $0x0  }
0x4b: {  	s0 =	simm.s32 $0x2;
	s4 =	sadd.s32 $0x1, s4;
	[sflag:s1] =	ssyncadd.s32 @!p0 $0xFFFFC000  }
0x4c: {  	[tilespmem:s31], [sflag:$0x4] =	stream.linear.gather [hbm4b:s21+s3], $0x80, $0x38;
	[tilespmem:$0x18200] =	vst v63  }
0x4d: {  	p0 =	por $0x1, $0x1;
	s1 =	ssub.s32 $0x1, s6;
	_ =	swait.ge [sflag:s23], $0x80  }
.LBB2_2:
0x4e: {  	s6 =	sand.u32 $0xFF, s1  }
0x4f: {  	[sflag:s23] =	ssyncset.done $0x0;
	s1 =	smov.u32 s0;
	s7 =	smov.u32 s30  }
0x50: {  	p1 =	por p0, p0;
	p0 =	slt.u32 s0, $0x3;
	s8 =	smul.u32 $0xAB, s0  }
0x51: {  	s0 =	sadd.s32 $0x1, s0;
	s10 =	sadd.s32 @!p1 $0x1, s6;
	[sflag:s23] =	ssyncadd.s32 $0xFFFFFF80  }
0x52: {  	[spmem:s2] =	stream.indirect.scatter.add.f32 [tilespmem:s22], [sflag:s4], $0x80, s31, s24, $0xb8;
	[tilespmem:$0x18200] =	vst v63  }
0x53: {  	s30 =	sadd.s32 $0x10, s30;
	p2 =	sne.s32 s0, $0x50;
	s4 =	sshll.u32 s6, $0x7  }
.Ltmp0:
0x54: {  	s8 =	sshrl.u32 s8, $0x9;
	_ =	swait.ge @!p1 [sflag:s10], $0x4000;
	(pc) =	sbr.rel @p2 .LBB2_2-.Ltmp0, $4  }
0x55: {  	s8 =	sand.u32 $0x7F, s8;
	s31 =	sadd.s32 $0x14000, s4;
	[sflag:s10] =	ssyncset.done @!p1 $0x0  }
0x56: {  	s4 =	smul.u32 $0x3, s8;
	[sflag:s10] =	ssyncadd.s32 @!p1 $0xFFFFC000  }
0x57: {  	[tilespmem:s31], [sflag:$0x4] =	stream.linear.gather [hbm4b:s7+s3], $0x80, $0x38;
	[tilespmem:$0x18200] =	vst v63  }
0x58: {  	s1 =	ssub.s32 s1, s4;
	s4 =	sadd.s32 $0x1, s6;
	_ =	swait.ge [sflag:s23], $0x80  }
0x59: {  	s0 =	sand.u32 $0xFF, s1;
	[sflag:s23] =	ssyncset.done $0x0;
	p0 =	por p0, p0  }
0x5a: {  	s1 =	sadd.s32 @!p0 $0x1, s0;
	[sflag:s23] =	ssyncadd.s32 $0xFFFFFF80  }
0x5b: {  	[spmem:s2] =	stream.indirect.scatter.add.f32 [tilespmem:s22], [sflag:s4], $0x80, s31, s24, $0xb8;
	[tilespmem:$0x18200] =	vst v63  }
0x5c: {  	_ =	swait.ge @!p0 [sflag:s1], $0x4000  }
0x5d: {  	s10 =	sshll.u32 s0, $0x7;
	[sflag:s1] =	ssyncset.done @!p0 $0x0  }
0x5e: {  	s4 =	sadd.s32 $0x14000, s10;
	[sflag:s1] =	ssyncadd.s32 @!p0 $0xFFFFC000  }
0x5f: {  	[tilespmem:s4], [sflag:$0x4] =	stream.linear.gather [hbm4b:s30+s3], $0x80, $0x38;
	[tilespmem:$0x18200] =	vst v63  }
0x60: {  	_ =	swait.ge [sflag:s23], $0x80  }
0x61: {  	[sflag:s23] =	ssyncset.done $0x0  }
0x62: {  	s0 =	sadd.s32 $0x1, s0;
	[sflag:s23] =	ssyncadd.s32 $0xFFFFFF80  }
0x63: {  	[spmem:s2] =	stream.indirect.scatter.add.f32 [tilespmem:s22], [sflag:s0], $0x80, s4, s24, $0xb8;
	[tilespmem:$0x18200] =	vst v63  }
0x64: {  	_ =	swait.ge [sflag:s25], $0x4000  }
0x65: {  	[sflag:s25] =	ssyncset.done $0x0  }
0x66: {  	[sflag:s25] =	ssyncadd.s32 $0xFFFFC000  }
0x67: {  	_ =	swait.ge [sflag:s26], $0x4000  }
0x68: {  	[sflag:s26] =	ssyncset.done $0x0  }
0x69: {  	[sflag:s26] =	ssyncadd.s32 $0xFFFFC000  }
0x6a: {  	_ =	swait.ge [sflag:s28], $0x4000  }
0x6b: {  	[sflag:s28] =	ssyncset.done $0x0  }
0x6c: {  	[sflag:s28] =	ssyncadd.s32 $0xFFFFC000  }
0x6d: {  	[bflag:$0x0] =	sbarrier.arrive $0xFFFF  }
0x6e: {  	[tilespmem:s22], [sflag:$0x4] =	stream.linear.gather [spmem:s5], $0x4000, $0x38;
	[tilespmem:$0x18200] =	vst v63  }
0x6f: {  	_ =	swait.ge [sflag:s23], $0x4000  }
0x70: {  	[sflag:s23] =	ssyncset.done $0x0  }
0x71: {  	[sflag:s23] =	ssyncadd.s32 $0xFFFFC000  }
0x72: {  	[hbm4b:s16+s3] =	stream.linear.scatter [tilespmem:s22], [sflag:$0x4], $0x4000, $0x38;
	[tilespmem:$0x18200] =	vst v63  }
0x73: {  	_ =	swait.ge [sflag:s23], $0x4000  }
0x74: {  	[sflag:s23] =	ssyncset.done $0x0  }
0x75: {  	[sflag:s23] =	ssyncadd.s32 $0xFFFFC000  }
0x76: {  	[tilespmem:s22], [sflag:$0x4] =	stream.linear.gather [spmem:s9], $0x4000, $0x38;
	[tilespmem:$0x18200] =	vst v63  }
0x77: {  	_ =	swait.ge [sflag:s23], $0x4000  }
0x78: {  	[sflag:s23] =	ssyncset.done $0x0  }
0x79: {  	[sflag:s23] =	ssyncadd.s32 $0xFFFFC000  }
0x7a: {  	[hbm4b:s17+s3] =	stream.linear.scatter [tilespmem:s22], [sflag:$0x4], $0x4000, $0x38;
	[tilespmem:$0x18200] =	vst v63  }
0x7b: {  	_ =	swait.ge [sflag:s23], $0x4000  }
0x7c: {  	[sflag:s23] =	ssyncset.done $0x0  }
0x7d: {  	[sflag:s23] =	ssyncadd.s32 $0xFFFFC000  }
0x7e: {  	[tilespmem:s22], [sflag:$0x4] =	stream.linear.gather [spmem:s11], $0x4000, $0x38;
	[tilespmem:$0x18200] =	vst v63  }
0x7f: {  	_ =	swait.ge [sflag:s23], $0x4000  }
0x80: {  	[sflag:s23] =	ssyncset.done $0x0  }
0x81: {  	[sflag:s23] =	ssyncadd.s32 $0xFFFFC000  }
0x82: {  	[hbm4b:s18+s3] =	stream.linear.scatter [tilespmem:s22], [sflag:$0x4], $0x4000, $0x38;
	[tilespmem:$0x18200] =	vst v63  }
0x83: {  	_ =	swait.ge [sflag:s23], $0x4000  }
0x84: {  	[sflag:s23] =	ssyncset.done $0x0  }
0x85: {  	[sflag:s23] =	ssyncadd.s32 $0xFFFFC000  }
0x86: {  	[tilespmem:s22], [sflag:$0x4] =	stream.linear.gather [spmem:s13], $0x4000, $0x38;
	[tilespmem:$0x18200] =	vst v63  }
0x87: {  	_ =	swait.ge [sflag:s23], $0x4000  }
0x88: {  	[sflag:s23] =	ssyncset.done $0x0  }
0x89: {  	[sflag:s23] =	ssyncadd.s32 $0xFFFFC000  }
0x8a: {  	[hbm4b:s19+s3] =	stream.linear.scatter [tilespmem:s22], [sflag:$0x4], $0x4000, $0x38;
	[tilespmem:$0x18200] =	vst v63  }
0x8b: {  	_ =	swait.ge [sflag:s23], $0x4000  }
0x8c: {  	[sflag:s23] =	ssyncset.done $0x0  }
0x8d: {  	[sflag:s23] =	ssyncadd.s32 $0xFFFFC000  }
0x8e: {  	[tilespmem:s22], [sflag:$0x4] =	stream.linear.gather [spmem:s15], $0x4000, $0x38;
	[tilespmem:$0x18200] =	vst v63  }
0x8f: {  	_ =	swait.ge [sflag:s23], $0x4000  }
0x90: {  	[sflag:s23] =	ssyncset.done $0x0  }
0x91: {  	[sflag:s23] =	ssyncadd.s32 $0xFFFFC000  }
0x92: {  	[hbm4b:s20+s3] =	stream.linear.scatter [tilespmem:s22], [sflag:$0x4], $0x4000, $0x38;
	[tilespmem:$0x18200] =	vst v63  }
0x93: {  	_ =	swait.ge [sflag:s23], $0x4000  }
0x94: {  	s29 =	sadd.s32 $0x1, s29;
	s31 =	rddreg [dreg:$0x4]  }
0x95: {  	p0 =	sne.s32 s29, s31  }
.Ltmp1:
0x96: {  	_ = 	snop;
	(pc) =	sbr.rel @p0 .LBB2_1-.Ltmp1, $3  }
0x97: {  	_ =	sdelay $0x1  }
0x98: {  	[sflag:s23] =	ssyncset.done $0x0  }
0x99: {  	[sflag:s23] =	ssyncadd.s32 $0xFFFFC000  }
0x9a: {  	_ =	sfence.sel $0x180000  }
0x9b: {  	[bflag:$0x0] =	sbarrier.arrive $0xFFFF  }
0x9c: {  	_ =	strace $0x90000047  }
0x9d: {  	s0 =	stileid.u32;
	[bflag:$0x2] =	sbarrier.arrive $0xFFFF  }
0x9e: {  	p0 =	sne.s32 s0, $0x0;
	s0 =	rddreg [dreg:$0x3]  }
0x9f: {  	s0 =	sadd.s32 @!p0 $0x100000, s0  }
0xa0: {  	[sflag:s0] =	ssyncadd.tile.s32 @!p0 $0x1;
	_ =	shalt  }
.Lfunc_end2:
_tile_overlayer_lowered:
.L_overlay_start_2:
0xa1: {  	(tag) =	ssettag $0x2  }
0xa2: {  	s0 =	rddreg [dreg:$0x0];
	s2 =	stileid.u32  }
0xa3: {  	s1 =	rddreg [dreg:$0x1];
	p0 =	sne.s32 s2, $0x0  }
0xa4: {  	s3 =	rddreg [dreg:$0x2];
	[bflag:$0x3] =	sbarrier.arrive $0xFFFF;
	s2 =	simm.s32 @!p0 $0x1C04  }
0xa5: {  	[timem:s3], [sflag:s2] =	dma.local @!p0 [hbm:s0], s1  }
0xa6: {  	s0 =	simm.s32 @!p0 $0x4  }
0xa7: {  	_ =	swait.ge @!p0 [sflag:s0], s1  }
0xa8: {  	s1 =	ssub.s32 @!p0 $0x0, s1;
	[sflag:s0] =	ssyncset.done @!p0 $0x0  }
0xa9: {  	[sflag:s0] =	ssyncadd.s32 @!p0 s1  }
0xaa: {  	[bflag:$0x3] =	sbarrier.arrive $0xFFFF  }
0xab: {  	_ =	shalt  }

</sc_bundles>
